<compile_context>
chip_gen: v7x
topology: tpu7x:2x2x1
jax: 0.10.2.dev20260603
libtpu: 0.0.44.dev20260713+nightly
codegen_flags: <defaults>
</compile_context>

<pallas_src>
import functools

import jax
import jax.numpy as jnp
from jax import lax
from jax.experimental import pallas as pl
from jax.experimental.pallas import tpu as pltpu
from jax.experimental.pallas import tpu_sc as plsc

K_NN = 8
RADIUS = 0.5
BIG = 3.0e38
AGGW = 80


def _knn_block(pts_ref, kpt_ref, iw_ref, d0_ref):
    x = pts_ref[...]
    kpt = kpt_ref[0]
    x2 = jnp.sum(x * x, axis=1, keepdims=True)
    k2 = jnp.sum(kpt * kpt, axis=0, keepdims=True)
    xk = jnp.dot(x, kpt, preferred_element_type=jnp.float32)
    d2 = x2 - 2.0 * xk + k2

    iota_f = jax.lax.broadcasted_iota(jnp.int32, d2.shape, 1).astype(jnp.float32)
    d2m = d2
    idxs, djs = [], []
    for j in range(K_NN):
        mval = jnp.min(d2m, axis=1, keepdims=True)
        onehot = d2m == mval
        d2m = jnp.where(onehot, BIG, d2m)
        djs.append(mval)
        idxs.append(jnp.min(jnp.where(onehot, iota_f, BIG), axis=1, keepdims=True))
    djcat = jnp.maximum(jnp.concatenate(djs, axis=1), 0.0)
    d0_ref[...] = djcat[:, :1]
    wcat = 1.0 / (jnp.sqrt(djcat) + 1e-8)
    wcat = wcat / jnp.sum(wcat, axis=1, keepdims=True)
    iw_ref[...] = jnp.concatenate([wcat] + idxs, axis=1)


def _make_sc_agg(CH, K, NW):
    PW = CH // NW
    SUB = 128
    NCHUNK = AGGW // 16
    mesh = plsc.VectorSubcoreMesh(core_axis_name="c", subcore_axis_name="s")

    @functools.partial(
        pl.kernel, mesh=mesh,
        out_type=jax.ShapeDtypeStruct((CH, AGGW), jnp.float32),
        scratch_types=[
            pltpu.VMEM((K * AGGW,), jnp.float32),
            pltpu.VMEM((SUB, 16), jnp.float32),
            pltpu.VMEM((SUB, AGGW), jnp.float32),
        ],
    )
    def sc_agg(table_hbm, iw_hbm, agg_hbm, table_v, iw_v, out_v):
        info = plsc.get_sparse_core_info()
        nc = info.num_cores
        wid = lax.axis_index("s") * nc + lax.axis_index("c")
        pstart = wid * PW
        pltpu.sync_copy(table_hbm, table_v)

        def chunk(cc, _):
            base = pstart + cc * SUB
            pltpu.sync_copy(iw_hbm.at[pl.ds(base, SUB)], iw_v)

            def point(p, _):
                iw = iw_v[p, :]
                accs = [jnp.zeros((16,), jnp.float32) for _ in range(NCHUNK)]
                for j in range(K_NN):
                    wj = iw[j]
                    row = iw[K_NN + j].astype(jnp.int32)
                    off = row * AGGW
                    for c in range(NCHUNK):
                        g = table_v[pl.ds(off + 16 * c, 16)]
                        accs[c] = accs[c] + wj * g
                for c in range(NCHUNK):
                    out_v[p, pl.ds(16 * c, 16)] = accs[c]
                return 0

            lax.fori_loop(0, SUB, point, 0)
            pltpu.sync_copy(out_v, agg_hbm.at[pl.ds(base, SUB)])
            return 0

        lax.fori_loop(0, PW // SUB, chunk, 0)

    return sc_agg


def _head_block(agg_ref, pts_ref, dirs_ref, d0_ref,
                w1a_ref, w1b_ref, b1_ref, ws_ref, bs_ref,
                wra_ref, wrb_ref, brgb_ref, out_ref):
    D = w1a_ref.shape[0]
    agg = agg_ref[...]
    agg_f = agg[:, :D]
    agg_p = agg[:, D:D + 3]
    x = pts_ref[...]
    rel = x - agg_p
    h = jnp.dot(agg_f, w1a_ref[...], preferred_element_type=jnp.float32)
    h = h + jnp.dot(rel, w1b_ref[...], preferred_element_type=jnp.float32)
    h = jnp.maximum(h + b1_ref[...], 0.0)

    z = jnp.dot(h, ws_ref[...], preferred_element_type=jnp.float32) + bs_ref[...] - 1.0
    sigma = jnp.maximum(z, 0.0) + jnp.log(1.0 + jnp.exp(-jnp.abs(z)))

    dn = dirs_ref[...]
    nrm = jnp.sqrt(jnp.sum(dn * dn, axis=1, keepdims=True))
    dirs = dn / (nrm + 1e-8)
    zr = (jnp.dot(h, wra_ref[...], preferred_element_type=jnp.float32)
          + jnp.dot(dirs, wrb_ref[...], preferred_element_type=jnp.float32)
          + brgb_ref[...])
    rgb = 1.0 / (1.0 + jnp.exp(-zr))

    maskf = jnp.where(d0_ref[...] < RADIUS * RADIUS, 1.0, 0.0)
    out_ref[...] = jnp.concatenate([sigma, rgb], axis=1) * maskf


def kernel(x, ray_dir, kp_pos, kp_feat, W1, b1, w_sigma, b_sigma, W_rgb, b_rgb, sample):
    B, T, R, S, _ = x.shape
    P = T * R * S
    BP = B * P
    K = kp_pos.shape[1]
    D = kp_feat.shape[2]
    H = W1.shape[1]

    pts = x.reshape(BP, 3)
    kpt = jnp.transpose(kp_pos, (0, 2, 1))
    dirs = jnp.broadcast_to(ray_dir, (B, T, R, S, 3)).reshape(BP, 3)

    table = jnp.concatenate(
        [kp_feat, kp_pos,
         jnp.zeros((B, K, AGGW - D - 3), jnp.float32)], axis=2).reshape(B, K * AGGW)

    W1a = W1[:D]
    W1b = W1[D:]
    Wra = W_rgb[:H]
    Wrb = W_rgb[H:]
    b1r = b1.reshape(1, H)
    bsr = b_sigma.reshape(1, 1)
    brr = b_rgb.reshape(1, 3)

    NW = 32
    BLK = 256
    CPB = 2 if P % (2 * NW * 128) == 0 else 1
    CH = P // CPB
    nblk = CH // BLK
    sc_agg = _make_sc_agg(CH, K, NW)

    full = lambda shape: pl.BlockSpec(shape, lambda i: (0,) * len(shape))
    outs = []
    for b in range(B):
        for cc in range(CPB):
            lo = b * P + cc * CH
            pts_c = lax.slice(pts, (lo, 0), (lo + CH, 3))
            dirs_c = lax.slice(dirs, (lo, 0), (lo + CH, 3))

            iw, d0 = pl.pallas_call(
                _knn_block,
                grid=(nblk,),
                in_specs=[
                    pl.BlockSpec((BLK, 3), lambda i: (i, 0)),
                    pl.BlockSpec((1, 3, K), lambda i: (0, 0, 0)),
                ],
                out_specs=[
                    pl.BlockSpec((BLK, 16), lambda i: (i, 0)),
                    pl.BlockSpec((BLK, 1), lambda i: (i, 0)),
                ],
                out_shape=[
                    jax.ShapeDtypeStruct((CH, 16), jnp.float32),
                    jax.ShapeDtypeStruct((CH, 1), jnp.float32),
                ],
            )(pts_c, lax.slice(kpt, (b, 0, 0), (b + 1, 3, K)))

            agg = sc_agg(table[b], iw)

            out_c = pl.pallas_call(
                _head_block,
                grid=(CH // 512,),
                in_specs=[
                    pl.BlockSpec((512, AGGW), lambda i: (i, 0)),
                    pl.BlockSpec((512, 3), lambda i: (i, 0)),
                    pl.BlockSpec((512, 3), lambda i: (i, 0)),
                    pl.BlockSpec((512, 1), lambda i: (i, 0)),
                    full((D, H)), full((3, H)), full((1, H)),
                    full((H, 1)), full((1, 1)),
                    full((H, 3)), full((3, 3)), full((1, 3)),
                ],
                out_specs=pl.BlockSpec((512, 4), lambda i: (i, 0)),
                out_shape=jax.ShapeDtypeStruct((CH, 4), jnp.float32),
            )(agg, pts_c, dirs_c, d0, W1a, W1b, b1r, w_sigma, bsr, Wra, Wrb, brr)
            outs.append(out_c)

    out = jnp.concatenate(outs, axis=0)
    return out.reshape(B, T, R, S, 4)

# --- scband reference (transcript-rebuilt; emitter-appended) ---
"""Pipeline reference for scband-field-5188320494479 (READ-ONLY COPY).

The authoritative reference and input builder live on the scoring server;
editing this copy changes nothing except your own understanding.
"""

import jax, jax.numpy as jnp
import numpy as np

K_NN = 8
RADIUS = 0.5


def setup_inputs(seed: int = 0) -> dict:
    key = jax.random.key(seed)
    ks = jax.random.split(key, 8)
    B, T, R, S = 2, 1, 1024, 32
    K, D, H = 1024, 64, 128
    x = jax.random.uniform(ks[0], (B, T, R, S, 3), dtype=jnp.float32)
    ray_dir = jax.random.normal(ks[1], (B, T, R, 1, 3), dtype=jnp.float32)
    kp_pos = jax.random.uniform(ks[2], (B, K, 3), dtype=jnp.float32)
    kp_feat = jax.random.normal(ks[3], (B, K, D), dtype=jnp.float32)
    W1 = jax.random.normal(ks[4], (D + 3, H), dtype=jnp.float32) * (1.0 / np.sqrt(D + 3))
    b1 = jnp.zeros((H,), dtype=jnp.float32)
    w_sigma = jax.random.normal(ks[5], (H, 1), dtype=jnp.float32) * (1.0 / np.sqrt(H))
    b_sigma = jnp.zeros((1,), dtype=jnp.float32)
    W_rgb = jax.random.normal(ks[6], (H + 3, 3), dtype=jnp.float32) * (1.0 / np.sqrt(H + 3))
    b_rgb = jnp.zeros((3,), dtype=jnp.float32)
    return {
        'x': x, 'ray_dir': ray_dir, 'kp_pos': kp_pos, 'kp_feat': kp_feat,
        'W1': W1, 'b1': b1, 'w_sigma': w_sigma, 'b_sigma': b_sigma,
        'W_rgb': W_rgb, 'b_rgb': b_rgb, 'sample': False,
    }


def reference(x, ray_dir, kp_pos, kp_feat, W1, b1, w_sigma, b_sigma, W_rgb, b_rgb, sample):
    B, T, R, S, _ = x.shape
    P = T * R * S
    pts = x.reshape(B, P, 3)
    # --- aggregator.get_local_feat: kNN retrieval of keypoints for each shading point ---
    x2 = jnp.sum(pts * pts, axis=-1, keepdims=True)
    k2 = jnp.sum(kp_pos * kp_pos, axis=-1)[:, None, :]
    d2 = x2 - 2.0 * jnp.einsum('bpd,bkd->bpk', pts, kp_pos) + k2  # [B, P, K]
    neg, idx = jax.lax.top_k(-d2, K_NN)  # nearest K_NN keypoints
    d2k = jnp.maximum(-neg, 0.0)  # [B, P, k]
    # inverse-distance weights, normalized
    w = 1.0 / (jnp.sqrt(d2k) + 1e-8)
    w = w / jnp.sum(w, axis=-1, keepdims=True)
    feats = jax.vmap(lambda f, i: f[i])(kp_feat, idx)  # [B, P, k, D] gather
    pos_k = jax.vmap(lambda p, i: p[i])(kp_pos, idx)   # [B, P, k, 3] gather
    rel = pts[:, :, None, :] - pos_k
    local = jnp.concatenate([feats, rel], axis=-1)     # local_feat
    # --- aggregator.aggregate_local_feat: weighted sum over neighbors ---
    agg = jnp.sum(w[..., None] * local, axis=2)        # [B, P, D+3]
    h = jax.nn.relu(agg @ W1 + b1)                     # hid_dim feat
    # --- get_shape + shape_act (nerf=True -> softplus(x - 1)) ---
    sigma = jax.nn.softplus((h @ w_sigma + b_sigma) - 1.0)
    # validity mask: nearest keypoint within aggregator radius (scatter_shape: zeros elsewhere)
    mask = (d2k[..., 0] < RADIUS * RADIUS)[..., None]
    # --- get_channels with view direction, then sigmoid ---
    dirs = ray_dir / (jnp.linalg.norm(ray_dir, axis=-1, keepdims=True) + 1e-8)
    dirs = jnp.broadcast_to(dirs, (B, T, R, S, 3)).reshape(B, P, 3)
    rgb = jax.nn.sigmoid(jnp.concatenate([h, dirs], axis=-1) @ W_rgb + b_rgb)
    sigma = jnp.where(mask, sigma, 0.0)
    rgb = jnp.where(mask, rgb, 0.0)
    out = jnp.concatenate([sigma, rgb], axis=-1).reshape(B, T, R, S, 4)
    return out

if __name__ == "__main__":
    import jax
    _d = setup_inputs()
    print(jax.jit(kernel)(*tuple(_d.values())))

</pallas_src>

<mosaic_0001>
#map = affine_map<(d0, d1) -> (0)>
#map1 = affine_map<(d0, d1) -> (0, 0)>
module attributes {stable_mosaic.version = 14 : i64} {
  func.func @sc_agg(%arg0: i32, %arg1: i32, %arg2: memref<81920xf32, #tpu.memory_space<hbm>>, %arg3: memref<16384x16xf32, #tpu.memory_space<hbm>>, %arg4: memref<16384x80xf32, #tpu.memory_space<hbm>>, %arg5: memref<81920xf32, #tpu.memory_space<vmem>>, %arg6: memref<128x16xf32, #tpu.memory_space<vmem>>, %arg7: memref<128x80xf32, #tpu.memory_space<vmem>>) attributes {dimension_semantics = [#tpu.dimension_semantics<core_parallel>, #tpu.dimension_semantics<subcore_parallel>], iteration_bounds = array<i64: 2, 16>, scalar_prefetch = 0 : i64, scratch_operands = 3 : i64, tpu.core_type = #tpu.core_type<sc_vector_subcore>, window_params = [{transform_indices = #map}, {transform_indices = #map1}, {transform_indices = #map1}]} {
    %mul3A = arith.constant 2 : i32
    %mul3A_0 = arith.muli %arg1, %mul3A : i32
    %add3A = arith.addi %mul3A_0, %arg0 : i32
    %mul3A_1 = arith.constant 512 : i32
    %mul3A_2 = arith.muli %add3A, %mul3A_1 : i32
    "tpu.region"() ({
      %run_scoped3A = tpu.sem_alloc : memref<!tpu.dma_semaphore, #tpu.memory_space<semaphore_mem>>
      tpu.enqueue_dma source(%arg2 : memref<81920xf32, #tpu.memory_space<hbm>>) target(%arg5 : memref<81920xf32, #tpu.memory_space<vmem>>) target_semaphore(%run_scoped3A : memref<!tpu.dma_semaphore, #tpu.memory_space<semaphore_mem>>)
      tpu.wait_dma2 semaphore(%run_scoped3A : memref<!tpu.dma_semaphore, #tpu.memory_space<semaphore_mem>>) src(%arg2 : memref<81920xf32, #tpu.memory_space<hbm>>) dst(%arg5 : memref<81920xf32, #tpu.memory_space<vmem>>)
      tpu.yield
    }) : () -> ()
    %scan3A = arith.constant 0 : i32
    %scan3A_3 = arith.constant 0 : i32
    %scan3A_4 = arith.constant 4 : i32
    %scan3A_5 = arith.addi %scan3A_3, %scan3A_4 : i32
    %scan3A_6 = arith.constant 1 : i32
    %scan3A_7 = scf.for %scan3A_9 = %scan3A_3 to %scan3A_5 step %scan3A_6 iter_args(%scan3A_10 = %scan3A) -> (i32)  : i32 {
      %mul3A_11 = arith.constant 128 : i32
      %mul3A_12 = arith.muli %scan3A_9, %mul3A_11 : i32
      %add3A_13 = arith.addi %mul3A_2, %mul3A_12 : i32
      "tpu.region"() ({
        %run_scoped3A = tpu.sem_alloc : memref<!tpu.dma_semaphore, #tpu.memory_space<semaphore_mem>>
        %dma_start3A = arith.constant 0 : i32
        %dma_start3A_22 = tpu.memref_slice %arg3[%add3A_13, %dma_start3A] : memref<16384x16xf32, #tpu.memory_space<hbm>> -> memref<128x16xf32, #tpu.memory_space<hbm>>
        %dma_start3A_23 = arith.constant 0 : i32
        %dma_start3A_24 = tpu.memref_slice %arg3[%add3A_13, %dma_start3A_23] : memref<16384x16xf32, #tpu.memory_space<hbm>> -> memref<128x16xf32, #tpu.memory_space<hbm>>
        tpu.enqueue_dma source(%dma_start3A_24 : memref<128x16xf32, #tpu.memory_space<hbm>>) target(%arg6 : memref<128x16xf32, #tpu.memory_space<vmem>>) target_semaphore(%run_scoped3A : memref<!tpu.dma_semaphore, #tpu.memory_space<semaphore_mem>>)
        %dma_wait3A = arith.constant 0 : i32
        %dma_wait3A_25 = tpu.memref_slice %arg3[%add3A_13, %dma_wait3A] : memref<16384x16xf32, #tpu.memory_space<hbm>> -> memref<128x16xf32, #tpu.memory_space<hbm>>
        %dma_wait3A_26 = arith.constant 0 : i32
        %dma_wait3A_27 = tpu.memref_slice %arg3[%add3A_13, %dma_wait3A_26] : memref<16384x16xf32, #tpu.memory_space<hbm>> -> memref<128x16xf32, #tpu.memory_space<hbm>>
        tpu.wait_dma2 semaphore(%run_scoped3A : memref<!tpu.dma_semaphore, #tpu.memory_space<semaphore_mem>>) src(%dma_wait3A_27 : memref<128x16xf32, #tpu.memory_space<hbm>>) dst(%arg6 : memref<128x16xf32, #tpu.memory_space<vmem>>)
        tpu.yield
      }) : () -> ()
      %scan3A_14 = arith.constant 0 : i32
      %scan3A_15 = arith.constant 0 : i32
      %scan3A_16 = arith.constant 128 : i32
      %scan3A_17 = arith.addi %scan3A_15, %scan3A_16 : i32
      %scan3A_18 = arith.constant 1 : i32
      %scan3A_19 = scf.for %scan3A_22 = %scan3A_15 to %scan3A_17 step %scan3A_18 iter_args(%scan3A_23 = %scan3A_14) -> (i32)  : i32 {
        %get3A = arith.index_cast %scan3A_22 : i32 to index
        %get3A_24 = arith.constant 0 : index
        %get3A_25 = tpu.vector_load %arg6[%get3A, %get3A_24] {strides = array<i32>} : memref<128x16xf32, #tpu.memory_space<vmem>>, vector<1x16xf32>,
        %get3A_26 = vector.shape_cast %get3A_25 : vector<1x16xf32> to vector<16xf32>
        %broadcast_in_dim3A = arith.constant 0.000000e+00 : f32
        %broadcast_in_dim3A_27 = vector.broadcast %broadcast_in_dim3A : f32 to vector<16xf32>
        %broadcast_in_dim3A_28 = arith.constant 0.000000e+00 : f32
        %broadcast_in_dim3A_29 = vector.broadcast %broadcast_in_dim3A_28 : f32 to vector<16xf32>
        %broadcast_in_dim3A_30 = arith.constant 0.000000e+00 : f32
        %broadcast_in_dim3A_31 = vector.broadcast %broadcast_in_dim3A_30 : f32 to vector<16xf32>
        %broadcast_in_dim3A_32 = arith.constant 0.000000e+00 : f32
        %broadcast_in_dim3A_33 = vector.broadcast %broadcast_in_dim3A_32 : f32 to vector<16xf32>
        %broadcast_in_dim3A_34 = arith.constant 0.000000e+00 : f32
        %broadcast_in_dim3A_35 = vector.broadcast %broadcast_in_dim3A_34 : f32 to vector<16xf32>
        %slice3A = vector.extract_strided_slice %get3A_26 {offsets = [0], sizes = [1], strides = [1]} : vector<16xf32> to vector<1xf32>
        %squeeze3A = vector.extract %slice3A[0] : f32 from vector<1xf32>
        %slice3A_36 = vector.extract_strided_slice %get3A_26 {offsets = [8], sizes = [1], strides = [1]} : vector<16xf32> to vector<1xf32>
        %squeeze3A_37 = vector.extract %slice3A_36[0] : f32 from vector<1xf32>
        %convert_element_type3A = arith.fptosi %squeeze3A_37 : f32 to i32
        %mul3A_38 = arith.constant 80 : i32
        %mul3A_39 = arith.muli %convert_element_type3A, %mul3A_38 : i32
        %add3A_40 = arith.constant 0 : i32
        %add3A_41 = arith.addi %mul3A_39, %add3A_40 : i32
        %get3A_42 = arith.index_cast %add3A_41 : i32 to index
        %get3A_43 = tpu.vector_load %arg5[%get3A_42] {strides = array<i32>} : memref<81920xf32, #tpu.memory_space<vmem>>, vector<16xf32>,
        %get3A_44 = vector.shape_cast %get3A_43 : vector<16xf32> to vector<16xf32>
        %mul3A_45 = vector.broadcast %squeeze3A : f32 to vector<16xf32>
        %mul3A_46 = arith.mulf %mul3A_45, %get3A_44 : vector<16xf32>
        %add3A_47 = arith.addf %broadcast_in_dim3A_27, %mul3A_46 : vector<16xf32>
        %add3A_48 = arith.constant 16 : i32
        %add3A_49 = arith.addi %mul3A_39, %add3A_48 : i32
        %get3A_50 = arith.index_cast %add3A_49 : i32 to index
        %get3A_51 = tpu.vector_load %arg5[%get3A_50] {strides = array<i32>} : memref<81920xf32, #tpu.memory_space<vmem>>, vector<16xf32>,
        %get3A_52 = vector.shape_cast %get3A_51 : vector<16xf32> to vector<16xf32>
        %mul3A_53 = vector.broadcast %squeeze3A : f32 to vector<16xf32>
        %mul3A_54 = arith.mulf %mul3A_53, %get3A_52 : vector<16xf32>
        %add3A_55 = arith.addf %broadcast_in_dim3A_29, %mul3A_54 : vector<16xf32>
        %add3A_56 = arith.constant 32 : i32
        %add3A_57 = arith.addi %mul3A_39, %add3A_56 : i32
        %get3A_58 = arith.index_cast %add3A_57 : i32 to index
        %get3A_59 = tpu.vector_load %arg5[%get3A_58] {strides = array<i32>} : memref<81920xf32, #tpu.memory_space<vmem>>, vector<16xf32>,
        %get3A_60 = vector.shape_cast %get3A_59 : vector<16xf32> to vector<16xf32>
        %mul3A_61 = vector.broadcast %squeeze3A : f32 to vector<16xf32>
        %mul3A_62 = arith.mulf %mul3A_61, %get3A_60 : vector<16xf32>
        %add3A_63 = arith.addf %broadcast_in_dim3A_31, %mul3A_62 : vector<16xf32>
        %add3A_64 = arith.constant 48 : i32
        %add3A_65 = arith.addi %mul3A_39, %add3A_64 : i32
        %get3A_66 = arith.index_cast %add3A_65 : i32 to index
        %get3A_67 = tpu.vector_load %arg5[%get3A_66] {strides = array<i32>} : memref<81920xf32, #tpu.memory_space<vmem>>, vector<16xf32>,
        %get3A_68 = vector.shape_cast %get3A_67 : vector<16xf32> to vector<16xf32>
        %mul3A_69 = vector.broadcast %squeeze3A : f32 to vector<16xf32>
        %mul3A_70 = arith.mulf %mul3A_69, %get3A_68 : vector<16xf32>
        %add3A_71 = arith.addf %broadcast_in_dim3A_33, %mul3A_70 : vector<16xf32>
        %add3A_72 = arith.constant 64 : i32
        %add3A_73 = arith.addi %mul3A_39, %add3A_72 : i32
        %get3A_74 = arith.index_cast %add3A_73 : i32 to index
        %get3A_75 = tpu.vector_load %arg5[%get3A_74] {strides = array<i32>} : memref<81920xf32, #tpu.memory_space<vmem>>, vector<16xf32>,
        %get3A_76 = vector.shape_cast %get3A_75 : vector<16xf32> to vector<16xf32>
        %mul3A_77 = vector.broadcast %squeeze3A : f32 to vector<16xf32>
        %mul3A_78 = arith.mulf %mul3A_77, %get3A_76 : vector<16xf32>
        %add3A_79 = arith.addf %broadcast_in_dim3A_35, %mul3A_78 : vector<16xf32>
        %slice3A_80 = vector.extract_strided_slice %get3A_26 {offsets = [1], sizes = [1], strides = [1]} : vector<16xf32> to vector<1xf32>
        %squeeze3A_81 = vector.extract %slice3A_80[0] : f32 from vector<1xf32>
        %slice3A_82 = vector.extract_strided_slice %get3A_26 {offsets = [9], sizes = [1], strides = [1]} : vector<16xf32> to vector<1xf32>
        %squeeze3A_83 = vector.extract %slice3A_82[0] : f32 from vector<1xf32>
        %convert_element_type3A_84 = arith.fptosi %squeeze3A_83 : f32 to i32
        %mul3A_85 = arith.constant 80 : i32
        %mul3A_86 = arith.muli %convert_element_type3A_84, %mul3A_85 : i32
        %add3A_87 = arith.constant 0 : i32
        %add3A_88 = arith.addi %mul3A_86, %add3A_87 : i32
        %get3A_89 = arith.index_cast %add3A_88 : i32 to index
        %get3A_90 = tpu.vector_load %arg5[%get3A_89] {strides = array<i32>} : memref<81920xf32, #tpu.memory_space<vmem>>, vector<16xf32>,
        %get3A_91 = vector.shape_cast %get3A_90 : vector<16xf32> to vector<16xf32>
        %mul3A_92 = vector.broadcast %squeeze3A_81 : f32 to vector<16xf32>
        %mul3A_93 = arith.mulf %mul3A_92, %get3A_91 : vector<16xf32>
        %add3A_94 = arith.addf %add3A_47, %mul3A_93 : vector<16xf32>
        %add3A_95 = arith.constant 16 : i32
        %add3A_96 = arith.addi %mul3A_86, %add3A_95 : i32
        %get3A_97 = arith.index_cast %add3A_96 : i32 to index
        %get3A_98 = tpu.vector_load %arg5[%get3A_97] {strides = array<i32>} : memref<81920xf32, #tpu.memory_space<vmem>>, vector<16xf32>,
        %get3A_99 = vector.shape_cast %get3A_98 : vector<16xf32> to vector<16xf32>
        %mul3A_100 = vector.broadcast %squeeze3A_81 : f32 to vector<16xf32>
        %mul3A_101 = arith.mulf %mul3A_100, %get3A_99 : vector<16xf32>
        %add3A_102 = arith.addf %add3A_55, %mul3A_101 : vector<16xf32>
        %add3A_103 = arith.constant 32 : i32
        %add3A_104 = arith.addi %mul3A_86, %add3A_103 : i32
        %get3A_105 = arith.index_cast %add3A_104 : i32 to index
        %get3A_106 = tpu.vector_load %arg5[%get3A_105] {strides = array<i32>} : memref<81920xf32, #tpu.memory_space<vmem>>, vector<16xf32>,
        %get3A_107 = vector.shape_cast %get3A_106 : vector<16xf32> to vector<16xf32>
        %mul3A_108 = vector.broadcast %squeeze3A_81 : f32 to vector<16xf32>
        %mul3A_109 = arith.mulf %mul3A_108, %get3A_107 : vector<16xf32>
        %add3A_110 = arith.addf %add3A_63, %mul3A_109 : vector<16xf32>
        %add3A_111 = arith.constant 48 : i32
        %add3A_112 = arith.addi %mul3A_86, %add3A_111 : i32
        %get3A_113 = arith.index_cast %add3A_112 : i32 to index
        %get3A_114 = tpu.vector_load %arg5[%get3A_113] {strides = array<i32>} : memref<81920xf32, #tpu.memory_space<vmem>>, vector<16xf32>,
        %get3A_115 = vector.shape_cast %get3A_114 : vector<16xf32> to vector<16xf32>
        %mul3A_116 = vector.broadcast %squeeze3A_81 : f32 to vector<16xf32>
        %mul3A_117 = arith.mulf %mul3A_116, %get3A_115 : vector<16xf32>
        %add3A_118 = arith.addf %add3A_71, %mul3A_117 : vector<16xf32>
        %add3A_119 = arith.constant 64 : i32
        %add3A_120 = arith.addi %mul3A_86, %add3A_119 : i32
        %get3A_121 = arith.index_cast %add3A_120 : i32 to index
        %get3A_122 = tpu.vector_load %arg5[%get3A_121] {strides = array<i32>} : memref<81920xf32, #tpu.memory_space<vmem>>, vector<16xf32>,
        %get3A_123 = vector.shape_cast %get3A_122 : vector<16xf32> to vector<16xf32>
        %mul3A_124 = vector.broadcast %squeeze3A_81 : f32 to vector<16xf32>
        %mul3A_125 = arith.mulf %mul3A_124, %get3A_123 : vector<16xf32>
        %add3A_126 = arith.addf %add3A_79, %mul3A_125 : vector<16xf32>
        %slice3A_127 = vector.extract_strided_slice %get3A_26 {offsets = [2], sizes = [1], strides = [1]} : vector<16xf32> to vector<1xf32>
        %squeeze3A_128 = vector.extract %slice3A_127[0] : f32 from vector<1xf32>
        %slice3A_129 = vector.extract_strided_slice %get3A_26 {offsets = [10], sizes = [1], strides = [1]} : vector<16xf32> to vector<1xf32>
        %squeeze3A_130 = vector.extract %slice3A_129[0] : f32 from vector<1xf32>
        %convert_element_type3A_131 = arith.fptosi %squeeze3A_130 : f32 to i32
        %mul3A_132 = arith.constant 80 : i32
        %mul3A_133 = arith.muli %convert_element_type3A_131, %mul3A_132 : i32
        %add3A_134 = arith.constant 0 : i32
        %add3A_135 = arith.addi %mul3A_133, %add3A_134 : i32
        %get3A_136 = arith.index_cast %add3A_135 : i32 to index
        %get3A_137 = tpu.vector_load %arg5[%get3A_136] {strides = array<i32>} : memref<81920xf32, #tpu.memory_space<vmem>>, vector<16xf32>,
        %get3A_138 = vector.shape_cast %get3A_137 : vector<16xf32> to vector<16xf32>
        %mul3A_139 = vector.broadcast %squeeze3A_128 : f32 to vector<16xf32>
        %mul3A_140 = arith.mulf %mul3A_139, %get3A_138 : vector<16xf32>
        %add3A_141 = arith.addf %add3A_94, %mul3A_140 : vector<16xf32>
        %add3A_142 = arith.constant 16 : i32
        %add3A_143 = arith.addi %mul3A_133, %add3A_142 : i32
        %get3A_144 = arith.index_cast %add3A_143 : i32 to index
        %get3A_145 = tpu.vector_load %arg5[%get3A_144] {strides = array<i32>} : memref<81920xf32, #tpu.memory_space<vmem>>, vector<16xf32>,
        %get3A_146 = vector.shape_cast %get3A_145 : vector<16xf32> to vector<16xf32>
        %mul3A_147 = vector.broadcast %squeeze3A_128 : f32 to vector<16xf32>
        %mul3A_148 = arith.mulf %mul3A_147, %get3A_146 : vector<16xf32>
        %add3A_149 = arith.addf %add3A_102, %mul3A_148 : vector<16xf32>
        %add3A_150 = arith.constant 32 : i32
        %add3A_151 = arith.addi %mul3A_133, %add3A_150 : i32
        %get3A_152 = arith.index_cast %add3A_151 : i32 to index
        %get3A_153 = tpu.vector_load %arg5[%get3A_152] {strides = array<i32>} : memref<81920xf32, #tpu.memory_space<vmem>>, vector<16xf32>,
        %get3A_154 = vector.shape_cast %get3A_153 : vector<16xf32> to vector<16xf32>
        %mul3A_155 = vector.broadcast %squeeze3A_128 : f32 to vector<16xf32>
        %mul3A_156 = arith.mulf %mul3A_155, %get3A_154 : vector<16xf32>
        %add3A_157 = arith.addf %add3A_110, %mul3A_156 : vector<16xf32>
        %add3A_158 = arith.constant 48 : i32
        %add3A_159 = arith.addi %mul3A_133, %add3A_158 : i32
        %get3A_160 = arith.index_cast %add3A_159 : i32 to index
        %get3A_161 = tpu.vector_load %arg5[%get3A_160] {strides = array<i32>} : memref<81920xf32, #tpu.memory_space<vmem>>, vector<16xf32>,
        %get3A_162 = vector.shape_cast %get3A_161 : vector<16xf32> to vector<16xf32>
        %mul3A_163 = vector.broadcast %squeeze3A_128 : f32 to vector<16xf32>
        %mul3A_164 = arith.mulf %mul3A_163, %get3A_162 : vector<16xf32>
        %add3A_165 = arith.addf %add3A_118, %mul3A_164 : vector<16xf32>
        %add3A_166 = arith.constant 64 : i32
        %add3A_167 = arith.addi %mul3A_133, %add3A_166 : i32
        %get3A_168 = arith.index_cast %add3A_167 : i32 to index
        %get3A_169 = tpu.vector_load %arg5[%get3A_168] {strides = array<i32>} : memref<81920xf32, #tpu.memory_space<vmem>>, vector<16xf32>,
        %get3A_170 = vector.shape_cast %get3A_169 : vector<16xf32> to vector<16xf32>
        %mul3A_171 = vector.broadcast %squeeze3A_128 : f32 to vector<16xf32>
        %mul3A_172 = arith.mulf %mul3A_171, %get3A_170 : vector<16xf32>
        %add3A_173 = arith.addf %add3A_126, %mul3A_172 : vector<16xf32>
        %slice3A_174 = vector.extract_strided_slice %get3A_26 {offsets = [3], sizes = [1], strides = [1]} : vector<16xf32> to vector<1xf32>
        %squeeze3A_175 = vector.extract %slice3A_174[0] : f32 from vector<1xf32>
        %slice3A_176 = vector.extract_strided_slice %get3A_26 {offsets = [11], sizes = [1], strides = [1]} : vector<16xf32> to vector<1xf32>
        %squeeze3A_177 = vector.extract %slice3A_176[0] : f32 from vector<1xf32>
        %convert_element_type3A_178 = arith.fptosi %squeeze3A_177 : f32 to i32
        %mul3A_179 = arith.constant 80 : i32
        %mul3A_180 = arith.muli %convert_element_type3A_178, %mul3A_179 : i32
        %add3A_181 = arith.constant 0 : i32
        %add3A_182 = arith.addi %mul3A_180, %add3A_181 : i32
        %get3A_183 = arith.index_cast %add3A_182 : i32 to index
        %get3A_184 = tpu.vector_load %arg5[%get3A_183] {strides = array<i32>} : memref<81920xf32, #tpu.memory_space<vmem>>, vector<16xf32>,
        %get3A_185 = vector.shape_cast %get3A_184 : vector<16xf32> to vector<16xf32>
        %mul3A_186 = vector.broadcast %squeeze3A_175 : f32 to vector<16xf32>
        %mul3A_187 = arith.mulf %mul3A_186, %get3A_185 : vector<16xf32>
        %add3A_188 = arith.addf %add3A_141, %mul3A_187 : vector<16xf32>
        %add3A_189 = arith.constant 16 : i32
        %add3A_190 = arith.addi %mul3A_180, %add3A_189 : i32
        %get3A_191 = arith.index_cast %add3A_190 : i32 to index
        %get3A_192 = tpu.vector_load %arg5[%get3A_191] {strides = array<i32>} : memref<81920xf32, #tpu.memory_space<vmem>>, vector<16xf32>,
        %get3A_193 = vector.shape_cast %get3A_192 : vector<16xf32> to vector<16xf32>
        %mul3A_194 = vector.broadcast %squeeze3A_175 : f32 to vector<16xf32>
        %mul3A_195 = arith.mulf %mul3A_194, %get3A_193 : vector<16xf32>
        %add3A_196 = arith.addf %add3A_149, %mul3A_195 : vector<16xf32>
        %add3A_197 = arith.constant 32 : i32
        %add3A_198 = arith.addi %mul3A_180, %add3A_197 : i32
        %get3A_199 = arith.index_cast %add3A_198 : i32 to index
        %get3A_200 = tpu.vector_load %arg5[%get3A_199] {strides = array<i32>} : memref<81920xf32, #tpu.memory_space<vmem>>, vector<16xf32>,
        %get3A_201 = vector.shape_cast %get3A_200 : vector<16xf32> to vector<16xf32>
        %mul3A_202 = vector.broadcast %squeeze3A_175 : f32 to vector<16xf32>
        %mul3A_203 = arith.mulf %mul3A_202, %get3A_201 : vector<16xf32>
        %add3A_204 = arith.addf %add3A_157, %mul3A_203 : vector<16xf32>
        %add3A_205 = arith.constant 48 : i32
        %add3A_206 = arith.addi %mul3A_180, %add3A_205 : i32
        %get3A_207 = arith.index_cast %add3A_206 : i32 to index
        %get3A_208 = tpu.vector_load %arg5[%get3A_207] {strides = array<i32>} : memref<81920xf32, #tpu.memory_space<vmem>>, vector<16xf32>,
        %get3A_209 = vector.shape_cast %get3A_208 : vector<16xf32> to vector<16xf32>
        %mul3A_210 = vector.broadcast %squeeze3A_175 : f32 to vector<16xf32>
        %mul3A_211 = arith.mulf %mul3A_210, %get3A_209 : vector<16xf32>
        %add3A_212 = arith.addf %add3A_165, %mul3A_211 : vector<16xf32>
        %add3A_213 = arith.constant 64 : i32
        %add3A_214 = arith.addi %mul3A_180, %add3A_213 : i32
        %get3A_215 = arith.index_cast %add3A_214 : i32 to index
        %get3A_216 = tpu.vector_load %arg5[%get3A_215] {strides = array<i32>} : memref<81920xf32, #tpu.memory_space<vmem>>, vector<16xf32>,
        %get3A_217 = vector.shape_cast %get3A_216 : vector<16xf32> to vector<16xf32>
        %mul3A_218 = vector.broadcast %squeeze3A_175 : f32 to vector<16xf32>
        %mul3A_219 = arith.mulf %mul3A_218, %get3A_217 : vector<16xf32>
        %add3A_220 = arith.addf %add3A_173, %mul3A_219 : vector<16xf32>
        %slice3A_221 = vector.extract_strided_slice %get3A_26 {offsets = [4], sizes = [1], strides = [1]} : vector<16xf32> to vector<1xf32>
        %squeeze3A_222 = vector.extract %slice3A_221[0] : f32 from vector<1xf32>
        %slice3A_223 = vector.extract_strided_slice %get3A_26 {offsets = [12], sizes = [1], strides = [1]} : vector<16xf32> to vector<1xf32>
        %squeeze3A_224 = vector.extract %slice3A_223[0] : f32 from vector<1xf32>
        %convert_element_type3A_225 = arith.fptosi %squeeze3A_224 : f32 to i32
        %mul3A_226 = arith.constant 80 : i32
        %mul3A_227 = arith.muli %convert_element_type3A_225, %mul3A_226 : i32
        %add3A_228 = arith.constant 0 : i32
        %add3A_229 = arith.addi %mul3A_227, %add3A_228 : i32
        %get3A_230 = arith.index_cast %add3A_229 : i32 to index
        %get3A_231 = tpu.vector_load %arg5[%get3A_230] {strides = array<i32>} : memref<81920xf32, #tpu.memory_space<vmem>>, vector<16xf32>,
        %get3A_232 = vector.shape_cast %get3A_231 : vector<16xf32> to vector<16xf32>
        %mul3A_233 = vector.broadcast %squeeze3A_222 : f32 to vector<16xf32>
        %mul3A_234 = arith.mulf %mul3A_233, %get3A_232 : vector<16xf32>
        %add3A_235 = arith.addf %add3A_188, %mul3A_234 : vector<16xf32>
        %add3A_236 = arith.constant 16 : i32
        %add3A_237 = arith.addi %mul3A_227, %add3A_236 : i32
        %get3A_238 = arith.index_cast %add3A_237 : i32 to index
        %get3A_239 = tpu.vector_load %arg5[%get3A_238] {strides = array<i32>} : memref<81920xf32, #tpu.memory_space<vmem>>, vector<16xf32>,
        %get3A_240 = vector.shape_cast %get3A_239 : vector<16xf32> to vector<16xf32>
        %mul3A_241 = vector.broadcast %squeeze3A_222 : f32 to vector<16xf32>
        %mul3A_242 = arith.mulf %mul3A_241, %get3A_240 : vector<16xf32>
        %add3A_243 = arith.addf %add3A_196, %mul3A_242 : vector<16xf32>
        %add3A_244 = arith.constant 32 : i32
        %add3A_245 = arith.addi %mul3A_227, %add3A_244 : i32
        %get3A_246 = arith.index_cast %add3A_245 : i32 to index
        %get3A_247 = tpu.vector_load %arg5[%get3A_246] {strides = array<i32>} : memref<81920xf32, #tpu.memory_space<vmem>>, vector<16xf32>,
        %get3A_248 = vector.shape_cast %get3A_247 : vector<16xf32> to vector<16xf32>
        %mul3A_249 = vector.broadcast %squeeze3A_222 : f32 to vector<16xf32>
        %mul3A_250 = arith.mulf %mul3A_249, %get3A_248 : vector<16xf32>
        %add3A_251 = arith.addf %add3A_204, %mul3A_250 : vector<16xf32>
        %add3A_252 = arith.constant 48 : i32
        %add3A_253 = arith.addi %mul3A_227, %add3A_252 : i32
        %get3A_254 = arith.index_cast %add3A_253 : i32 to index
        %get3A_255 = tpu.vector_load %arg5[%get3A_254] {strides = array<i32>} : memref<81920xf32, #tpu.memory_space<vmem>>, vector<16xf32>,
        %get3A_256 = vector.shape_cast %get3A_255 : vector<16xf32> to vector<16xf32>
        %mul3A_257 = vector.broadcast %squeeze3A_222 : f32 to vector<16xf32>
        %mul3A_258 = arith.mulf %mul3A_257, %get3A_256 : vector<16xf32>
        %add3A_259 = arith.addf %add3A_212, %mul3A_258 : vector<16xf32>
        %add3A_260 = arith.constant 64 : i32
        %add3A_261 = arith.addi %mul3A_227, %add3A_260 : i32
        %get3A_262 = arith.index_cast %add3A_261 : i32 to index
        %get3A_263 = tpu.vector_load %arg5[%get3A_262] {strides = array<i32>} : memref<81920xf32, #tpu.memory_space<vmem>>, vector<16xf32>,
        %get3A_264 = vector.shape_cast %get3A_263 : vector<16xf32> to vector<16xf32>
        %mul3A_265 = vector.broadcast %squeeze3A_222 : f32 to vector<16xf32>
        %mul3A_266 = arith.mulf %mul3A_265, %get3A_264 : vector<16xf32>
        %add3A_267 = arith.addf %add3A_220, %mul3A_266 : vector<16xf32>
        %slice3A_268 = vector.extract_strided_slice %get3A_26 {offsets = [5], sizes = [1], strides = [1]} : vector<16xf32> to vector<1xf32>
        %squeeze3A_269 = vector.extract %slice3A_268[0] : f32 from vector<1xf32>
        %slice3A_270 = vector.extract_strided_slice %get3A_26 {offsets = [13], sizes = [1], strides = [1]} : vector<16xf32> to vector<1xf32>
        %squeeze3A_271 = vector.extract %slice3A_270[0] : f32 from vector<1xf32>
        %convert_element_type3A_272 = arith.fptosi %squeeze3A_271 : f32 to i32
        %mul3A_273 = arith.constant 80 : i32
        %mul3A_274 = arith.muli %convert_element_type3A_272, %mul3A_273 : i32
        %add3A_275 = arith.constant 0 : i32
        %add3A_276 = arith.addi %mul3A_274, %add3A_275 : i32
        %get3A_277 = arith.index_cast %add3A_276 : i32 to index
        %get3A_278 = tpu.vector_load %arg5[%get3A_277] {strides = array<i32>} : memref<81920xf32, #tpu.memory_space<vmem>>, vector<16xf32>,
        %get3A_279 = vector.shape_cast %get3A_278 : vector<16xf32> to vector<16xf32>
        %mul3A_280 = vector.broadcast %squeeze3A_269 : f32 to vector<16xf32>
        %mul3A_281 = arith.mulf %mul3A_280, %get3A_279 : vector<16xf32>
        %add3A_282 = arith.addf %add3A_235, %mul3A_281 : vector<16xf32>
        %add3A_283 = arith.constant 16 : i32
        %add3A_284 = arith.addi %mul3A_274, %add3A_283 : i32
        %get3A_285 = arith.index_cast %add3A_284 : i32 to index
        %get3A_286 = tpu.vector_load %arg5[%get3A_285] {strides = array<i32>} : memref<81920xf32, #tpu.memory_space<vmem>>, vector<16xf32>,
        %get3A_287 = vector.shape_cast %get3A_286 : vector<16xf32> to vector<16xf32>
        %mul3A_288 = vector.broadcast %squeeze3A_269 : f32 to vector<16xf32>
        %mul3A_289 = arith.mulf %mul3A_288, %get3A_287 : vector<16xf32>
        %add3A_290 = arith.addf %add3A_243, %mul3A_289 : vector<16xf32>
        %add3A_291 = arith.constant 32 : i32
        %add3A_292 = arith.addi %mul3A_274, %add3A_291 : i32
        %get3A_293 = arith.index_cast %add3A_292 : i32 to index
        %get3A_294 = tpu.vector_load %arg5[%get3A_293] {strides = array<i32>} : memref<81920xf32, #tpu.memory_space<vmem>>, vector<16xf32>,
        %get3A_295 = vector.shape_cast %get3A_294 : vector<16xf32> to vector<16xf32>
        %mul3A_296 = vector.broadcast %squeeze3A_269 : f32 to vector<16xf32>
        %mul3A_297 = arith.mulf %mul3A_296, %get3A_295 : vector<16xf32>
        %add3A_298 = arith.addf %add3A_251, %mul3A_297 : vector<16xf32>
        %add3A_299 = arith.constant 48 : i32
        %add3A_300 = arith.addi %mul3A_274, %add3A_299 : i32
        %get3A_301 = arith.index_cast %add3A_300 : i32 to index
        %get3A_302 = tpu.vector_load %arg5[%get3A_301] {strides = array<i32>} : memref<81920xf32, #tpu.memory_space<vmem>>, vector<16xf32>,
        %get3A_303 = vector.shape_cast %get3A_302 : vector<16xf32> to vector<16xf32>
        %mul3A_304 = vector.broadcast %squeeze3A_269 : f32 to vector<16xf32>
        %mul3A_305 = arith.mulf %mul3A_304, %get3A_303 : vector<16xf32>
        %add3A_306 = arith.addf %add3A_259, %mul3A_305 : vector<16xf32>
        %add3A_307 = arith.constant 64 : i32
        %add3A_308 = arith.addi %mul3A_274, %add3A_307 : i32
        %get3A_309 = arith.index_cast %add3A_308 : i32 to index
        %get3A_310 = tpu.vector_load %arg5[%get3A_309] {strides = array<i32>} : memref<81920xf32, #tpu.memory_space<vmem>>, vector<16xf32>,
        %get3A_311 = vector.shape_cast %get3A_310 : vector<16xf32> to vector<16xf32>
        %mul3A_312 = vector.broadcast %squeeze3A_269 : f32 to vector<16xf32>
        %mul3A_313 = arith.mulf %mul3A_312, %get3A_311 : vector<16xf32>
        %add3A_314 = arith.addf %add3A_267, %mul3A_313 : vector<16xf32>
        %slice3A_315 = vector.extract_strided_slice %get3A_26 {offsets = [6], sizes = [1], strides = [1]} : vector<16xf32> to vector<1xf32>
        %squeeze3A_316 = vector.extract %slice3A_315[0] : f32 from vector<1xf32>
        %slice3A_317 = vector.extract_strided_slice %get3A_26 {offsets = [14], sizes = [1], strides = [1]} : vector<16xf32> to vector<1xf32>
        %squeeze3A_318 = vector.extract %slice3A_317[0] : f32 from vector<1xf32>
        %convert_element_type3A_319 = arith.fptosi %squeeze3A_318 : f32 to i32
        %mul3A_320 = arith.constant 80 : i32
        %mul3A_321 = arith.muli %convert_element_type3A_319, %mul3A_320 : i32
        %add3A_322 = arith.constant 0 : i32
        %add3A_323 = arith.addi %mul3A_321, %add3A_322 : i32
        %get3A_324 = arith.index_cast %add3A_323 : i32 to index
        %get3A_325 = tpu.vector_load %arg5[%get3A_324] {strides = array<i32>} : memref<81920xf32, #tpu.memory_space<vmem>>, vector<16xf32>,
        %get3A_326 = vector.shape_cast %get3A_325 : vector<16xf32> to vector<16xf32>
        %mul3A_327 = vector.broadcast %squeeze3A_316 : f32 to vector<16xf32>
        %mul3A_328 = arith.mulf %mul3A_327, %get3A_326 : vector<16xf32>
        %add3A_329 = arith.addf %add3A_282, %mul3A_328 : vector<16xf32>
        %add3A_330 = arith.constant 16 : i32
        %add3A_331 = arith.addi %mul3A_321, %add3A_330 : i32
        %get3A_332 = arith.index_cast %add3A_331 : i32 to index
        %get3A_333 = tpu.vector_load %arg5[%get3A_332] {strides = array<i32>} : memref<81920xf32, #tpu.memory_space<vmem>>, vector<16xf32>,
        %get3A_334 = vector.shape_cast %get3A_333 : vector<16xf32> to vector<16xf32>
        %mul3A_335 = vector.broadcast %squeeze3A_316 : f32 to vector<16xf32>
        %mul3A_336 = arith.mulf %mul3A_335, %get3A_334 : vector<16xf32>
        %add3A_337 = arith.addf %add3A_290, %mul3A_336 : vector<16xf32>
        %add3A_338 = arith.constant 32 : i32
        %add3A_339 = arith.addi %mul3A_321, %add3A_338 : i32
        %get3A_340 = arith.index_cast %add3A_339 : i32 to index
        %get3A_341 = tpu.vector_load %arg5[%get3A_340] {strides = array<i32>} : memref<81920xf32, #tpu.memory_space<vmem>>, vector<16xf32>,
        %get3A_342 = vector.shape_cast %get3A_341 : vector<16xf32> to vector<16xf32>
        %mul3A_343 = vector.broadcast %squeeze3A_316 : f32 to vector<16xf32>
        %mul3A_344 = arith.mulf %mul3A_343, %get3A_342 : vector<16xf32>
        %add3A_345 = arith.addf %add3A_298, %mul3A_344 : vector<16xf32>
        %add3A_346 = arith.constant 48 : i32
        %add3A_347 = arith.addi %mul3A_321, %add3A_346 : i32
        %get3A_348 = arith.index_cast %add3A_347 : i32 to index
        %get3A_349 = tpu.vector_load %arg5[%get3A_348] {strides = array<i32>} : memref<81920xf32, #tpu.memory_space<vmem>>, vector<16xf32>,
        %get3A_350 = vector.shape_cast %get3A_349 : vector<16xf32> to vector<16xf32>
        %mul3A_351 = vector.broadcast %squeeze3A_316 : f32 to vector<16xf32>
        %mul3A_352 = arith.mulf %mul3A_351, %get3A_350 : vector<16xf32>
        %add3A_353 = arith.addf %add3A_306, %mul3A_352 : vector<16xf32>
        %add3A_354 = arith.constant 64 : i32
        %add3A_355 = arith.addi %mul3A_321, %add3A_354 : i32
        %get3A_356 = arith.index_cast %add3A_355 : i32 to index
        %get3A_357 = tpu.vector_load %arg5[%get3A_356] {strides = array<i32>} : memref<81920xf32, #tpu.memory_space<vmem>>, vector<16xf32>,
        %get3A_358 = vector.shape_cast %get3A_357 : vector<16xf32> to vector<16xf32>
        %mul3A_359 = vector.broadcast %squeeze3A_316 : f32 to vector<16xf32>
        %mul3A_360 = arith.mulf %mul3A_359, %get3A_358 : vector<16xf32>
        %add3A_361 = arith.addf %add3A_314, %mul3A_360 : vector<16xf32>
        %slice3A_362 = vector.extract_strided_slice %get3A_26 {offsets = [7], sizes = [1], strides = [1]} : vector<16xf32> to vector<1xf32>
        %squeeze3A_363 = vector.extract %slice3A_362[0] : f32 from vector<1xf32>
        %slice3A_364 = vector.extract_strided_slice %get3A_26 {offsets = [15], sizes = [1], strides = [1]} : vector<16xf32> to vector<1xf32>
        %squeeze3A_365 = vector.extract %slice3A_364[0] : f32 from vector<1xf32>
        %convert_element_type3A_366 = arith.fptosi %squeeze3A_365 : f32 to i32
        %mul3A_367 = arith.constant 80 : i32
        %mul3A_368 = arith.muli %convert_element_type3A_366, %mul3A_367 : i32
        %add3A_369 = arith.constant 0 : i32
        %add3A_370 = arith.addi %mul3A_368, %add3A_369 : i32
        %get3A_371 = arith.index_cast %add3A_370 : i32 to index
        %get3A_372 = tpu.vector_load %arg5[%get3A_371] {strides = array<i32>} : memref<81920xf32, #tpu.memory_space<vmem>>, vector<16xf32>,
        %get3A_373 = vector.shape_cast %get3A_372 : vector<16xf32> to vector<16xf32>
        %mul3A_374 = vector.broadcast %squeeze3A_363 : f32 to vector<16xf32>
        %mul3A_375 = arith.mulf %mul3A_374, %get3A_373 : vector<16xf32>
        %add3A_376 = arith.addf %add3A_329, %mul3A_375 : vector<16xf32>
        %add3A_377 = arith.constant 16 : i32
        %add3A_378 = arith.addi %mul3A_368, %add3A_377 : i32
        %get3A_379 = arith.index_cast %add3A_378 : i32 to index
        %get3A_380 = tpu.vector_load %arg5[%get3A_379] {strides = array<i32>} : memref<81920xf32, #tpu.memory_space<vmem>>, vector<16xf32>,
        %get3A_381 = vector.shape_cast %get3A_380 : vector<16xf32> to vector<16xf32>
        %mul3A_382 = vector.broadcast %squeeze3A_363 : f32 to vector<16xf32>
        %mul3A_383 = arith.mulf %mul3A_382, %get3A_381 : vector<16xf32>
        %add3A_384 = arith.addf %add3A_337, %mul3A_383 : vector<16xf32>
        %add3A_385 = arith.constant 32 : i32
        %add3A_386 = arith.addi %mul3A_368, %add3A_385 : i32
        %get3A_387 = arith.index_cast %add3A_386 : i32 to index
        %get3A_388 = tpu.vector_load %arg5[%get3A_387] {strides = array<i32>} : memref<81920xf32, #tpu.memory_space<vmem>>, vector<16xf32>,
        %get3A_389 = vector.shape_cast %get3A_388 : vector<16xf32> to vector<16xf32>
        %mul3A_390 = vector.broadcast %squeeze3A_363 : f32 to vector<16xf32>
        %mul3A_391 = arith.mulf %mul3A_390, %get3A_389 : vector<16xf32>
        %add3A_392 = arith.addf %add3A_345, %mul3A_391 : vector<16xf32>
        %add3A_393 = arith.constant 48 : i32
        %add3A_394 = arith.addi %mul3A_368, %add3A_393 : i32
        %get3A_395 = arith.index_cast %add3A_394 : i32 to index
        %get3A_396 = tpu.vector_load %arg5[%get3A_395] {strides = array<i32>} : memref<81920xf32, #tpu.memory_space<vmem>>, vector<16xf32>,
        %get3A_397 = vector.shape_cast %get3A_396 : vector<16xf32> to vector<16xf32>
        %mul3A_398 = vector.broadcast %squeeze3A_363 : f32 to vector<16xf32>
        %mul3A_399 = arith.mulf %mul3A_398, %get3A_397 : vector<16xf32>
        %add3A_400 = arith.addf %add3A_353, %mul3A_399 : vector<16xf32>
        %add3A_401 = arith.constant 64 : i32
        %add3A_402 = arith.addi %mul3A_368, %add3A_401 : i32
        %get3A_403 = arith.index_cast %add3A_402 : i32 to index
        %get3A_404 = tpu.vector_load %arg5[%get3A_403] {strides = array<i32>} : memref<81920xf32, #tpu.memory_space<vmem>>, vector<16xf32>,
        %get3A_405 = vector.shape_cast %get3A_404 : vector<16xf32> to vector<16xf32>
        %mul3A_406 = vector.broadcast %squeeze3A_363 : f32 to vector<16xf32>
        %mul3A_407 = arith.mulf %mul3A_406, %get3A_405 : vector<16xf32>
        %add3A_408 = arith.addf %add3A_361, %mul3A_407 : vector<16xf32>
        %swap3A = arith.index_cast %scan3A_22 : i32 to index
        %swap3A_409 = arith.constant 0 : index
        %swap3A_410 = tpu.vector_load %arg7[%swap3A, %swap3A_409] {strides = array<i32>} : memref<128x80xf32, #tpu.memory_space<vmem>>, vector<1x16xf32>,
        %swap3A_411 = vector.shape_cast %swap3A_410 : vector<1x16xf32> to vector<16xf32>
        %swap3A_412 = vector.shape_cast %add3A_376 : vector<16xf32> to vector<1x16xf32>
        tpu.vector_store %arg7[%swap3A, %swap3A_409], %swap3A_412 {strides = array<i32>} : memref<128x80xf32, #tpu.memory_space<vmem>>, vector<1x16xf32>,
        %swap3A_413 = arith.index_cast %scan3A_22 : i32 to index
        %swap3A_414 = arith.constant 16 : index
        %swap3A_415 = tpu.vector_load %arg7[%swap3A_413, %swap3A_414] {strides = array<i32>} : memref<128x80xf32, #tpu.memory_space<vmem>>, vector<1x16xf32>,
        %swap3A_416 = vector.shape_cast %swap3A_415 : vector<1x16xf32> to vector<16xf32>
        %swap3A_417 = vector.shape_cast %add3A_384 : vector<16xf32> to vector<1x16xf32>
        tpu.vector_store %arg7[%swap3A_413, %swap3A_414], %swap3A_417 {strides = array<i32>} : memref<128x80xf32, #tpu.memory_space<vmem>>, vector<1x16xf32>,
        %swap3A_418 = arith.index_cast %scan3A_22 : i32 to index
        %swap3A_419 = arith.constant 32 : index
        %swap3A_420 = tpu.vector_load %arg7[%swap3A_418, %swap3A_419] {strides = array<i32>} : memref<128x80xf32, #tpu.memory_space<vmem>>, vector<1x16xf32>,
        %swap3A_421 = vector.shape_cast %swap3A_420 : vector<1x16xf32> to vector<16xf32>
        %swap3A_422 = vector.shape_cast %add3A_392 : vector<16xf32> to vector<1x16xf32>
        tpu.vector_store %arg7[%swap3A_418, %swap3A_419], %swap3A_422 {strides = array<i32>} : memref<128x80xf32, #tpu.memory_space<vmem>>, vector<1x16xf32>,
        %swap3A_423 = arith.index_cast %scan3A_22 : i32 to index
        %swap3A_424 = arith.constant 48 : index
        %swap3A_425 = tpu.vector_load %arg7[%swap3A_423, %swap3A_424] {strides = array<i32>} : memref<128x80xf32, #tpu.memory_space<vmem>>, vector<1x16xf32>,
        %swap3A_426 = vector.shape_cast %swap3A_425 : vector<1x16xf32> to vector<16xf32>
        %swap3A_427 = vector.shape_cast %add3A_400 : vector<16xf32> to vector<1x16xf32>
        tpu.vector_store %arg7[%swap3A_423, %swap3A_424], %swap3A_427 {strides = array<i32>} : memref<128x80xf32, #tpu.memory_space<vmem>>, vector<1x16xf32>,
        %swap3A_428 = arith.index_cast %scan3A_22 : i32 to index
        %swap3A_429 = arith.constant 64 : index
        %swap3A_430 = tpu.vector_load %arg7[%swap3A_428, %swap3A_429] {strides = array<i32>} : memref<128x80xf32, #tpu.memory_space<vmem>>, vector<1x16xf32>,
        %swap3A_431 = vector.shape_cast %swap3A_430 : vector<1x16xf32> to vector<16xf32>
        %swap3A_432 = vector.shape_cast %add3A_408 : vector<16xf32> to vector<1x16xf32>
        tpu.vector_store %arg7[%swap3A_428, %swap3A_429], %swap3A_432 {strides = array<i32>} : memref<128x80xf32, #tpu.memory_space<vmem>>, vector<1x16xf32>,
        %scan3A_433 = arith.constant 0 : i32
        scf.yield %scan3A_433 : i32
      }
      %scan3A_20 = arith.constant 128 : i32
      "tpu.region"() ({
        %run_scoped3A = tpu.sem_alloc : memref<!tpu.dma_semaphore, #tpu.memory_space<semaphore_mem>>
        %dma_start3A = arith.constant 0 : i32
        %dma_start3A_22 = tpu.memref_slice %arg4[%add3A_13, %dma_start3A] : memref<16384x80xf32, #tpu.memory_space<hbm>> -> memref<128x80xf32, #tpu.memory_space<hbm>>
        %dma_start3A_23 = arith.constant 0 : i32
        %dma_start3A_24 = tpu.memref_slice %arg4[%add3A_13, %dma_start3A_23] : memref<16384x80xf32, #tpu.memory_space<hbm>> -> memref<128x80xf32, #tpu.memory_space<hbm>>
        tpu.enqueue_dma source(%arg7 : memref<128x80xf32, #tpu.memory_space<vmem>>) target(%dma_start3A_24 : memref<128x80xf32, #tpu.memory_space<hbm>>) target_semaphore(%run_scoped3A : memref<!tpu.dma_semaphore, #tpu.memory_space<semaphore_mem>>)
        %dma_wait3A = arith.constant 0 : i32
        %dma_wait3A_25 = tpu.memref_slice %arg4[%add3A_13, %dma_wait3A] : memref<16384x80xf32, #tpu.memory_space<hbm>> -> memref<128x80xf32, #tpu.memory_space<hbm>>
        %dma_wait3A_26 = arith.constant 0 : i32
        %dma_wait3A_27 = tpu.memref_slice %arg4[%add3A_13, %dma_wait3A_26] : memref<16384x80xf32, #tpu.memory_space<hbm>> -> memref<128x80xf32, #tpu.memory_space<hbm>>
        tpu.wait_dma2 semaphore(%run_scoped3A : memref<!tpu.dma_semaphore, #tpu.memory_space<semaphore_mem>>) src(%arg7 : memref<128x80xf32, #tpu.memory_space<vmem>>) dst(%dma_wait3A_27 : memref<128x80xf32, #tpu.memory_space<hbm>>)
        tpu.yield
      }) : () -> ()
      %scan3A_21 = arith.constant 0 : i32
      scf.yield %scan3A_21 : i32
    }
    %scan3A_8 = arith.constant 4 : i32
    return
  }
}

#map = affine_map<(d0, d1) -> (0)>
#map1 = affine_map<(d0, d1) -> (0, 0)>
module attributes {stable_mosaic.version = 14 : i64} {
  func.func @sc_agg(%arg0: i32, %arg1: i32, %arg2: memref<81920xf32, #tpu.memory_space<hbm>>, %arg3: memref<16384x16xf32, #tpu.memory_space<hbm>>, %arg4: memref<16384x80xf32, #tpu.memory_space<hbm>>, %arg5: memref<81920xf32, #tpu.memory_space<vmem>>, %arg6: memref<128x16xf32, #tpu.memory_space<vmem>>, %arg7: memref<128x80xf32, #tpu.memory_space<vmem>>) attributes {dimension_semantics = [#tpu.dimension_semantics<core_parallel>, #tpu.dimension_semantics<subcore_parallel>], iteration_bounds = array<i64: 2, 16>, scalar_prefetch = 0 : i64, scratch_operands = 3 : i64, tpu.core_type = #tpu.core_type<sc_vector_subcore>, window_params = [{transform_indices = #map}, {transform_indices = #map1}, {transform_indices = #map1}]} {
    %mul3A = arith.constant 2 : i32
    %mul3A_0 = arith.muli %arg1, %mul3A : i32
    %add3A = arith.addi %mul3A_0, %arg0 : i32
    %mul3A_1 = arith.constant 512 : i32
    %mul3A_2 = arith.muli %add3A, %mul3A_1 : i32
    "tpu.region"() ({
      %run_scoped3A = tpu.sem_alloc : memref<!tpu.dma_semaphore, #tpu.memory_space<semaphore_mem>>
      tpu.enqueue_dma source(%arg2 : memref<81920xf32, #tpu.memory_space<hbm>>) target(%arg5 : memref<81920xf32, #tpu.memory_space<vmem>>) target_semaphore(%run_scoped3A : memref<!tpu.dma_semaphore, #tpu.memory_space<semaphore_mem>>)
      tpu.wait_dma2 semaphore(%run_scoped3A : memref<!tpu.dma_semaphore, #tpu.memory_space<semaphore_mem>>) src(%arg2 : memref<81920xf32, #tpu.memory_space<hbm>>) dst(%arg5 : memref<81920xf32, #tpu.memory_space<vmem>>)
      tpu.yield
    }) : () -> ()
    %scan3A = arith.constant 0 : i32
    %scan3A_3 = arith.constant 0 : i32
    %scan3A_4 = arith.constant 4 : i32
    %scan3A_5 = arith.addi %scan3A_3, %scan3A_4 : i32
    %scan3A_6 = arith.constant 1 : i32
    %scan3A_7 = scf.for %scan3A_9 = %scan3A_3 to %scan3A_5 step %scan3A_6 iter_args(%scan3A_10 = %scan3A) -> (i32)  : i32 {
      %mul3A_11 = arith.constant 128 : i32
      %mul3A_12 = arith.muli %scan3A_9, %mul3A_11 : i32
      %add3A_13 = arith.addi %mul3A_2, %mul3A_12 : i32
      "tpu.region"() ({
        %run_scoped3A = tpu.sem_alloc : memref<!tpu.dma_semaphore, #tpu.memory_space<semaphore_mem>>
        %dma_start3A = arith.constant 0 : i32
        %dma_start3A_22 = tpu.memref_slice %arg3[%add3A_13, %dma_start3A] : memref<16384x16xf32, #tpu.memory_space<hbm>> -> memref<128x16xf32, #tpu.memory_space<hbm>>
        %dma_start3A_23 = arith.constant 0 : i32
        %dma_start3A_24 = tpu.memref_slice %arg3[%add3A_13, %dma_start3A_23] : memref<16384x16xf32, #tpu.memory_space<hbm>> -> memref<128x16xf32, #tpu.memory_space<hbm>>
        tpu.enqueue_dma source(%dma_start3A_24 : memref<128x16xf32, #tpu.memory_space<hbm>>) target(%arg6 : memref<128x16xf32, #tpu.memory_space<vmem>>) target_semaphore(%run_scoped3A : memref<!tpu.dma_semaphore, #tpu.memory_space<semaphore_mem>>)
        %dma_wait3A = arith.constant 0 : i32
        %dma_wait3A_25 = tpu.memref_slice %arg3[%add3A_13, %dma_wait3A] : memref<16384x16xf32, #tpu.memory_space<hbm>> -> memref<128x16xf32, #tpu.memory_space<hbm>>
        %dma_wait3A_26 = arith.constant 0 : i32
        %dma_wait3A_27 = tpu.memref_slice %arg3[%add3A_13, %dma_wait3A_26] : memref<16384x16xf32, #tpu.memory_space<hbm>> -> memref<128x16xf32, #tpu.memory_space<hbm>>
        tpu.wait_dma2 semaphore(%run_scoped3A : memref<!tpu.dma_semaphore, #tpu.memory_space<semaphore_mem>>) src(%dma_wait3A_27 : memref<128x16xf32, #tpu.memory_space<hbm>>) dst(%arg6 : memref<128x16xf32, #tpu.memory_space<vmem>>)
        tpu.yield
      }) : () -> ()
      %scan3A_14 = arith.constant 0 : i32
      %scan3A_15 = arith.constant 0 : i32
      %scan3A_16 = arith.constant 128 : i32
      %scan3A_17 = arith.addi %scan3A_15, %scan3A_16 : i32
      %scan3A_18 = arith.constant 1 : i32
      %scan3A_19 = scf.for %scan3A_22 = %scan3A_15 to %scan3A_17 step %scan3A_18 iter_args(%scan3A_23 = %scan3A_14) -> (i32)  : i32 {
        %get3A = arith.index_cast %scan3A_22 : i32 to index
        %get3A_24 = arith.constant 0 : index
        %get3A_25 = tpu.vector_load %arg6[%get3A, %get3A_24] {strides = array<i32>} : memref<128x16xf32, #tpu.memory_space<vmem>>, vector<1x16xf32>,
        %get3A_26 = vector.shape_cast %get3A_25 : vector<1x16xf32> to vector<16xf32>
        %broadcast_in_dim3A = arith.constant 0.000000e+00 : f32
        %broadcast_in_dim3A_27 = vector.broadcast %broadcast_in_dim3A : f32 to vector<16xf32>
        %broadcast_in_dim3A_28 = arith.constant 0.000000e+00 : f32
        %broadcast_in_dim3A_29 = vector.broadcast %broadcast_in_dim3A_28 : f32 to vector<16xf32>
        %broadcast_in_dim3A_30 = arith.constant 0.000000e+00 : f32
        %broadcast_in_dim3A_31 = vector.broadcast %broadcast_in_dim3A_30 : f32 to vector<16xf32>
        %broadcast_in_dim3A_32 = arith.constant 0.000000e+00 : f32
        %broadcast_in_dim3A_33 = vector.broadcast %broadcast_in_dim3A_32 : f32 to vector<16xf32>
        %broadcast_in_dim3A_34 = arith.constant 0.000000e+00 : f32
        %broadcast_in_dim3A_35 = vector.broadcast %broadcast_in_dim3A_34 : f32 to vector<16xf32>
        %slice3A = vector.extract_strided_slice %get3A_26 {offsets = [0], sizes = [1], strides = [1]} : vector<16xf32> to vector<1xf32>
        %squeeze3A = vector.extract %slice3A[0] : f32 from vector<1xf32>
        %slice3A_36 = vector.extract_strided_slice %get3A_26 {offsets = [8], sizes = [1], strides = [1]} : vector<16xf32> to vector<1xf32>
        %squeeze3A_37 = vector.extract %slice3A_36[0] : f32 from vector<1xf32>
        %convert_element_type3A = arith.fptosi %squeeze3A_37 : f32 to i32
        %mul3A_38 = arith.constant 80 : i32
        %mul3A_39 = arith.muli %convert_element_type3A, %mul3A_38 : i32
        %add3A_40 = arith.constant 0 : i32
        %add3A_41 = arith.addi %mul3A_39, %add3A_40 : i32
        %get3A_42 = arith.index_cast %add3A_41 : i32 to index
        %get3A_43 = tpu.vector_load %arg5[%get3A_42] {strides = array<i32>} : memref<81920xf32, #tpu.memory_space<vmem>>, vector<16xf32>,
        %get3A_44 = vector.shape_cast %get3A_43 : vector<16xf32> to vector<16xf32>
        %mul3A_45 = vector.broadcast %squeeze3A : f32 to vector<16xf32>
        %mul3A_46 = arith.mulf %mul3A_45, %get3A_44 : vector<16xf32>
        %add3A_47 = arith.addf %broadcast_in_dim3A_27, %mul3A_46 : vector<16xf32>
        %add3A_48 = arith.constant 16 : i32
        %add3A_49 = arith.addi %mul3A_39, %add3A_48 : i32
        %get3A_50 = arith.index_cast %add3A_49 : i32 to index
        %get3A_51 = tpu.vector_load %arg5[%get3A_50] {strides = array<i32>} : memref<81920xf32, #tpu.memory_space<vmem>>, vector<16xf32>,
        %get3A_52 = vector.shape_cast %get3A_51 : vector<16xf32> to vector<16xf32>
        %mul3A_53 = vector.broadcast %squeeze3A : f32 to vector<16xf32>
        %mul3A_54 = arith.mulf %mul3A_53, %get3A_52 : vector<16xf32>
        %add3A_55 = arith.addf %broadcast_in_dim3A_29, %mul3A_54 : vector<16xf32>
        %add3A_56 = arith.constant 32 : i32
        %add3A_57 = arith.addi %mul3A_39, %add3A_56 : i32
        %get3A_58 = arith.index_cast %add3A_57 : i32 to index
        %get3A_59 = tpu.vector_load %arg5[%get3A_58] {strides = array<i32>} : memref<81920xf32, #tpu.memory_space<vmem>>, vector<16xf32>,
        %get3A_60 = vector.shape_cast %get3A_59 : vector<16xf32> to vector<16xf32>
        %mul3A_61 = vector.broadcast %squeeze3A : f32 to vector<16xf32>
        %mul3A_62 = arith.mulf %mul3A_61, %get3A_60 : vector<16xf32>
        %add3A_63 = arith.addf %broadcast_in_dim3A_31, %mul3A_62 : vector<16xf32>
        %add3A_64 = arith.constant 48 : i32
        %add3A_65 = arith.addi %mul3A_39, %add3A_64 : i32
        %get3A_66 = arith.index_cast %add3A_65 : i32 to index
        %get3A_67 = tpu.vector_load %arg5[%get3A_66] {strides = array<i32>} : memref<81920xf32, #tpu.memory_space<vmem>>, vector<16xf32>,
        %get3A_68 = vector.shape_cast %get3A_67 : vector<16xf32> to vector<16xf32>
        %mul3A_69 = vector.broadcast %squeeze3A : f32 to vector<16xf32>
        %mul3A_70 = arith.mulf %mul3A_69, %get3A_68 : vector<16xf32>
        %add3A_71 = arith.addf %broadcast_in_dim3A_33, %mul3A_70 : vector<16xf32>
        %add3A_72 = arith.constant 64 : i32
        %add3A_73 = arith.addi %mul3A_39, %add3A_72 : i32
        %get3A_74 = arith.index_cast %add3A_73 : i32 to index
        %get3A_75 = tpu.vector_load %arg5[%get3A_74] {strides = array<i32>} : memref<81920xf32, #tpu.memory_space<vmem>>, vector<16xf32>,
        %get3A_76 = vector.shape_cast %get3A_75 : vector<16xf32> to vector<16xf32>
        %mul3A_77 = vector.broadcast %squeeze3A : f32 to vector<16xf32>
        %mul3A_78 = arith.mulf %mul3A_77, %get3A_76 : vector<16xf32>
        %add3A_79 = arith.addf %broadcast_in_dim3A_35, %mul3A_78 : vector<16xf32>
        %slice3A_80 = vector.extract_strided_slice %get3A_26 {offsets = [1], sizes = [1], strides = [1]} : vector<16xf32> to vector<1xf32>
        %squeeze3A_81 = vector.extract %slice3A_80[0] : f32 from vector<1xf32>
        %slice3A_82 = vector.extract_strided_slice %get3A_26 {offsets = [9], sizes = [1], strides = [1]} : vector<16xf32> to vector<1xf32>
        %squeeze3A_83 = vector.extract %slice3A_82[0] : f32 from vector<1xf32>
        %convert_element_type3A_84 = arith.fptosi %squeeze3A_83 : f32 to i32
        %mul3A_85 = arith.constant 80 : i32
        %mul3A_86 = arith.muli %convert_element_type3A_84, %mul3A_85 : i32
        %add3A_87 = arith.constant 0 : i32
        %add3A_88 = arith.addi %mul3A_86, %add3A_87 : i32
        %get3A_89 = arith.index_cast %add3A_88 : i32 to index
        %get3A_90 = tpu.vector_load %arg5[%get3A_89] {strides = array<i32>} : memref<81920xf32, #tpu.memory_space<vmem>>, vector<16xf32>,
        %get3A_91 = vector.shape_cast %get3A_90 : vector<16xf32> to vector<16xf32>
        %mul3A_92 = vector.broadcast %squeeze3A_81 : f32 to vector<16xf32>
        %mul3A_93 = arith.mulf %mul3A_92, %get3A_91 : vector<16xf32>
        %add3A_94 = arith.addf %add3A_47, %mul3A_93 : vector<16xf32>
        %add3A_95 = arith.constant 16 : i32
        %add3A_96 = arith.addi %mul3A_86, %add3A_95 : i32
        %get3A_97 = arith.index_cast %add3A_96 : i32 to index
        %get3A_98 = tpu.vector_load %arg5[%get3A_97] {strides = array<i32>} : memref<81920xf32, #tpu.memory_space<vmem>>, vector<16xf32>,
        %get3A_99 = vector.shape_cast %get3A_98 : vector<16xf32> to vector<16xf32>
        %mul3A_100 = vector.broadcast %squeeze3A_81 : f32 to vector<16xf32>
        %mul3A_101 = arith.mulf %mul3A_100, %get3A_99 : vector<16xf32>
        %add3A_102 = arith.addf %add3A_55, %mul3A_101 : vector<16xf32>
        %add3A_103 = arith.constant 32 : i32
        %add3A_104 = arith.addi %mul3A_86, %add3A_103 : i32
        %get3A_105 = arith.index_cast %add3A_104 : i32 to index
        %get3A_106 = tpu.vector_load %arg5[%get3A_105] {strides = array<i32>} : memref<81920xf32, #tpu.memory_space<vmem>>, vector<16xf32>,
        %get3A_107 = vector.shape_cast %get3A_106 : vector<16xf32> to vector<16xf32>
        %mul3A_108 = vector.broadcast %squeeze3A_81 : f32 to vector<16xf32>
        %mul3A_109 = arith.mulf %mul3A_108, %get3A_107 : vector<16xf32>
        %add3A_110 = arith.addf %add3A_63, %mul3A_109 : vector<16xf32>
        %add3A_111 = arith.constant 48 : i32
        %add3A_112 = arith.addi %mul3A_86, %add3A_111 : i32
        %get3A_113 = arith.index_cast %add3A_112 : i32 to index
        %get3A_114 = tpu.vector_load %arg5[%get3A_113] {strides = array<i32>} : memref<81920xf32, #tpu.memory_space<vmem>>, vector<16xf32>,
        %get3A_115 = vector.shape_cast %get3A_114 : vector<16xf32> to vector<16xf32>
        %mul3A_116 = vector.broadcast %squeeze3A_81 : f32 to vector<16xf32>
        %mul3A_117 = arith.mulf %mul3A_116, %get3A_115 : vector<16xf32>
        %add3A_118 = arith.addf %add3A_71, %mul3A_117 : vector<16xf32>
        %add3A_119 = arith.constant 64 : i32
        %add3A_120 = arith.addi %mul3A_86, %add3A_119 : i32
        %get3A_121 = arith.index_cast %add3A_120 : i32 to index
        %get3A_122 = tpu.vector_load %arg5[%get3A_121] {strides = array<i32>} : memref<81920xf32, #tpu.memory_space<vmem>>, vector<16xf32>,
        %get3A_123 = vector.shape_cast %get3A_122 : vector<16xf32> to vector<16xf32>
        %mul3A_124 = vector.broadcast %squeeze3A_81 : f32 to vector<16xf32>
        %mul3A_125 = arith.mulf %mul3A_124, %get3A_123 : vector<16xf32>
        %add3A_126 = arith.addf %add3A_79, %mul3A_125 : vector<16xf32>
        %slice3A_127 = vector.extract_strided_slice %get3A_26 {offsets = [2], sizes = [1], strides = [1]} : vector<16xf32> to vector<1xf32>
        %squeeze3A_128 = vector.extract %slice3A_127[0] : f32 from vector<1xf32>
        %slice3A_129 = vector.extract_strided_slice %get3A_26 {offsets = [10], sizes = [1], strides = [1]} : vector<16xf32> to vector<1xf32>
        %squeeze3A_130 = vector.extract %slice3A_129[0] : f32 from vector<1xf32>
        %convert_element_type3A_131 = arith.fptosi %squeeze3A_130 : f32 to i32
        %mul3A_132 = arith.constant 80 : i32
        %mul3A_133 = arith.muli %convert_element_type3A_131, %mul3A_132 : i32
        %add3A_134 = arith.constant 0 : i32
        %add3A_135 = arith.addi %mul3A_133, %add3A_134 : i32
        %get3A_136 = arith.index_cast %add3A_135 : i32 to index
        %get3A_137 = tpu.vector_load %arg5[%get3A_136] {strides = array<i32>} : memref<81920xf32, #tpu.memory_space<vmem>>, vector<16xf32>,
        %get3A_138 = vector.shape_cast %get3A_137 : vector<16xf32> to vector<16xf32>
        %mul3A_139 = vector.broadcast %squeeze3A_128 : f32 to vector<16xf32>
        %mul3A_140 = arith.mulf %mul3A_139, %get3A_138 : vector<16xf32>
        %add3A_141 = arith.addf %add3A_94, %mul3A_140 : vector<16xf32>
        %add3A_142 = arith.constant 16 : i32
        %add3A_143 = arith.addi %mul3A_133, %add3A_142 : i32
        %get3A_144 = arith.index_cast %add3A_143 : i32 to index
        %get3A_145 = tpu.vector_load %arg5[%get3A_144] {strides = array<i32>} : memref<81920xf32, #tpu.memory_space<vmem>>, vector<16xf32>,
        %get3A_146 = vector.shape_cast %get3A_145 : vector<16xf32> to vector<16xf32>
        %mul3A_147 = vector.broadcast %squeeze3A_128 : f32 to vector<16xf32>
        %mul3A_148 = arith.mulf %mul3A_147, %get3A_146 : vector<16xf32>
        %add3A_149 = arith.addf %add3A_102, %mul3A_148 : vector<16xf32>
        %add3A_150 = arith.constant 32 : i32
        %add3A_151 = arith.addi %mul3A_133, %add3A_150 : i32
        %get3A_152 = arith.index_cast %add3A_151 : i32 to index
        %get3A_153 = tpu.vector_load %arg5[%get3A_152] {strides = array<i32>} : memref<81920xf32, #tpu.memory_space<vmem>>, vector<16xf32>,
        %get3A_154 = vector.shape_cast %get3A_153 : vector<16xf32> to vector<16xf32>
        %mul3A_155 = vector.broadcast %squeeze3A_128 : f32 to vector<16xf32>
        %mul3A_156 = arith.mulf %mul3A_155, %get3A_154 : vector<16xf32>
        %add3A_157 = arith.addf %add3A_110, %mul3A_156 : vector<16xf32>
        %add3A_158 = arith.constant 48 : i32
        %add3A_159 = arith.addi %mul3A_133, %add3A_158 : i32
        %get3A_160 = arith.index_cast %add3A_159 : i32 to index
        %get3A_161 = tpu.vector_load %arg5[%get3A_160] {strides = array<i32>} : memref<81920xf32, #tpu.memory_space<vmem>>, vector<16xf32>,
        %get3A_162 = vector.shape_cast %get3A_161 : vector<16xf32> to vector<16xf32>
        %mul3A_163 = vector.broadcast %squeeze3A_128 : f32 to vector<16xf32>
        %mul3A_164 = arith.mulf %mul3A_163, %get3A_162 : vector<16xf32>
        %add3A_165 = arith.addf %add3A_118, %mul3A_164 : vector<16xf32>
        %add3A_166 = arith.constant 64 : i32
        %add3A_167 = arith.addi %mul3A_133, %add3A_166 : i32
        %get3A_168 = arith.index_cast %add3A_167 : i32 to index
        %get3A_169 = tpu.vector_load %arg5[%get3A_168] {strides = array<i32>} : memref<81920xf32, #tpu.memory_space<vmem>>, vector<16xf32>,
        %get3A_170 = vector.shape_cast %get3A_169 : vector<16xf32> to vector<16xf32>
        %mul3A_171 = vector.broadcast %squeeze3A_128 : f32 to vector<16xf32>
        %mul3A_172 = arith.mulf %mul3A_171, %get3A_170 : vector<16xf32>
        %add3A_173 = arith.addf %add3A_126, %mul3A_172 : vector<16xf32>
        %slice3A_174 = vector.extract_strided_slice %get3A_26 {offsets = [3], sizes = [1], strides = [1]} : vector<16xf32> to vector<1xf32>
        %squeeze3A_175 = vector.extract %slice3A_174[0] : f32 from vector<1xf32>
        %slice3A_176 = vector.extract_strided_slice %get3A_26 {offsets = [11], sizes = [1], strides = [1]} : vector<16xf32> to vector<1xf32>
        %squeeze3A_177 = vector.extract %slice3A_176[0] : f32 from vector<1xf32>
        %convert_element_type3A_178 = arith.fptosi %squeeze3A_177 : f32 to i32
        %mul3A_179 = arith.constant 80 : i32
        %mul3A_180 = arith.muli %convert_element_type3A_178, %mul3A_179 : i32
        %add3A_181 = arith.constant 0 : i32
        %add3A_182 = arith.addi %mul3A_180, %add3A_181 : i32
        %get3A_183 = arith.index_cast %add3A_182 : i32 to index
        %get3A_184 = tpu.vector_load %arg5[%get3A_183] {strides = array<i32>} : memref<81920xf32, #tpu.memory_space<vmem>>, vector<16xf32>,
        %get3A_185 = vector.shape_cast %get3A_184 : vector<16xf32> to vector<16xf32>
        %mul3A_186 = vector.broadcast %squeeze3A_175 : f32 to vector<16xf32>
        %mul3A_187 = arith.mulf %mul3A_186, %get3A_185 : vector<16xf32>
        %add3A_188 = arith.addf %add3A_141, %mul3A_187 : vector<16xf32>
        %add3A_189 = arith.constant 16 : i32
        %add3A_190 = arith.addi %mul3A_180, %add3A_189 : i32
        %get3A_191 = arith.index_cast %add3A_190 : i32 to index
        %get3A_192 = tpu.vector_load %arg5[%get3A_191] {strides = array<i32>} : memref<81920xf32, #tpu.memory_space<vmem>>, vector<16xf32>,
        %get3A_193 = vector.shape_cast %get3A_192 : vector<16xf32> to vector<16xf32>
        %mul3A_194 = vector.broadcast %squeeze3A_175 : f32 to vector<16xf32>
        %mul3A_195 = arith.mulf %mul3A_194, %get3A_193 : vector<16xf32>
        %add3A_196 = arith.addf %add3A_149, %mul3A_195 : vector<16xf32>
        %add3A_197 = arith.constant 32 : i32
        %add3A_198 = arith.addi %mul3A_180, %add3A_197 : i32
        %get3A_199 = arith.index_cast %add3A_198 : i32 to index
        %get3A_200 = tpu.vector_load %arg5[%get3A_199] {strides = array<i32>} : memref<81920xf32, #tpu.memory_space<vmem>>, vector<16xf32>,
        %get3A_201 = vector.shape_cast %get3A_200 : vector<16xf32> to vector<16xf32>
        %mul3A_202 = vector.broadcast %squeeze3A_175 : f32 to vector<16xf32>
        %mul3A_203 = arith.mulf %mul3A_202, %get3A_201 : vector<16xf32>
        %add3A_204 = arith.addf %add3A_157, %mul3A_203 : vector<16xf32>
        %add3A_205 = arith.constant 48 : i32
        %add3A_206 = arith.addi %mul3A_180, %add3A_205 : i32
        %get3A_207 = arith.index_cast %add3A_206 : i32 to index
        %get3A_208 = tpu.vector_load %arg5[%get3A_207] {strides = array<i32>} : memref<81920xf32, #tpu.memory_space<vmem>>, vector<16xf32>,
        %get3A_209 = vector.shape_cast %get3A_208 : vector<16xf32> to vector<16xf32>
        %mul3A_210 = vector.broadcast %squeeze3A_175 : f32 to vector<16xf32>
        %mul3A_211 = arith.mulf %mul3A_210, %get3A_209 : vector<16xf32>
        %add3A_212 = arith.addf %add3A_165, %mul3A_211 : vector<16xf32>
        %add3A_213 = arith.constant 64 : i32
        %add3A_214 = arith.addi %mul3A_180, %add3A_213 : i32
        %get3A_215 = arith.index_cast %add3A_214 : i32 to index
        %get3A_216 = tpu.vector_load %arg5[%get3A_215] {strides = array<i32>} : memref<81920xf32, #tpu.memory_space<vmem>>, vector<16xf32>,
        %get3A_217 = vector.shape_cast %get3A_216 : vector<16xf32> to vector<16xf32>
        %mul3A_218 = vector.broadcast %squeeze3A_175 : f32 to vector<16xf32>
        %mul3A_219 = arith.mulf %mul3A_218, %get3A_217 : vector<16xf32>
        %add3A_220 = arith.addf %add3A_173, %mul3A_219 : vector<16xf32>
        %slice3A_221 = vector.extract_strided_slice %get3A_26 {offsets = [4], sizes = [1], strides = [1]} : vector<16xf32> to vector<1xf32>
        %squeeze3A_222 = vector.extract %slice3A_221[0] : f32 from vector<1xf32>
        %slice3A_223 = vector.extract_strided_slice %get3A_26 {offsets = [12], sizes = [1], strides = [1]} : vector<16xf32> to vector<1xf32>
        %squeeze3A_224 = vector.extract %slice3A_223[0] : f32 from vector<1xf32>
        %convert_element_type3A_225 = arith.fptosi %squeeze3A_224 : f32 to i32
        %mul3A_226 = arith.constant 80 : i32
        %mul3A_227 = arith.muli %convert_element_type3A_225, %mul3A_226 : i32
        %add3A_228 = arith.constant 0 : i32
        %add3A_229 = arith.addi %mul3A_227, %add3A_228 : i32
        %get3A_230 = arith.index_cast %add3A_229 : i32 to index
        %get3A_231 = tpu.vector_load %arg5[%get3A_230] {strides = array<i32>} : memref<81920xf32, #tpu.memory_space<vmem>>, vector<16xf32>,
        %get3A_232 = vector.shape_cast %get3A_231 : vector<16xf32> to vector<16xf32>
        %mul3A_233 = vector.broadcast %squeeze3A_222 : f32 to vector<16xf32>
        %mul3A_234 = arith.mulf %mul3A_233, %get3A_232 : vector<16xf32>
        %add3A_235 = arith.addf %add3A_188, %mul3A_234 : vector<16xf32>
        %add3A_236 = arith.constant 16 : i32
        %add3A_237 = arith.addi %mul3A_227, %add3A_236 : i32
        %get3A_238 = arith.index_cast %add3A_237 : i32 to index
        %get3A_239 = tpu.vector_load %arg5[%get3A_238] {strides = array<i32>} : memref<81920xf32, #tpu.memory_space<vmem>>, vector<16xf32>,
        %get3A_240 = vector.shape_cast %get3A_239 : vector<16xf32> to vector<16xf32>
        %mul3A_241 = vector.broadcast %squeeze3A_222 : f32 to vector<16xf32>
        %mul3A_242 = arith.mulf %mul3A_241, %get3A_240 : vector<16xf32>
        %add3A_243 = arith.addf %add3A_196, %mul3A_242 : vector<16xf32>
        %add3A_244 = arith.constant 32 : i32
        %add3A_245 = arith.addi %mul3A_227, %add3A_244 : i32
        %get3A_246 = arith.index_cast %add3A_245 : i32 to index
        %get3A_247 = tpu.vector_load %arg5[%get3A_246] {strides = array<i32>} : memref<81920xf32, #tpu.memory_space<vmem>>, vector<16xf32>,
        %get3A_248 = vector.shape_cast %get3A_247 : vector<16xf32> to vector<16xf32>
        %mul3A_249 = vector.broadcast %squeeze3A_222 : f32 to vector<16xf32>
        %mul3A_250 = arith.mulf %mul3A_249, %get3A_248 : vector<16xf32>
        %add3A_251 = arith.addf %add3A_204, %mul3A_250 : vector<16xf32>
        %add3A_252 = arith.constant 48 : i32
        %add3A_253 = arith.addi %mul3A_227, %add3A_252 : i32
        %get3A_254 = arith.index_cast %add3A_253 : i32 to index
        %get3A_255 = tpu.vector_load %arg5[%get3A_254] {strides = array<i32>} : memref<81920xf32, #tpu.memory_space<vmem>>, vector<16xf32>,
        %get3A_256 = vector.shape_cast %get3A_255 : vector<16xf32> to vector<16xf32>
        %mul3A_257 = vector.broadcast %squeeze3A_222 : f32 to vector<16xf32>
        %mul3A_258 = arith.mulf %mul3A_257, %get3A_256 : vector<16xf32>
        %add3A_259 = arith.addf %add3A_212, %mul3A_258 : vector<16xf32>
        %add3A_260 = arith.constant 64 : i32
        %add3A_261 = arith.addi %mul3A_227, %add3A_260 : i32
        %get3A_262 = arith.index_cast %add3A_261 : i32 to index
        %get3A_263 = tpu.vector_load %arg5[%get3A_262] {strides = array<i32>} : memref<81920xf32, #tpu.memory_space<vmem>>, vector<16xf32>,
        %get3A_264 = vector.shape_cast %get3A_263 : vector<16xf32> to vector<16xf32>
        %mul3A_265 = vector.broadcast %squeeze3A_222 : f32 to vector<16xf32>
        %mul3A_266 = arith.mulf %mul3A_265, %get3A_264 : vector<16xf32>
        %add3A_267 = arith.addf %add3A_220, %mul3A_266 : vector<16xf32>
        %slice3A_268 = vector.extract_strided_slice %get3A_26 {offsets = [5], sizes = [1], strides = [1]} : vector<16xf32> to vector<1xf32>
        %squeeze3A_269 = vector.extract %slice3A_268[0] : f32 from vector<1xf32>
        %slice3A_270 = vector.extract_strided_slice %get3A_26 {offsets = [13], sizes = [1], strides = [1]} : vector<16xf32> to vector<1xf32>
        %squeeze3A_271 = vector.extract %slice3A_270[0] : f32 from vector<1xf32>
        %convert_element_type3A_272 = arith.fptosi %squeeze3A_271 : f32 to i32
        %mul3A_273 = arith.constant 80 : i32
        %mul3A_274 = arith.muli %convert_element_type3A_272, %mul3A_273 : i32
        %add3A_275 = arith.constant 0 : i32
        %add3A_276 = arith.addi %mul3A_274, %add3A_275 : i32
        %get3A_277 = arith.index_cast %add3A_276 : i32 to index
        %get3A_278 = tpu.vector_load %arg5[%get3A_277] {strides = array<i32>} : memref<81920xf32, #tpu.memory_space<vmem>>, vector<16xf32>,
        %get3A_279 = vector.shape_cast %get3A_278 : vector<16xf32> to vector<16xf32>
        %mul3A_280 = vector.broadcast %squeeze3A_269 : f32 to vector<16xf32>
        %mul3A_281 = arith.mulf %mul3A_280, %get3A_279 : vector<16xf32>
        %add3A_282 = arith.addf %add3A_235, %mul3A_281 : vector<16xf32>
        %add3A_283 = arith.constant 16 : i32
        %add3A_284 = arith.addi %mul3A_274, %add3A_283 : i32
        %get3A_285 = arith.index_cast %add3A_284 : i32 to index
        %get3A_286 = tpu.vector_load %arg5[%get3A_285] {strides = array<i32>} : memref<81920xf32, #tpu.memory_space<vmem>>, vector<16xf32>,
        %get3A_287 = vector.shape_cast %get3A_286 : vector<16xf32> to vector<16xf32>
        %mul3A_288 = vector.broadcast %squeeze3A_269 : f32 to vector<16xf32>
        %mul3A_289 = arith.mulf %mul3A_288, %get3A_287 : vector<16xf32>
        %add3A_290 = arith.addf %add3A_243, %mul3A_289 : vector<16xf32>
        %add3A_291 = arith.constant 32 : i32
        %add3A_292 = arith.addi %mul3A_274, %add3A_291 : i32
        %get3A_293 = arith.index_cast %add3A_292 : i32 to index
        %get3A_294 = tpu.vector_load %arg5[%get3A_293] {strides = array<i32>} : memref<81920xf32, #tpu.memory_space<vmem>>, vector<16xf32>,
        %get3A_295 = vector.shape_cast %get3A_294 : vector<16xf32> to vector<16xf32>
        %mul3A_296 = vector.broadcast %squeeze3A_269 : f32 to vector<16xf32>
        %mul3A_297 = arith.mulf %mul3A_296, %get3A_295 : vector<16xf32>
        %add3A_298 = arith.addf %add3A_251, %mul3A_297 : vector<16xf32>
        %add3A_299 = arith.constant 48 : i32
        %add3A_300 = arith.addi %mul3A_274, %add3A_299 : i32
        %get3A_301 = arith.index_cast %add3A_300 : i32 to index
        %get3A_302 = tpu.vector_load %arg5[%get3A_301] {strides = array<i32>} : memref<81920xf32, #tpu.memory_space<vmem>>, vector<16xf32>,
        %get3A_303 = vector.shape_cast %get3A_302 : vector<16xf32> to vector<16xf32>
        %mul3A_304 = vector.broadcast %squeeze3A_269 : f32 to vector<16xf32>
        %mul3A_305 = arith.mulf %mul3A_304, %get3A_303 : vector<16xf32>
        %add3A_306 = arith.addf %add3A_259, %mul3A_305 : vector<16xf32>
        %add3A_307 = arith.constant 64 : i32
        %add3A_308 = arith.addi %mul3A_274, %add3A_307 : i32
        %get3A_309 = arith.index_cast %add3A_308 : i32 to index
        %get3A_310 = tpu.vector_load %arg5[%get3A_309] {strides = array<i32>} : memref<81920xf32, #tpu.memory_space<vmem>>, vector<16xf32>,
        %get3A_311 = vector.shape_cast %get3A_310 : vector<16xf32> to vector<16xf32>
        %mul3A_312 = vector.broadcast %squeeze3A_269 : f32 to vector<16xf32>
        %mul3A_313 = arith.mulf %mul3A_312, %get3A_311 : vector<16xf32>
        %add3A_314 = arith.addf %add3A_267, %mul3A_313 : vector<16xf32>
        %slice3A_315 = vector.extract_strided_slice %get3A_26 {offsets = [6], sizes = [1], strides = [1]} : vector<16xf32> to vector<1xf32>
        %squeeze3A_316 = vector.extract %slice3A_315[0] : f32 from vector<1xf32>
        %slice3A_317 = vector.extract_strided_slice %get3A_26 {offsets = [14], sizes = [1], strides = [1]} : vector<16xf32> to vector<1xf32>
        %squeeze3A_318 = vector.extract %slice3A_317[0] : f32 from vector<1xf32>
        %convert_element_type3A_319 = arith.fptosi %squeeze3A_318 : f32 to i32
        %mul3A_320 = arith.constant 80 : i32
        %mul3A_321 = arith.muli %convert_element_type3A_319, %mul3A_320 : i32
        %add3A_322 = arith.constant 0 : i32
        %add3A_323 = arith.addi %mul3A_321, %add3A_322 : i32
        %get3A_324 = arith.index_cast %add3A_323 : i32 to index
        %get3A_325 = tpu.vector_load %arg5[%get3A_324] {strides = array<i32>} : memref<81920xf32, #tpu.memory_space<vmem>>, vector<16xf32>,
        %get3A_326 = vector.shape_cast %get3A_325 : vector<16xf32> to vector<16xf32>
        %mul3A_327 = vector.broadcast %squeeze3A_316 : f32 to vector<16xf32>
        %mul3A_328 = arith.mulf %mul3A_327, %get3A_326 : vector<16xf32>
        %add3A_329 = arith.addf %add3A_282, %mul3A_328 : vector<16xf32>
        %add3A_330 = arith.constant 16 : i32
        %add3A_331 = arith.addi %mul3A_321, %add3A_330 : i32
        %get3A_332 = arith.index_cast %add3A_331 : i32 to index
        %get3A_333 = tpu.vector_load %arg5[%get3A_332] {strides = array<i32>} : memref<81920xf32, #tpu.memory_space<vmem>>, vector<16xf32>,
        %get3A_334 = vector.shape_cast %get3A_333 : vector<16xf32> to vector<16xf32>
        %mul3A_335 = vector.broadcast %squeeze3A_316 : f32 to vector<16xf32>
        %mul3A_336 = arith.mulf %mul3A_335, %get3A_334 : vector<16xf32>
        %add3A_337 = arith.addf %add3A_290, %mul3A_336 : vector<16xf32>
        %add3A_338 = arith.constant 32 : i32
        %add3A_339 = arith.addi %mul3A_321, %add3A_338 : i32
        %get3A_340 = arith.index_cast %add3A_339 : i32 to index
        %get3A_341 = tpu.vector_load %arg5[%get3A_340] {strides = array<i32>} : memref<81920xf32, #tpu.memory_space<vmem>>, vector<16xf32>,
        %get3A_342 = vector.shape_cast %get3A_341 : vector<16xf32> to vector<16xf32>
        %mul3A_343 = vector.broadcast %squeeze3A_316 : f32 to vector<16xf32>
        %mul3A_344 = arith.mulf %mul3A_343, %get3A_342 : vector<16xf32>
        %add3A_345 = arith.addf %add3A_298, %mul3A_344 : vector<16xf32>
        %add3A_346 = arith.constant 48 : i32
        %add3A_347 = arith.addi %mul3A_321, %add3A_346 : i32
        %get3A_348 = arith.index_cast %add3A_347 : i32 to index
        %get3A_349 = tpu.vector_load %arg5[%get3A_348] {strides = array<i32>} : memref<81920xf32, #tpu.memory_space<vmem>>, vector<16xf32>,
        %get3A_350 = vector.shape_cast %get3A_349 : vector<16xf32> to vector<16xf32>
        %mul3A_351 = vector.broadcast %squeeze3A_316 : f32 to vector<16xf32>
        %mul3A_352 = arith.mulf %mul3A_351, %get3A_350 : vector<16xf32>
        %add3A_353 = arith.addf %add3A_306, %mul3A_352 : vector<16xf32>
        %add3A_354 = arith.constant 64 : i32
        %add3A_355 = arith.addi %mul3A_321, %add3A_354 : i32
        %get3A_356 = arith.index_cast %add3A_355 : i32 to index
        %get3A_357 = tpu.vector_load %arg5[%get3A_356] {strides = array<i32>} : memref<81920xf32, #tpu.memory_space<vmem>>, vector<16xf32>,
        %get3A_358 = vector.shape_cast %get3A_357 : vector<16xf32> to vector<16xf32>
        %mul3A_359 = vector.broadcast %squeeze3A_316 : f32 to vector<16xf32>
        %mul3A_360 = arith.mulf %mul3A_359, %get3A_358 : vector<16xf32>
        %add3A_361 = arith.addf %add3A_314, %mul3A_360 : vector<16xf32>
        %slice3A_362 = vector.extract_strided_slice %get3A_26 {offsets = [7], sizes = [1], strides = [1]} : vector<16xf32> to vector<1xf32>
        %squeeze3A_363 = vector.extract %slice3A_362[0] : f32 from vector<1xf32>
        %slice3A_364 = vector.extract_strided_slice %get3A_26 {offsets = [15], sizes = [1], strides = [1]} : vector<16xf32> to vector<1xf32>
        %squeeze3A_365 = vector.extract %slice3A_364[0] : f32 from vector<1xf32>
        %convert_element_type3A_366 = arith.fptosi %squeeze3A_365 : f32 to i32
        %mul3A_367 = arith.constant 80 : i32
        %mul3A_368 = arith.muli %convert_element_type3A_366, %mul3A_367 : i32
        %add3A_369 = arith.constant 0 : i32
        %add3A_370 = arith.addi %mul3A_368, %add3A_369 : i32
        %get3A_371 = arith.index_cast %add3A_370 : i32 to index
        %get3A_372 = tpu.vector_load %arg5[%get3A_371] {strides = array<i32>} : memref<81920xf32, #tpu.memory_space<vmem>>, vector<16xf32>,
        %get3A_373 = vector.shape_cast %get3A_372 : vector<16xf32> to vector<16xf32>
        %mul3A_374 = vector.broadcast %squeeze3A_363 : f32 to vector<16xf32>
        %mul3A_375 = arith.mulf %mul3A_374, %get3A_373 : vector<16xf32>
        %add3A_376 = arith.addf %add3A_329, %mul3A_375 : vector<16xf32>
        %add3A_377 = arith.constant 16 : i32
        %add3A_378 = arith.addi %mul3A_368, %add3A_377 : i32
        %get3A_379 = arith.index_cast %add3A_378 : i32 to index
        %get3A_380 = tpu.vector_load %arg5[%get3A_379] {strides = array<i32>} : memref<81920xf32, #tpu.memory_space<vmem>>, vector<16xf32>,
        %get3A_381 = vector.shape_cast %get3A_380 : vector<16xf32> to vector<16xf32>
        %mul3A_382 = vector.broadcast %squeeze3A_363 : f32 to vector<16xf32>
        %mul3A_383 = arith.mulf %mul3A_382, %get3A_381 : vector<16xf32>
        %add3A_384 = arith.addf %add3A_337, %mul3A_383 : vector<16xf32>
        %add3A_385 = arith.constant 32 : i32
        %add3A_386 = arith.addi %mul3A_368, %add3A_385 : i32
        %get3A_387 = arith.index_cast %add3A_386 : i32 to index
        %get3A_388 = tpu.vector_load %arg5[%get3A_387] {strides = array<i32>} : memref<81920xf32, #tpu.memory_space<vmem>>, vector<16xf32>,
        %get3A_389 = vector.shape_cast %get3A_388 : vector<16xf32> to vector<16xf32>
        %mul3A_390 = vector.broadcast %squeeze3A_363 : f32 to vector<16xf32>
        %mul3A_391 = arith.mulf %mul3A_390, %get3A_389 : vector<16xf32>
        %add3A_392 = arith.addf %add3A_345, %mul3A_391 : vector<16xf32>
        %add3A_393 = arith.constant 48 : i32
        %add3A_394 = arith.addi %mul3A_368, %add3A_393 : i32
        %get3A_395 = arith.index_cast %add3A_394 : i32 to index
        %get3A_396 = tpu.vector_load %arg5[%get3A_395] {strides = array<i32>} : memref<81920xf32, #tpu.memory_space<vmem>>, vector<16xf32>,
        %get3A_397 = vector.shape_cast %get3A_396 : vector<16xf32> to vector<16xf32>
        %mul3A_398 = vector.broadcast %squeeze3A_363 : f32 to vector<16xf32>
        %mul3A_399 = arith.mulf %mul3A_398, %get3A_397 : vector<16xf32>
        %add3A_400 = arith.addf %add3A_353, %mul3A_399 : vector<16xf32>
        %add3A_401 = arith.constant 64 : i32
        %add3A_402 = arith.addi %mul3A_368, %add3A_401 : i32
        %get3A_403 = arith.index_cast %add3A_402 : i32 to index
        %get3A_404 = tpu.vector_load %arg5[%get3A_403] {strides = array<i32>} : memref<81920xf32, #tpu.memory_space<vmem>>, vector<16xf32>,
        %get3A_405 = vector.shape_cast %get3A_404 : vector<16xf32> to vector<16xf32>
        %mul3A_406 = vector.broadcast %squeeze3A_363 : f32 to vector<16xf32>
        %mul3A_407 = arith.mulf %mul3A_406, %get3A_405 : vector<16xf32>
        %add3A_408 = arith.addf %add3A_361, %mul3A_407 : vector<16xf32>
        %swap3A = arith.index_cast %scan3A_22 : i32 to index
        %swap3A_409 = arith.constant 0 : index
        %swap3A_410 = tpu.vector_load %arg7[%swap3A, %swap3A_409] {strides = array<i32>} : memref<128x80xf32, #tpu.memory_space<vmem>>, vector<1x16xf32>,
        %swap3A_411 = vector.shape_cast %swap3A_410 : vector<1x16xf32> to vector<16xf32>
        %swap3A_412 = vector.shape_cast %add3A_376 : vector<16xf32> to vector<1x16xf32>
        tpu.vector_store %arg7[%swap3A, %swap3A_409], %swap3A_412 {strides = array<i32>} : memref<128x80xf32, #tpu.memory_space<vmem>>, vector<1x16xf32>,
        %swap3A_413 = arith.index_cast %scan3A_22 : i32 to index
        %swap3A_414 = arith.constant 16 : index
        %swap3A_415 = tpu.vector_load %arg7[%swap3A_413, %swap3A_414] {strides = array<i32>} : memref<128x80xf32, #tpu.memory_space<vmem>>, vector<1x16xf32>,
        %swap3A_416 = vector.shape_cast %swap3A_415 : vector<1x16xf32> to vector<16xf32>
        %swap3A_417 = vector.shape_cast %add3A_384 : vector<16xf32> to vector<1x16xf32>
        tpu.vector_store %arg7[%swap3A_413, %swap3A_414], %swap3A_417 {strides = array<i32>} : memref<128x80xf32, #tpu.memory_space<vmem>>, vector<1x16xf32>,
        %swap3A_418 = arith.index_cast %scan3A_22 : i32 to index
        %swap3A_419 = arith.constant 32 : index
        %swap3A_420 = tpu.vector_load %arg7[%swap3A_418, %swap3A_419] {strides = array<i32>} : memref<128x80xf32, #tpu.memory_space<vmem>>, vector<1x16xf32>,
        %swap3A_421 = vector.shape_cast %swap3A_420 : vector<1x16xf32> to vector<16xf32>
        %swap3A_422 = vector.shape_cast %add3A_392 : vector<16xf32> to vector<1x16xf32>
        tpu.vector_store %arg7[%swap3A_418, %swap3A_419], %swap3A_422 {strides = array<i32>} : memref<128x80xf32, #tpu.memory_space<vmem>>, vector<1x16xf32>,
        %swap3A_423 = arith.index_cast %scan3A_22 : i32 to index
        %swap3A_424 = arith.constant 48 : index
        %swap3A_425 = tpu.vector_load %arg7[%swap3A_423, %swap3A_424] {strides = array<i32>} : memref<128x80xf32, #tpu.memory_space<vmem>>, vector<1x16xf32>,
        %swap3A_426 = vector.shape_cast %swap3A_425 : vector<1x16xf32> to vector<16xf32>
        %swap3A_427 = vector.shape_cast %add3A_400 : vector<16xf32> to vector<1x16xf32>
        tpu.vector_store %arg7[%swap3A_423, %swap3A_424], %swap3A_427 {strides = array<i32>} : memref<128x80xf32, #tpu.memory_space<vmem>>, vector<1x16xf32>,
        %swap3A_428 = arith.index_cast %scan3A_22 : i32 to index
        %swap3A_429 = arith.constant 64 : index
        %swap3A_430 = tpu.vector_load %arg7[%swap3A_428, %swap3A_429] {strides = array<i32>} : memref<128x80xf32, #tpu.memory_space<vmem>>, vector<1x16xf32>,
        %swap3A_431 = vector.shape_cast %swap3A_430 : vector<1x16xf32> to vector<16xf32>
        %swap3A_432 = vector.shape_cast %add3A_408 : vector<16xf32> to vector<1x16xf32>
        tpu.vector_store %arg7[%swap3A_428, %swap3A_429], %swap3A_432 {strides = array<i32>} : memref<128x80xf32, #tpu.memory_space<vmem>>, vector<1x16xf32>,
        %scan3A_433 = arith.constant 0 : i32
        scf.yield %scan3A_433 : i32
      }
      %scan3A_20 = arith.constant 128 : i32
      "tpu.region"() ({
        %run_scoped3A = tpu.sem_alloc : memref<!tpu.dma_semaphore, #tpu.memory_space<semaphore_mem>>
        %dma_start3A = arith.constant 0 : i32
        %dma_start3A_22 = tpu.memref_slice %arg4[%add3A_13, %dma_start3A] : memref<16384x80xf32, #tpu.memory_space<hbm>> -> memref<128x80xf32, #tpu.memory_space<hbm>>
        %dma_start3A_23 = arith.constant 0 : i32
        %dma_start3A_24 = tpu.memref_slice %arg4[%add3A_13, %dma_start3A_23] : memref<16384x80xf32, #tpu.memory_space<hbm>> -> memref<128x80xf32, #tpu.memory_space<hbm>>
        tpu.enqueue_dma source(%arg7 : memref<128x80xf32, #tpu.memory_space<vmem>>) target(%dma_start3A_24 : memref<128x80xf32, #tpu.memory_space<hbm>>) target_semaphore(%run_scoped3A : memref<!tpu.dma_semaphore, #tpu.memory_space<semaphore_mem>>)
        %dma_wait3A = arith.constant 0 : i32
        %dma_wait3A_25 = tpu.memref_slice %arg4[%add3A_13, %dma_wait3A] : memref<16384x80xf32, #tpu.memory_space<hbm>> -> memref<128x80xf32, #tpu.memory_space<hbm>>
        %dma_wait3A_26 = arith.constant 0 : i32
        %dma_wait3A_27 = tpu.memref_slice %arg4[%add3A_13, %dma_wait3A_26] : memref<16384x80xf32, #tpu.memory_space<hbm>> -> memref<128x80xf32, #tpu.memory_space<hbm>>
        tpu.wait_dma2 semaphore(%run_scoped3A : memref<!tpu.dma_semaphore, #tpu.memory_space<semaphore_mem>>) src(%arg7 : memref<128x80xf32, #tpu.memory_space<vmem>>) dst(%dma_wait3A_27 : memref<128x80xf32, #tpu.memory_space<hbm>>)
        tpu.yield
      }) : () -> ()
      %scan3A_21 = arith.constant 0 : i32
      scf.yield %scan3A_21 : i32
    }
    %scan3A_8 = arith.constant 4 : i32
    return
  }
}

#map = affine_map<(d0, d1) -> (0)>
#map1 = affine_map<(d0, d1) -> (0, 0)>
module attributes {stable_mosaic.version = 14 : i64} {
  func.func @sc_agg(%arg0: i32, %arg1: i32, %arg2: memref<81920xf32, #tpu.memory_space<hbm>>, %arg3: memref<16384x16xf32, #tpu.memory_space<hbm>>, %arg4: memref<16384x80xf32, #tpu.memory_space<hbm>>, %arg5: memref<81920xf32, #tpu.memory_space<vmem>>, %arg6: memref<128x16xf32, #tpu.memory_space<vmem>>, %arg7: memref<128x80xf32, #tpu.memory_space<vmem>>) attributes {dimension_semantics = [#tpu.dimension_semantics<core_parallel>, #tpu.dimension_semantics<subcore_parallel>], iteration_bounds = array<i64: 2, 16>, scalar_prefetch = 0 : i64, scratch_operands = 3 : i64, tpu.core_type = #tpu.core_type<sc_vector_subcore>, window_params = [{transform_indices = #map}, {transform_indices = #map1}, {transform_indices = #map1}]} {
    %mul3A = arith.constant 2 : i32
    %mul3A_0 = arith.muli %arg1, %mul3A : i32
    %add3A = arith.addi %mul3A_0, %arg0 : i32
    %mul3A_1 = arith.constant 512 : i32
    %mul3A_2 = arith.muli %add3A, %mul3A_1 : i32
    "tpu.region"() ({
      %run_scoped3A = tpu.sem_alloc : memref<!tpu.dma_semaphore, #tpu.memory_space<semaphore_mem>>
      tpu.enqueue_dma source(%arg2 : memref<81920xf32, #tpu.memory_space<hbm>>) target(%arg5 : memref<81920xf32, #tpu.memory_space<vmem>>) target_semaphore(%run_scoped3A : memref<!tpu.dma_semaphore, #tpu.memory_space<semaphore_mem>>)
      tpu.wait_dma2 semaphore(%run_scoped3A : memref<!tpu.dma_semaphore, #tpu.memory_space<semaphore_mem>>) src(%arg2 : memref<81920xf32, #tpu.memory_space<hbm>>) dst(%arg5 : memref<81920xf32, #tpu.memory_space<vmem>>)
      tpu.yield
    }) : () -> ()
    %scan3A = arith.constant 0 : i32
    %scan3A_3 = arith.constant 0 : i32
    %scan3A_4 = arith.constant 4 : i32
    %scan3A_5 = arith.addi %scan3A_3, %scan3A_4 : i32
    %scan3A_6 = arith.constant 1 : i32
    %scan3A_7 = scf.for %scan3A_9 = %scan3A_3 to %scan3A_5 step %scan3A_6 iter_args(%scan3A_10 = %scan3A) -> (i32)  : i32 {
      %mul3A_11 = arith.constant 128 : i32
      %mul3A_12 = arith.muli %scan3A_9, %mul3A_11 : i32
      %add3A_13 = arith.addi %mul3A_2, %mul3A_12 : i32
      "tpu.region"() ({
        %run_scoped3A = tpu.sem_alloc : memref<!tpu.dma_semaphore, #tpu.memory_space<semaphore_mem>>
        %dma_start3A = arith.constant 0 : i32
        %dma_start3A_22 = tpu.memref_slice %arg3[%add3A_13, %dma_start3A] : memref<16384x16xf32, #tpu.memory_space<hbm>> -> memref<128x16xf32, #tpu.memory_space<hbm>>
        %dma_start3A_23 = arith.constant 0 : i32
        %dma_start3A_24 = tpu.memref_slice %arg3[%add3A_13, %dma_start3A_23] : memref<16384x16xf32, #tpu.memory_space<hbm>> -> memref<128x16xf32, #tpu.memory_space<hbm>>
        tpu.enqueue_dma source(%dma_start3A_24 : memref<128x16xf32, #tpu.memory_space<hbm>>) target(%arg6 : memref<128x16xf32, #tpu.memory_space<vmem>>) target_semaphore(%run_scoped3A : memref<!tpu.dma_semaphore, #tpu.memory_space<semaphore_mem>>)
        %dma_wait3A = arith.constant 0 : i32
        %dma_wait3A_25 = tpu.memref_slice %arg3[%add3A_13, %dma_wait3A] : memref<16384x16xf32, #tpu.memory_space<hbm>> -> memref<128x16xf32, #tpu.memory_space<hbm>>
        %dma_wait3A_26 = arith.constant 0 : i32
        %dma_wait3A_27 = tpu.memref_slice %arg3[%add3A_13, %dma_wait3A_26] : memref<16384x16xf32, #tpu.memory_space<hbm>> -> memref<128x16xf32, #tpu.memory_space<hbm>>
        tpu.wait_dma2 semaphore(%run_scoped3A : memref<!tpu.dma_semaphore, #tpu.memory_space<semaphore_mem>>) src(%dma_wait3A_27 : memref<128x16xf32, #tpu.memory_space<hbm>>) dst(%arg6 : memref<128x16xf32, #tpu.memory_space<vmem>>)
        tpu.yield
      }) : () -> ()
      %scan3A_14 = arith.constant 0 : i32
      %scan3A_15 = arith.constant 0 : i32
      %scan3A_16 = arith.constant 128 : i32
      %scan3A_17 = arith.addi %scan3A_15, %scan3A_16 : i32
      %scan3A_18 = arith.constant 1 : i32
      %scan3A_19 = scf.for %scan3A_22 = %scan3A_15 to %scan3A_17 step %scan3A_18 iter_args(%scan3A_23 = %scan3A_14) -> (i32)  : i32 {
        %get3A = arith.index_cast %scan3A_22 : i32 to index
        %get3A_24 = arith.constant 0 : index
        %get3A_25 = tpu.vector_load %arg6[%get3A, %get3A_24] {strides = array<i32>} : memref<128x16xf32, #tpu.memory_space<vmem>>, vector<1x16xf32>,
        %get3A_26 = vector.shape_cast %get3A_25 : vector<1x16xf32> to vector<16xf32>
        %broadcast_in_dim3A = arith.constant 0.000000e+00 : f32
        %broadcast_in_dim3A_27 = vector.broadcast %broadcast_in_dim3A : f32 to vector<16xf32>
        %broadcast_in_dim3A_28 = arith.constant 0.000000e+00 : f32
        %broadcast_in_dim3A_29 = vector.broadcast %broadcast_in_dim3A_28 : f32 to vector<16xf32>
        %broadcast_in_dim3A_30 = arith.constant 0.000000e+00 : f32
        %broadcast_in_dim3A_31 = vector.broadcast %broadcast_in_dim3A_30 : f32 to vector<16xf32>
        %broadcast_in_dim3A_32 = arith.constant 0.000000e+00 : f32
        %broadcast_in_dim3A_33 = vector.broadcast %broadcast_in_dim3A_32 : f32 to vector<16xf32>
        %broadcast_in_dim3A_34 = arith.constant 0.000000e+00 : f32
        %broadcast_in_dim3A_35 = vector.broadcast %broadcast_in_dim3A_34 : f32 to vector<16xf32>
        %slice3A = vector.extract_strided_slice %get3A_26 {offsets = [0], sizes = [1], strides = [1]} : vector<16xf32> to vector<1xf32>
        %squeeze3A = vector.extract %slice3A[0] : f32 from vector<1xf32>
        %slice3A_36 = vector.extract_strided_slice %get3A_26 {offsets = [8], sizes = [1], strides = [1]} : vector<16xf32> to vector<1xf32>
        %squeeze3A_37 = vector.extract %slice3A_36[0] : f32 from vector<1xf32>
        %convert_element_type3A = arith.fptosi %squeeze3A_37 : f32 to i32
        %mul3A_38 = arith.constant 80 : i32
        %mul3A_39 = arith.muli %convert_element_type3A, %mul3A_38 : i32
        %add3A_40 = arith.constant 0 : i32
        %add3A_41 = arith.addi %mul3A_39, %add3A_40 : i32
        %get3A_42 = arith.index_cast %add3A_41 : i32 to index
        %get3A_43 = tpu.vector_load %arg5[%get3A_42] {strides = array<i32>} : memref<81920xf32, #tpu.memory_space<vmem>>, vector<16xf32>,
        %get3A_44 = vector.shape_cast %get3A_43 : vector<16xf32> to vector<16xf32>
        %mul3A_45 = vector.broadcast %squeeze3A : f32 to vector<16xf32>
        %mul3A_46 = arith.mulf %mul3A_45, %get3A_44 : vector<16xf32>
        %add3A_47 = arith.addf %broadcast_in_dim3A_27, %mul3A_46 : vector<16xf32>
        %add3A_48 = arith.constant 16 : i32
        %add3A_49 = arith.addi %mul3A_39, %add3A_48 : i32
        %get3A_50 = arith.index_cast %add3A_49 : i32 to index
        %get3A_51 = tpu.vector_load %arg5[%get3A_50] {strides = array<i32>} : memref<81920xf32, #tpu.memory_space<vmem>>, vector<16xf32>,
        %get3A_52 = vector.shape_cast %get3A_51 : vector<16xf32> to vector<16xf32>
        %mul3A_53 = vector.broadcast %squeeze3A : f32 to vector<16xf32>
        %mul3A_54 = arith.mulf %mul3A_53, %get3A_52 : vector<16xf32>
        %add3A_55 = arith.addf %broadcast_in_dim3A_29, %mul3A_54 : vector<16xf32>
        %add3A_56 = arith.constant 32 : i32
        %add3A_57 = arith.addi %mul3A_39, %add3A_56 : i32
        %get3A_58 = arith.index_cast %add3A_57 : i32 to index
        %get3A_59 = tpu.vector_load %arg5[%get3A_58] {strides = array<i32>} : memref<81920xf32, #tpu.memory_space<vmem>>, vector<16xf32>,
        %get3A_60 = vector.shape_cast %get3A_59 : vector<16xf32> to vector<16xf32>
        %mul3A_61 = vector.broadcast %squeeze3A : f32 to vector<16xf32>
        %mul3A_62 = arith.mulf %mul3A_61, %get3A_60 : vector<16xf32>
        %add3A_63 = arith.addf %broadcast_in_dim3A_31, %mul3A_62 : vector<16xf32>
        %add3A_64 = arith.constant 48 : i32
        %add3A_65 = arith.addi %mul3A_39, %add3A_64 : i32
        %get3A_66 = arith.index_cast %add3A_65 : i32 to index
        %get3A_67 = tpu.vector_load %arg5[%get3A_66] {strides = array<i32>} : memref<81920xf32, #tpu.memory_space<vmem>>, vector<16xf32>,
        %get3A_68 = vector.shape_cast %get3A_67 : vector<16xf32> to vector<16xf32>
        %mul3A_69 = vector.broadcast %squeeze3A : f32 to vector<16xf32>
        %mul3A_70 = arith.mulf %mul3A_69, %get3A_68 : vector<16xf32>
        %add3A_71 = arith.addf %broadcast_in_dim3A_33, %mul3A_70 : vector<16xf32>
        %add3A_72 = arith.constant 64 : i32
        %add3A_73 = arith.addi %mul3A_39, %add3A_72 : i32
        %get3A_74 = arith.index_cast %add3A_73 : i32 to index
        %get3A_75 = tpu.vector_load %arg5[%get3A_74] {strides = array<i32>} : memref<81920xf32, #tpu.memory_space<vmem>>, vector<16xf32>,
        %get3A_76 = vector.shape_cast %get3A_75 : vector<16xf32> to vector<16xf32>
        %mul3A_77 = vector.broadcast %squeeze3A : f32 to vector<16xf32>
        %mul3A_78 = arith.mulf %mul3A_77, %get3A_76 : vector<16xf32>
        %add3A_79 = arith.addf %broadcast_in_dim3A_35, %mul3A_78 : vector<16xf32>
        %slice3A_80 = vector.extract_strided_slice %get3A_26 {offsets = [1], sizes = [1], strides = [1]} : vector<16xf32> to vector<1xf32>
        %squeeze3A_81 = vector.extract %slice3A_80[0] : f32 from vector<1xf32>
        %slice3A_82 = vector.extract_strided_slice %get3A_26 {offsets = [9], sizes = [1], strides = [1]} : vector<16xf32> to vector<1xf32>
        %squeeze3A_83 = vector.extract %slice3A_82[0] : f32 from vector<1xf32>
        %convert_element_type3A_84 = arith.fptosi %squeeze3A_83 : f32 to i32
        %mul3A_85 = arith.constant 80 : i32
        %mul3A_86 = arith.muli %convert_element_type3A_84, %mul3A_85 : i32
        %add3A_87 = arith.constant 0 : i32
        %add3A_88 = arith.addi %mul3A_86, %add3A_87 : i32
        %get3A_89 = arith.index_cast %add3A_88 : i32 to index
        %get3A_90 = tpu.vector_load %arg5[%get3A_89] {strides = array<i32>} : memref<81920xf32, #tpu.memory_space<vmem>>, vector<16xf32>,
        %get3A_91 = vector.shape_cast %get3A_90 : vector<16xf32> to vector<16xf32>
        %mul3A_92 = vector.broadcast %squeeze3A_81 : f32 to vector<16xf32>
        %mul3A_93 = arith.mulf %mul3A_92, %get3A_91 : vector<16xf32>
        %add3A_94 = arith.addf %add3A_47, %mul3A_93 : vector<16xf32>
        %add3A_95 = arith.constant 16 : i32
        %add3A_96 = arith.addi %mul3A_86, %add3A_95 : i32
        %get3A_97 = arith.index_cast %add3A_96 : i32 to index
        %get3A_98 = tpu.vector_load %arg5[%get3A_97] {strides = array<i32>} : memref<81920xf32, #tpu.memory_space<vmem>>, vector<16xf32>,
        %get3A_99 = vector.shape_cast %get3A_98 : vector<16xf32> to vector<16xf32>
        %mul3A_100 = vector.broadcast %squeeze3A_81 : f32 to vector<16xf32>
        %mul3A_101 = arith.mulf %mul3A_100, %get3A_99 : vector<16xf32>
        %add3A_102 = arith.addf %add3A_55, %mul3A_101 : vector<16xf32>
        %add3A_103 = arith.constant 32 : i32
        %add3A_104 = arith.addi %mul3A_86, %add3A_103 : i32
        %get3A_105 = arith.index_cast %add3A_104 : i32 to index
        %get3A_106 = tpu.vector_load %arg5[%get3A_105] {strides = array<i32>} : memref<81920xf32, #tpu.memory_space<vmem>>, vector<16xf32>,
        %get3A_107 = vector.shape_cast %get3A_106 : vector<16xf32> to vector<16xf32>
        %mul3A_108 = vector.broadcast %squeeze3A_81 : f32 to vector<16xf32>
        %mul3A_109 = arith.mulf %mul3A_108, %get3A_107 : vector<16xf32>
        %add3A_110 = arith.addf %add3A_63, %mul3A_109 : vector<16xf32>
        %add3A_111 = arith.constant 48 : i32
        %add3A_112 = arith.addi %mul3A_86, %add3A_111 : i32
        %get3A_113 = arith.index_cast %add3A_112 : i32 to index
        %get3A_114 = tpu.vector_load %arg5[%get3A_113] {strides = array<i32>} : memref<81920xf32, #tpu.memory_space<vmem>>, vector<16xf32>,
        %get3A_115 = vector.shape_cast %get3A_114 : vector<16xf32> to vector<16xf32>
        %mul3A_116 = vector.broadcast %squeeze3A_81 : f32 to vector<16xf32>
        %mul3A_117 = arith.mulf %mul3A_116, %get3A_115 : vector<16xf32>
        %add3A_118 = arith.addf %add3A_71, %mul3A_117 : vector<16xf32>
        %add3A_119 = arith.constant 64 : i32
        %add3A_120 = arith.addi %mul3A_86, %add3A_119 : i32
        %get3A_121 = arith.index_cast %add3A_120 : i32 to index
        %get3A_122 = tpu.vector_load %arg5[%get3A_121] {strides = array<i32>} : memref<81920xf32, #tpu.memory_space<vmem>>, vector<16xf32>,
        %get3A_123 = vector.shape_cast %get3A_122 : vector<16xf32> to vector<16xf32>
        %mul3A_124 = vector.broadcast %squeeze3A_81 : f32 to vector<16xf32>
        %mul3A_125 = arith.mulf %mul3A_124, %get3A_123 : vector<16xf32>
        %add3A_126 = arith.addf %add3A_79, %mul3A_125 : vector<16xf32>
        %slice3A_127 = vector.extract_strided_slice %get3A_26 {offsets = [2], sizes = [1], strides = [1]} : vector<16xf32> to vector<1xf32>
        %squeeze3A_128 = vector.extract %slice3A_127[0] : f32 from vector<1xf32>
        %slice3A_129 = vector.extract_strided_slice %get3A_26 {offsets = [10], sizes = [1], strides = [1]} : vector<16xf32> to vector<1xf32>
        %squeeze3A_130 = vector.extract %slice3A_129[0] : f32 from vector<1xf32>
        %convert_element_type3A_131 = arith.fptosi %squeeze3A_130 : f32 to i32
        %mul3A_132 = arith.constant 80 : i32
        %mul3A_133 = arith.muli %convert_element_type3A_131, %mul3A_132 : i32
        %add3A_134 = arith.constant 0 : i32
        %add3A_135 = arith.addi %mul3A_133, %add3A_134 : i32
        %get3A_136 = arith.index_cast %add3A_135 : i32 to index
        %get3A_137 = tpu.vector_load %arg5[%get3A_136] {strides = array<i32>} : memref<81920xf32, #tpu.memory_space<vmem>>, vector<16xf32>,
        %get3A_138 = vector.shape_cast %get3A_137 : vector<16xf32> to vector<16xf32>
        %mul3A_139 = vector.broadcast %squeeze3A_128 : f32 to vector<16xf32>
        %mul3A_140 = arith.mulf %mul3A_139, %get3A_138 : vector<16xf32>
        %add3A_141 = arith.addf %add3A_94, %mul3A_140 : vector<16xf32>
        %add3A_142 = arith.constant 16 : i32
        %add3A_143 = arith.addi %mul3A_133, %add3A_142 : i32
        %get3A_144 = arith.index_cast %add3A_143 : i32 to index
        %get3A_145 = tpu.vector_load %arg5[%get3A_144] {strides = array<i32>} : memref<81920xf32, #tpu.memory_space<vmem>>, vector<16xf32>,
        %get3A_146 = vector.shape_cast %get3A_145 : vector<16xf32> to vector<16xf32>
        %mul3A_147 = vector.broadcast %squeeze3A_128 : f32 to vector<16xf32>
        %mul3A_148 = arith.mulf %mul3A_147, %get3A_146 : vector<16xf32>
        %add3A_149 = arith.addf %add3A_102, %mul3A_148 : vector<16xf32>
        %add3A_150 = arith.constant 32 : i32
        %add3A_151 = arith.addi %mul3A_133, %add3A_150 : i32
        %get3A_152 = arith.index_cast %add3A_151 : i32 to index
        %get3A_153 = tpu.vector_load %arg5[%get3A_152] {strides = array<i32>} : memref<81920xf32, #tpu.memory_space<vmem>>, vector<16xf32>,
        %get3A_154 = vector.shape_cast %get3A_153 : vector<16xf32> to vector<16xf32>
        %mul3A_155 = vector.broadcast %squeeze3A_128 : f32 to vector<16xf32>
        %mul3A_156 = arith.mulf %mul3A_155, %get3A_154 : vector<16xf32>
        %add3A_157 = arith.addf %add3A_110, %mul3A_156 : vector<16xf32>
        %add3A_158 = arith.constant 48 : i32
        %add3A_159 = arith.addi %mul3A_133, %add3A_158 : i32
        %get3A_160 = arith.index_cast %add3A_159 : i32 to index
        %get3A_161 = tpu.vector_load %arg5[%get3A_160] {strides = array<i32>} : memref<81920xf32, #tpu.memory_space<vmem>>, vector<16xf32>,
        %get3A_162 = vector.shape_cast %get3A_161 : vector<16xf32> to vector<16xf32>
        %mul3A_163 = vector.broadcast %squeeze3A_128 : f32 to vector<16xf32>
        %mul3A_164 = arith.mulf %mul3A_163, %get3A_162 : vector<16xf32>
        %add3A_165 = arith.addf %add3A_118, %mul3A_164 : vector<16xf32>
        %add3A_166 = arith.constant 64 : i32
        %add3A_167 = arith.addi %mul3A_133, %add3A_166 : i32
        %get3A_168 = arith.index_cast %add3A_167 : i32 to index
        %get3A_169 = tpu.vector_load %arg5[%get3A_168] {strides = array<i32>} : memref<81920xf32, #tpu.memory_space<vmem>>, vector<16xf32>,
        %get3A_170 = vector.shape_cast %get3A_169 : vector<16xf32> to vector<16xf32>
        %mul3A_171 = vector.broadcast %squeeze3A_128 : f32 to vector<16xf32>
        %mul3A_172 = arith.mulf %mul3A_171, %get3A_170 : vector<16xf32>
        %add3A_173 = arith.addf %add3A_126, %mul3A_172 : vector<16xf32>
        %slice3A_174 = vector.extract_strided_slice %get3A_26 {offsets = [3], sizes = [1], strides = [1]} : vector<16xf32> to vector<1xf32>
        %squeeze3A_175 = vector.extract %slice3A_174[0] : f32 from vector<1xf32>
        %slice3A_176 = vector.extract_strided_slice %get3A_26 {offsets = [11], sizes = [1], strides = [1]} : vector<16xf32> to vector<1xf32>
        %squeeze3A_177 = vector.extract %slice3A_176[0] : f32 from vector<1xf32>
        %convert_element_type3A_178 = arith.fptosi %squeeze3A_177 : f32 to i32
        %mul3A_179 = arith.constant 80 : i32
        %mul3A_180 = arith.muli %convert_element_type3A_178, %mul3A_179 : i32
        %add3A_181 = arith.constant 0 : i32
        %add3A_182 = arith.addi %mul3A_180, %add3A_181 : i32
        %get3A_183 = arith.index_cast %add3A_182 : i32 to index
        %get3A_184 = tpu.vector_load %arg5[%get3A_183] {strides = array<i32>} : memref<81920xf32, #tpu.memory_space<vmem>>, vector<16xf32>,
        %get3A_185 = vector.shape_cast %get3A_184 : vector<16xf32> to vector<16xf32>
        %mul3A_186 = vector.broadcast %squeeze3A_175 : f32 to vector<16xf32>
        %mul3A_187 = arith.mulf %mul3A_186, %get3A_185 : vector<16xf32>
        %add3A_188 = arith.addf %add3A_141, %mul3A_187 : vector<16xf32>
        %add3A_189 = arith.constant 16 : i32
        %add3A_190 = arith.addi %mul3A_180, %add3A_189 : i32
        %get3A_191 = arith.index_cast %add3A_190 : i32 to index
        %get3A_192 = tpu.vector_load %arg5[%get3A_191] {strides = array<i32>} : memref<81920xf32, #tpu.memory_space<vmem>>, vector<16xf32>,
        %get3A_193 = vector.shape_cast %get3A_192 : vector<16xf32> to vector<16xf32>
        %mul3A_194 = vector.broadcast %squeeze3A_175 : f32 to vector<16xf32>
        %mul3A_195 = arith.mulf %mul3A_194, %get3A_193 : vector<16xf32>
        %add3A_196 = arith.addf %add3A_149, %mul3A_195 : vector<16xf32>
        %add3A_197 = arith.constant 32 : i32
        %add3A_198 = arith.addi %mul3A_180, %add3A_197 : i32
        %get3A_199 = arith.index_cast %add3A_198 : i32 to index
        %get3A_200 = tpu.vector_load %arg5[%get3A_199] {strides = array<i32>} : memref<81920xf32, #tpu.memory_space<vmem>>, vector<16xf32>,
        %get3A_201 = vector.shape_cast %get3A_200 : vector<16xf32> to vector<16xf32>
        %mul3A_202 = vector.broadcast %squeeze3A_175 : f32 to vector<16xf32>
        %mul3A_203 = arith.mulf %mul3A_202, %get3A_201 : vector<16xf32>
        %add3A_204 = arith.addf %add3A_157, %mul3A_203 : vector<16xf32>
        %add3A_205 = arith.constant 48 : i32
        %add3A_206 = arith.addi %mul3A_180, %add3A_205 : i32
        %get3A_207 = arith.index_cast %add3A_206 : i32 to index
        %get3A_208 = tpu.vector_load %arg5[%get3A_207] {strides = array<i32>} : memref<81920xf32, #tpu.memory_space<vmem>>, vector<16xf32>,
        %get3A_209 = vector.shape_cast %get3A_208 : vector<16xf32> to vector<16xf32>
        %mul3A_210 = vector.broadcast %squeeze3A_175 : f32 to vector<16xf32>
        %mul3A_211 = arith.mulf %mul3A_210, %get3A_209 : vector<16xf32>
        %add3A_212 = arith.addf %add3A_165, %mul3A_211 : vector<16xf32>
        %add3A_213 = arith.constant 64 : i32
        %add3A_214 = arith.addi %mul3A_180, %add3A_213 : i32
        %get3A_215 = arith.index_cast %add3A_214 : i32 to index
        %get3A_216 = tpu.vector_load %arg5[%get3A_215] {strides = array<i32>} : memref<81920xf32, #tpu.memory_space<vmem>>, vector<16xf32>,
        %get3A_217 = vector.shape_cast %get3A_216 : vector<16xf32> to vector<16xf32>
        %mul3A_218 = vector.broadcast %squeeze3A_175 : f32 to vector<16xf32>
        %mul3A_219 = arith.mulf %mul3A_218, %get3A_217 : vector<16xf32>
        %add3A_220 = arith.addf %add3A_173, %mul3A_219 : vector<16xf32>
        %slice3A_221 = vector.extract_strided_slice %get3A_26 {offsets = [4], sizes = [1], strides = [1]} : vector<16xf32> to vector<1xf32>
        %squeeze3A_222 = vector.extract %slice3A_221[0] : f32 from vector<1xf32>
        %slice3A_223 = vector.extract_strided_slice %get3A_26 {offsets = [12], sizes = [1], strides = [1]} : vector<16xf32> to vector<1xf32>
        %squeeze3A_224 = vector.extract %slice3A_223[0] : f32 from vector<1xf32>
        %convert_element_type3A_225 = arith.fptosi %squeeze3A_224 : f32 to i32
        %mul3A_226 = arith.constant 80 : i32
        %mul3A_227 = arith.muli %convert_element_type3A_225, %mul3A_226 : i32
        %add3A_228 = arith.constant 0 : i32
        %add3A_229 = arith.addi %mul3A_227, %add3A_228 : i32
        %get3A_230 = arith.index_cast %add3A_229 : i32 to index
        %get3A_231 = tpu.vector_load %arg5[%get3A_230] {strides = array<i32>} : memref<81920xf32, #tpu.memory_space<vmem>>, vector<16xf32>,
        %get3A_232 = vector.shape_cast %get3A_231 : vector<16xf32> to vector<16xf32>
        %mul3A_233 = vector.broadcast %squeeze3A_222 : f32 to vector<16xf32>
        %mul3A_234 = arith.mulf %mul3A_233, %get3A_232 : vector<16xf32>
        %add3A_235 = arith.addf %add3A_188, %mul3A_234 : vector<16xf32>
        %add3A_236 = arith.constant 16 : i32
        %add3A_237 = arith.addi %mul3A_227, %add3A_236 : i32
        %get3A_238 = arith.index_cast %add3A_237 : i32 to index
        %get3A_239 = tpu.vector_load %arg5[%get3A_238] {strides = array<i32>} : memref<81920xf32, #tpu.memory_space<vmem>>, vector<16xf32>,
        %get3A_240 = vector.shape_cast %get3A_239 : vector<16xf32> to vector<16xf32>
        %mul3A_241 = vector.broadcast %squeeze3A_222 : f32 to vector<16xf32>
        %mul3A_242 = arith.mulf %mul3A_241, %get3A_240 : vector<16xf32>
        %add3A_243 = arith.addf %add3A_196, %mul3A_242 : vector<16xf32>
        %add3A_244 = arith.constant 32 : i32
        %add3A_245 = arith.addi %mul3A_227, %add3A_244 : i32
        %get3A_246 = arith.index_cast %add3A_245 : i32 to index
        %get3A_247 = tpu.vector_load %arg5[%get3A_246] {strides = array<i32>} : memref<81920xf32, #tpu.memory_space<vmem>>, vector<16xf32>,
        %get3A_248 = vector.shape_cast %get3A_247 : vector<16xf32> to vector<16xf32>
        %mul3A_249 = vector.broadcast %squeeze3A_222 : f32 to vector<16xf32>
        %mul3A_250 = arith.mulf %mul3A_249, %get3A_248 : vector<16xf32>
        %add3A_251 = arith.addf %add3A_204, %mul3A_250 : vector<16xf32>
        %add3A_252 = arith.constant 48 : i32
        %add3A_253 = arith.addi %mul3A_227, %add3A_252 : i32
        %get3A_254 = arith.index_cast %add3A_253 : i32 to index
        %get3A_255 = tpu.vector_load %arg5[%get3A_254] {strides = array<i32>} : memref<81920xf32, #tpu.memory_space<vmem>>, vector<16xf32>,
        %get3A_256 = vector.shape_cast %get3A_255 : vector<16xf32> to vector<16xf32>
        %mul3A_257 = vector.broadcast %squeeze3A_222 : f32 to vector<16xf32>
        %mul3A_258 = arith.mulf %mul3A_257, %get3A_256 : vector<16xf32>
        %add3A_259 = arith.addf %add3A_212, %mul3A_258 : vector<16xf32>
        %add3A_260 = arith.constant 64 : i32
        %add3A_261 = arith.addi %mul3A_227, %add3A_260 : i32
        %get3A_262 = arith.index_cast %add3A_261 : i32 to index
        %get3A_263 = tpu.vector_load %arg5[%get3A_262] {strides = array<i32>} : memref<81920xf32, #tpu.memory_space<vmem>>, vector<16xf32>,
        %get3A_264 = vector.shape_cast %get3A_263 : vector<16xf32> to vector<16xf32>
        %mul3A_265 = vector.broadcast %squeeze3A_222 : f32 to vector<16xf32>
        %mul3A_266 = arith.mulf %mul3A_265, %get3A_264 : vector<16xf32>
        %add3A_267 = arith.addf %add3A_220, %mul3A_266 : vector<16xf32>
        %slice3A_268 = vector.extract_strided_slice %get3A_26 {offsets = [5], sizes = [1], strides = [1]} : vector<16xf32> to vector<1xf32>
        %squeeze3A_269 = vector.extract %slice3A_268[0] : f32 from vector<1xf32>
        %slice3A_270 = vector.extract_strided_slice %get3A_26 {offsets = [13], sizes = [1], strides = [1]} : vector<16xf32> to vector<1xf32>
        %squeeze3A_271 = vector.extract %slice3A_270[0] : f32 from vector<1xf32>
        %convert_element_type3A_272 = arith.fptosi %squeeze3A_271 : f32 to i32
        %mul3A_273 = arith.constant 80 : i32
        %mul3A_274 = arith.muli %convert_element_type3A_272, %mul3A_273 : i32
        %add3A_275 = arith.constant 0 : i32
        %add3A_276 = arith.addi %mul3A_274, %add3A_275 : i32
        %get3A_277 = arith.index_cast %add3A_276 : i32 to index
        %get3A_278 = tpu.vector_load %arg5[%get3A_277] {strides = array<i32>} : memref<81920xf32, #tpu.memory_space<vmem>>, vector<16xf32>,
        %get3A_279 = vector.shape_cast %get3A_278 : vector<16xf32> to vector<16xf32>
        %mul3A_280 = vector.broadcast %squeeze3A_269 : f32 to vector<16xf32>
        %mul3A_281 = arith.mulf %mul3A_280, %get3A_279 : vector<16xf32>
        %add3A_282 = arith.addf %add3A_235, %mul3A_281 : vector<16xf32>
        %add3A_283 = arith.constant 16 : i32
        %add3A_284 = arith.addi %mul3A_274, %add3A_283 : i32
        %get3A_285 = arith.index_cast %add3A_284 : i32 to index
        %get3A_286 = tpu.vector_load %arg5[%get3A_285] {strides = array<i32>} : memref<81920xf32, #tpu.memory_space<vmem>>, vector<16xf32>,
        %get3A_287 = vector.shape_cast %get3A_286 : vector<16xf32> to vector<16xf32>
        %mul3A_288 = vector.broadcast %squeeze3A_269 : f32 to vector<16xf32>
        %mul3A_289 = arith.mulf %mul3A_288, %get3A_287 : vector<16xf32>
        %add3A_290 = arith.addf %add3A_243, %mul3A_289 : vector<16xf32>
        %add3A_291 = arith.constant 32 : i32
        %add3A_292 = arith.addi %mul3A_274, %add3A_291 : i32
        %get3A_293 = arith.index_cast %add3A_292 : i32 to index
        %get3A_294 = tpu.vector_load %arg5[%get3A_293] {strides = array<i32>} : memref<81920xf32, #tpu.memory_space<vmem>>, vector<16xf32>,
        %get3A_295 = vector.shape_cast %get3A_294 : vector<16xf32> to vector<16xf32>
        %mul3A_296 = vector.broadcast %squeeze3A_269 : f32 to vector<16xf32>
        %mul3A_297 = arith.mulf %mul3A_296, %get3A_295 : vector<16xf32>
        %add3A_298 = arith.addf %add3A_251, %mul3A_297 : vector<16xf32>
        %add3A_299 = arith.constant 48 : i32
        %add3A_300 = arith.addi %mul3A_274, %add3A_299 : i32
        %get3A_301 = arith.index_cast %add3A_300 : i32 to index
        %get3A_302 = tpu.vector_load %arg5[%get3A_301] {strides = array<i32>} : memref<81920xf32, #tpu.memory_space<vmem>>, vector<16xf32>,
        %get3A_303 = vector.shape_cast %get3A_302 : vector<16xf32> to vector<16xf32>
        %mul3A_304 = vector.broadcast %squeeze3A_269 : f32 to vector<16xf32>
        %mul3A_305 = arith.mulf %mul3A_304, %get3A_303 : vector<16xf32>
        %add3A_306 = arith.addf %add3A_259, %mul3A_305 : vector<16xf32>
        %add3A_307 = arith.constant 64 : i32
        %add3A_308 = arith.addi %mul3A_274, %add3A_307 : i32
        %get3A_309 = arith.index_cast %add3A_308 : i32 to index
        %get3A_310 = tpu.vector_load %arg5[%get3A_309] {strides = array<i32>} : memref<81920xf32, #tpu.memory_space<vmem>>, vector<16xf32>,
        %get3A_311 = vector.shape_cast %get3A_310 : vector<16xf32> to vector<16xf32>
        %mul3A_312 = vector.broadcast %squeeze3A_269 : f32 to vector<16xf32>
        %mul3A_313 = arith.mulf %mul3A_312, %get3A_311 : vector<16xf32>
        %add3A_314 = arith.addf %add3A_267, %mul3A_313 : vector<16xf32>
        %slice3A_315 = vector.extract_strided_slice %get3A_26 {offsets = [6], sizes = [1], strides = [1]} : vector<16xf32> to vector<1xf32>
        %squeeze3A_316 = vector.extract %slice3A_315[0] : f32 from vector<1xf32>
        %slice3A_317 = vector.extract_strided_slice %get3A_26 {offsets = [14], sizes = [1], strides = [1]} : vector<16xf32> to vector<1xf32>
        %squeeze3A_318 = vector.extract %slice3A_317[0] : f32 from vector<1xf32>
        %convert_element_type3A_319 = arith.fptosi %squeeze3A_318 : f32 to i32
        %mul3A_320 = arith.constant 80 : i32
        %mul3A_321 = arith.muli %convert_element_type3A_319, %mul3A_320 : i32
        %add3A_322 = arith.constant 0 : i32
        %add3A_323 = arith.addi %mul3A_321, %add3A_322 : i32
        %get3A_324 = arith.index_cast %add3A_323 : i32 to index
        %get3A_325 = tpu.vector_load %arg5[%get3A_324] {strides = array<i32>} : memref<81920xf32, #tpu.memory_space<vmem>>, vector<16xf32>,
        %get3A_326 = vector.shape_cast %get3A_325 : vector<16xf32> to vector<16xf32>
        %mul3A_327 = vector.broadcast %squeeze3A_316 : f32 to vector<16xf32>
        %mul3A_328 = arith.mulf %mul3A_327, %get3A_326 : vector<16xf32>
        %add3A_329 = arith.addf %add3A_282, %mul3A_328 : vector<16xf32>
        %add3A_330 = arith.constant 16 : i32
        %add3A_331 = arith.addi %mul3A_321, %add3A_330 : i32
        %get3A_332 = arith.index_cast %add3A_331 : i32 to index
        %get3A_333 = tpu.vector_load %arg5[%get3A_332] {strides = array<i32>} : memref<81920xf32, #tpu.memory_space<vmem>>, vector<16xf32>,
        %get3A_334 = vector.shape_cast %get3A_333 : vector<16xf32> to vector<16xf32>
        %mul3A_335 = vector.broadcast %squeeze3A_316 : f32 to vector<16xf32>
        %mul3A_336 = arith.mulf %mul3A_335, %get3A_334 : vector<16xf32>
        %add3A_337 = arith.addf %add3A_290, %mul3A_336 : vector<16xf32>
        %add3A_338 = arith.constant 32 : i32
        %add3A_339 = arith.addi %mul3A_321, %add3A_338 : i32
        %get3A_340 = arith.index_cast %add3A_339 : i32 to index
        %get3A_341 = tpu.vector_load %arg5[%get3A_340] {strides = array<i32>} : memref<81920xf32, #tpu.memory_space<vmem>>, vector<16xf32>,
        %get3A_342 = vector.shape_cast %get3A_341 : vector<16xf32> to vector<16xf32>
        %mul3A_343 = vector.broadcast %squeeze3A_316 : f32 to vector<16xf32>
        %mul3A_344 = arith.mulf %mul3A_343, %get3A_342 : vector<16xf32>
        %add3A_345 = arith.addf %add3A_298, %mul3A_344 : vector<16xf32>
        %add3A_346 = arith.constant 48 : i32
        %add3A_347 = arith.addi %mul3A_321, %add3A_346 : i32
        %get3A_348 = arith.index_cast %add3A_347 : i32 to index
        %get3A_349 = tpu.vector_load %arg5[%get3A_348] {strides = array<i32>} : memref<81920xf32, #tpu.memory_space<vmem>>, vector<16xf32>,
        %get3A_350 = vector.shape_cast %get3A_349 : vector<16xf32> to vector<16xf32>
        %mul3A_351 = vector.broadcast %squeeze3A_316 : f32 to vector<16xf32>
        %mul3A_352 = arith.mulf %mul3A_351, %get3A_350 : vector<16xf32>
        %add3A_353 = arith.addf %add3A_306, %mul3A_352 : vector<16xf32>
        %add3A_354 = arith.constant 64 : i32
        %add3A_355 = arith.addi %mul3A_321, %add3A_354 : i32
        %get3A_356 = arith.index_cast %add3A_355 : i32 to index
        %get3A_357 = tpu.vector_load %arg5[%get3A_356] {strides = array<i32>} : memref<81920xf32, #tpu.memory_space<vmem>>, vector<16xf32>,
        %get3A_358 = vector.shape_cast %get3A_357 : vector<16xf32> to vector<16xf32>
        %mul3A_359 = vector.broadcast %squeeze3A_316 : f32 to vector<16xf32>
        %mul3A_360 = arith.mulf %mul3A_359, %get3A_358 : vector<16xf32>
        %add3A_361 = arith.addf %add3A_314, %mul3A_360 : vector<16xf32>
        %slice3A_362 = vector.extract_strided_slice %get3A_26 {offsets = [7], sizes = [1], strides = [1]} : vector<16xf32> to vector<1xf32>
        %squeeze3A_363 = vector.extract %slice3A_362[0] : f32 from vector<1xf32>
        %slice3A_364 = vector.extract_strided_slice %get3A_26 {offsets = [15], sizes = [1], strides = [1]} : vector<16xf32> to vector<1xf32>
        %squeeze3A_365 = vector.extract %slice3A_364[0] : f32 from vector<1xf32>
        %convert_element_type3A_366 = arith.fptosi %squeeze3A_365 : f32 to i32
        %mul3A_367 = arith.constant 80 : i32
        %mul3A_368 = arith.muli %convert_element_type3A_366, %mul3A_367 : i32
        %add3A_369 = arith.constant 0 : i32
        %add3A_370 = arith.addi %mul3A_368, %add3A_369 : i32
        %get3A_371 = arith.index_cast %add3A_370 : i32 to index
        %get3A_372 = tpu.vector_load %arg5[%get3A_371] {strides = array<i32>} : memref<81920xf32, #tpu.memory_space<vmem>>, vector<16xf32>,
        %get3A_373 = vector.shape_cast %get3A_372 : vector<16xf32> to vector<16xf32>
        %mul3A_374 = vector.broadcast %squeeze3A_363 : f32 to vector<16xf32>
        %mul3A_375 = arith.mulf %mul3A_374, %get3A_373 : vector<16xf32>
        %add3A_376 = arith.addf %add3A_329, %mul3A_375 : vector<16xf32>
        %add3A_377 = arith.constant 16 : i32
        %add3A_378 = arith.addi %mul3A_368, %add3A_377 : i32
        %get3A_379 = arith.index_cast %add3A_378 : i32 to index
        %get3A_380 = tpu.vector_load %arg5[%get3A_379] {strides = array<i32>} : memref<81920xf32, #tpu.memory_space<vmem>>, vector<16xf32>,
        %get3A_381 = vector.shape_cast %get3A_380 : vector<16xf32> to vector<16xf32>
        %mul3A_382 = vector.broadcast %squeeze3A_363 : f32 to vector<16xf32>
        %mul3A_383 = arith.mulf %mul3A_382, %get3A_381 : vector<16xf32>
        %add3A_384 = arith.addf %add3A_337, %mul3A_383 : vector<16xf32>
        %add3A_385 = arith.constant 32 : i32
        %add3A_386 = arith.addi %mul3A_368, %add3A_385 : i32
        %get3A_387 = arith.index_cast %add3A_386 : i32 to index
        %get3A_388 = tpu.vector_load %arg5[%get3A_387] {strides = array<i32>} : memref<81920xf32, #tpu.memory_space<vmem>>, vector<16xf32>,
        %get3A_389 = vector.shape_cast %get3A_388 : vector<16xf32> to vector<16xf32>
        %mul3A_390 = vector.broadcast %squeeze3A_363 : f32 to vector<16xf32>
        %mul3A_391 = arith.mulf %mul3A_390, %get3A_389 : vector<16xf32>
        %add3A_392 = arith.addf %add3A_345, %mul3A_391 : vector<16xf32>
        %add3A_393 = arith.constant 48 : i32
        %add3A_394 = arith.addi %mul3A_368, %add3A_393 : i32
        %get3A_395 = arith.index_cast %add3A_394 : i32 to index
        %get3A_396 = tpu.vector_load %arg5[%get3A_395] {strides = array<i32>} : memref<81920xf32, #tpu.memory_space<vmem>>, vector<16xf32>,
        %get3A_397 = vector.shape_cast %get3A_396 : vector<16xf32> to vector<16xf32>
        %mul3A_398 = vector.broadcast %squeeze3A_363 : f32 to vector<16xf32>
        %mul3A_399 = arith.mulf %mul3A_398, %get3A_397 : vector<16xf32>
        %add3A_400 = arith.addf %add3A_353, %mul3A_399 : vector<16xf32>
        %add3A_401 = arith.constant 64 : i32
        %add3A_402 = arith.addi %mul3A_368, %add3A_401 : i32
        %get3A_403 = arith.index_cast %add3A_402 : i32 to index
        %get3A_404 = tpu.vector_load %arg5[%get3A_403] {strides = array<i32>} : memref<81920xf32, #tpu.memory_space<vmem>>, vector<16xf32>,
        %get3A_405 = vector.shape_cast %get3A_404 : vector<16xf32> to vector<16xf32>
        %mul3A_406 = vector.broadcast %squeeze3A_363 : f32 to vector<16xf32>
        %mul3A_407 = arith.mulf %mul3A_406, %get3A_405 : vector<16xf32>
        %add3A_408 = arith.addf %add3A_361, %mul3A_407 : vector<16xf32>
        %swap3A = arith.index_cast %scan3A_22 : i32 to index
        %swap3A_409 = arith.constant 0 : index
        %swap3A_410 = tpu.vector_load %arg7[%swap3A, %swap3A_409] {strides = array<i32>} : memref<128x80xf32, #tpu.memory_space<vmem>>, vector<1x16xf32>,
        %swap3A_411 = vector.shape_cast %swap3A_410 : vector<1x16xf32> to vector<16xf32>
        %swap3A_412 = vector.shape_cast %add3A_376 : vector<16xf32> to vector<1x16xf32>
        tpu.vector_store %arg7[%swap3A, %swap3A_409], %swap3A_412 {strides = array<i32>} : memref<128x80xf32, #tpu.memory_space<vmem>>, vector<1x16xf32>,
        %swap3A_413 = arith.index_cast %scan3A_22 : i32 to index
        %swap3A_414 = arith.constant 16 : index
        %swap3A_415 = tpu.vector_load %arg7[%swap3A_413, %swap3A_414] {strides = array<i32>} : memref<128x80xf32, #tpu.memory_space<vmem>>, vector<1x16xf32>,
        %swap3A_416 = vector.shape_cast %swap3A_415 : vector<1x16xf32> to vector<16xf32>
        %swap3A_417 = vector.shape_cast %add3A_384 : vector<16xf32> to vector<1x16xf32>
        tpu.vector_store %arg7[%swap3A_413, %swap3A_414], %swap3A_417 {strides = array<i32>} : memref<128x80xf32, #tpu.memory_space<vmem>>, vector<1x16xf32>,
        %swap3A_418 = arith.index_cast %scan3A_22 : i32 to index
        %swap3A_419 = arith.constant 32 : index
        %swap3A_420 = tpu.vector_load %arg7[%swap3A_418, %swap3A_419] {strides = array<i32>} : memref<128x80xf32, #tpu.memory_space<vmem>>, vector<1x16xf32>,
        %swap3A_421 = vector.shape_cast %swap3A_420 : vector<1x16xf32> to vector<16xf32>
        %swap3A_422 = vector.shape_cast %add3A_392 : vector<16xf32> to vector<1x16xf32>
        tpu.vector_store %arg7[%swap3A_418, %swap3A_419], %swap3A_422 {strides = array<i32>} : memref<128x80xf32, #tpu.memory_space<vmem>>, vector<1x16xf32>,
        %swap3A_423 = arith.index_cast %scan3A_22 : i32 to index
        %swap3A_424 = arith.constant 48 : index
        %swap3A_425 = tpu.vector_load %arg7[%swap3A_423, %swap3A_424] {strides = array<i32>} : memref<128x80xf32, #tpu.memory_space<vmem>>, vector<1x16xf32>,
        %swap3A_426 = vector.shape_cast %swap3A_425 : vector<1x16xf32> to vector<16xf32>
        %swap3A_427 = vector.shape_cast %add3A_400 : vector<16xf32> to vector<1x16xf32>
        tpu.vector_store %arg7[%swap3A_423, %swap3A_424], %swap3A_427 {strides = array<i32>} : memref<128x80xf32, #tpu.memory_space<vmem>>, vector<1x16xf32>,
        %swap3A_428 = arith.index_cast %scan3A_22 : i32 to index
        %swap3A_429 = arith.constant 64 : index
        %swap3A_430 = tpu.vector_load %arg7[%swap3A_428, %swap3A_429] {strides = array<i32>} : memref<128x80xf32, #tpu.memory_space<vmem>>, vector<1x16xf32>,
        %swap3A_431 = vector.shape_cast %swap3A_430 : vector<1x16xf32> to vector<16xf32>
        %swap3A_432 = vector.shape_cast %add3A_408 : vector<16xf32> to vector<1x16xf32>
        tpu.vector_store %arg7[%swap3A_428, %swap3A_429], %swap3A_432 {strides = array<i32>} : memref<128x80xf32, #tpu.memory_space<vmem>>, vector<1x16xf32>,
        %scan3A_433 = arith.constant 0 : i32
        scf.yield %scan3A_433 : i32
      }
      %scan3A_20 = arith.constant 128 : i32
      "tpu.region"() ({
        %run_scoped3A = tpu.sem_alloc : memref<!tpu.dma_semaphore, #tpu.memory_space<semaphore_mem>>
        %dma_start3A = arith.constant 0 : i32
        %dma_start3A_22 = tpu.memref_slice %arg4[%add3A_13, %dma_start3A] : memref<16384x80xf32, #tpu.memory_space<hbm>> -> memref<128x80xf32, #tpu.memory_space<hbm>>
        %dma_start3A_23 = arith.constant 0 : i32
        %dma_start3A_24 = tpu.memref_slice %arg4[%add3A_13, %dma_start3A_23] : memref<16384x80xf32, #tpu.memory_space<hbm>> -> memref<128x80xf32, #tpu.memory_space<hbm>>
        tpu.enqueue_dma source(%arg7 : memref<128x80xf32, #tpu.memory_space<vmem>>) target(%dma_start3A_24 : memref<128x80xf32, #tpu.memory_space<hbm>>) target_semaphore(%run_scoped3A : memref<!tpu.dma_semaphore, #tpu.memory_space<semaphore_mem>>)
        %dma_wait3A = arith.constant 0 : i32
        %dma_wait3A_25 = tpu.memref_slice %arg4[%add3A_13, %dma_wait3A] : memref<16384x80xf32, #tpu.memory_space<hbm>> -> memref<128x80xf32, #tpu.memory_space<hbm>>
        %dma_wait3A_26 = arith.constant 0 : i32
        %dma_wait3A_27 = tpu.memref_slice %arg4[%add3A_13, %dma_wait3A_26] : memref<16384x80xf32, #tpu.memory_space<hbm>> -> memref<128x80xf32, #tpu.memory_space<hbm>>
        tpu.wait_dma2 semaphore(%run_scoped3A : memref<!tpu.dma_semaphore, #tpu.memory_space<semaphore_mem>>) src(%arg7 : memref<128x80xf32, #tpu.memory_space<vmem>>) dst(%dma_wait3A_27 : memref<128x80xf32, #tpu.memory_space<hbm>>)
        tpu.yield
      }) : () -> ()
      %scan3A_21 = arith.constant 0 : i32
      scf.yield %scan3A_21 : i32
    }
    %scan3A_8 = arith.constant 4 : i32
    return
  }
}

#map = affine_map<(d0, d1) -> (0)>
#map1 = affine_map<(d0, d1) -> (0, 0)>
module attributes {stable_mosaic.version = 14 : i64} {
  func.func @sc_agg(%arg0: i32, %arg1: i32, %arg2: memref<81920xf32, #tpu.memory_space<hbm>>, %arg3: memref<16384x16xf32, #tpu.memory_space<hbm>>, %arg4: memref<16384x80xf32, #tpu.memory_space<hbm>>, %arg5: memref<81920xf32, #tpu.memory_space<vmem>>, %arg6: memref<128x16xf32, #tpu.memory_space<vmem>>, %arg7: memref<128x80xf32, #tpu.memory_space<vmem>>) attributes {dimension_semantics = [#tpu.dimension_semantics<core_parallel>, #tpu.dimension_semantics<subcore_parallel>], iteration_bounds = array<i64: 2, 16>, scalar_prefetch = 0 : i64, scratch_operands = 3 : i64, tpu.core_type = #tpu.core_type<sc_vector_subcore>, window_params = [{transform_indices = #map}, {transform_indices = #map1}, {transform_indices = #map1}]} {
    %mul3A = arith.constant 2 : i32
    %mul3A_0 = arith.muli %arg1, %mul3A : i32
    %add3A = arith.addi %mul3A_0, %arg0 : i32
    %mul3A_1 = arith.constant 512 : i32
    %mul3A_2 = arith.muli %add3A, %mul3A_1 : i32
    "tpu.region"() ({
      %run_scoped3A = tpu.sem_alloc : memref<!tpu.dma_semaphore, #tpu.memory_space<semaphore_mem>>
      tpu.enqueue_dma source(%arg2 : memref<81920xf32, #tpu.memory_space<hbm>>) target(%arg5 : memref<81920xf32, #tpu.memory_space<vmem>>) target_semaphore(%run_scoped3A : memref<!tpu.dma_semaphore, #tpu.memory_space<semaphore_mem>>)
      tpu.wait_dma2 semaphore(%run_scoped3A : memref<!tpu.dma_semaphore, #tpu.memory_space<semaphore_mem>>) src(%arg2 : memref<81920xf32, #tpu.memory_space<hbm>>) dst(%arg5 : memref<81920xf32, #tpu.memory_space<vmem>>)
      tpu.yield
    }) : () -> ()
    %scan3A = arith.constant 0 : i32
    %scan3A_3 = arith.constant 0 : i32
    %scan3A_4 = arith.constant 4 : i32
    %scan3A_5 = arith.addi %scan3A_3, %scan3A_4 : i32
    %scan3A_6 = arith.constant 1 : i32
    %scan3A_7 = scf.for %scan3A_9 = %scan3A_3 to %scan3A_5 step %scan3A_6 iter_args(%scan3A_10 = %scan3A) -> (i32)  : i32 {
      %mul3A_11 = arith.constant 128 : i32
      %mul3A_12 = arith.muli %scan3A_9, %mul3A_11 : i32
      %add3A_13 = arith.addi %mul3A_2, %mul3A_12 : i32
      "tpu.region"() ({
        %run_scoped3A = tpu.sem_alloc : memref<!tpu.dma_semaphore, #tpu.memory_space<semaphore_mem>>
        %dma_start3A = arith.constant 0 : i32
        %dma_start3A_22 = tpu.memref_slice %arg3[%add3A_13, %dma_start3A] : memref<16384x16xf32, #tpu.memory_space<hbm>> -> memref<128x16xf32, #tpu.memory_space<hbm>>
        %dma_start3A_23 = arith.constant 0 : i32
        %dma_start3A_24 = tpu.memref_slice %arg3[%add3A_13, %dma_start3A_23] : memref<16384x16xf32, #tpu.memory_space<hbm>> -> memref<128x16xf32, #tpu.memory_space<hbm>>
        tpu.enqueue_dma source(%dma_start3A_24 : memref<128x16xf32, #tpu.memory_space<hbm>>) target(%arg6 : memref<128x16xf32, #tpu.memory_space<vmem>>) target_semaphore(%run_scoped3A : memref<!tpu.dma_semaphore, #tpu.memory_space<semaphore_mem>>)
        %dma_wait3A = arith.constant 0 : i32
        %dma_wait3A_25 = tpu.memref_slice %arg3[%add3A_13, %dma_wait3A] : memref<16384x16xf32, #tpu.memory_space<hbm>> -> memref<128x16xf32, #tpu.memory_space<hbm>>
        %dma_wait3A_26 = arith.constant 0 : i32
        %dma_wait3A_27 = tpu.memref_slice %arg3[%add3A_13, %dma_wait3A_26] : memref<16384x16xf32, #tpu.memory_space<hbm>> -> memref<128x16xf32, #tpu.memory_space<hbm>>
        tpu.wait_dma2 semaphore(%run_scoped3A : memref<!tpu.dma_semaphore, #tpu.memory_space<semaphore_mem>>) src(%dma_wait3A_27 : memref<128x16xf32, #tpu.memory_space<hbm>>) dst(%arg6 : memref<128x16xf32, #tpu.memory_space<vmem>>)
        tpu.yield
      }) : () -> ()
      %scan3A_14 = arith.constant 0 : i32
      %scan3A_15 = arith.constant 0 : i32
      %scan3A_16 = arith.constant 128 : i32
      %scan3A_17 = arith.addi %scan3A_15, %scan3A_16 : i32
      %scan3A_18 = arith.constant 1 : i32
      %scan3A_19 = scf.for %scan3A_22 = %scan3A_15 to %scan3A_17 step %scan3A_18 iter_args(%scan3A_23 = %scan3A_14) -> (i32)  : i32 {
        %get3A = arith.index_cast %scan3A_22 : i32 to index
        %get3A_24 = arith.constant 0 : index
        %get3A_25 = tpu.vector_load %arg6[%get3A, %get3A_24] {strides = array<i32>} : memref<128x16xf32, #tpu.memory_space<vmem>>, vector<1x16xf32>,
        %get3A_26 = vector.shape_cast %get3A_25 : vector<1x16xf32> to vector<16xf32>
        %broadcast_in_dim3A = arith.constant 0.000000e+00 : f32
        %broadcast_in_dim3A_27 = vector.broadcast %broadcast_in_dim3A : f32 to vector<16xf32>
        %broadcast_in_dim3A_28 = arith.constant 0.000000e+00 : f32
        %broadcast_in_dim3A_29 = vector.broadcast %broadcast_in_dim3A_28 : f32 to vector<16xf32>
        %broadcast_in_dim3A_30 = arith.constant 0.000000e+00 : f32
        %broadcast_in_dim3A_31 = vector.broadcast %broadcast_in_dim3A_30 : f32 to vector<16xf32>
        %broadcast_in_dim3A_32 = arith.constant 0.000000e+00 : f32
        %broadcast_in_dim3A_33 = vector.broadcast %broadcast_in_dim3A_32 : f32 to vector<16xf32>
        %broadcast_in_dim3A_34 = arith.constant 0.000000e+00 : f32
        %broadcast_in_dim3A_35 = vector.broadcast %broadcast_in_dim3A_34 : f32 to vector<16xf32>
        %slice3A = vector.extract_strided_slice %get3A_26 {offsets = [0], sizes = [1], strides = [1]} : vector<16xf32> to vector<1xf32>
        %squeeze3A = vector.extract %slice3A[0] : f32 from vector<1xf32>
        %slice3A_36 = vector.extract_strided_slice %get3A_26 {offsets = [8], sizes = [1], strides = [1]} : vector<16xf32> to vector<1xf32>
        %squeeze3A_37 = vector.extract %slice3A_36[0] : f32 from vector<1xf32>
        %convert_element_type3A = arith.fptosi %squeeze3A_37 : f32 to i32
        %mul3A_38 = arith.constant 80 : i32
        %mul3A_39 = arith.muli %convert_element_type3A, %mul3A_38 : i32
        %add3A_40 = arith.constant 0 : i32
        %add3A_41 = arith.addi %mul3A_39, %add3A_40 : i32
        %get3A_42 = arith.index_cast %add3A_41 : i32 to index
        %get3A_43 = tpu.vector_load %arg5[%get3A_42] {strides = array<i32>} : memref<81920xf32, #tpu.memory_space<vmem>>, vector<16xf32>,
        %get3A_44 = vector.shape_cast %get3A_43 : vector<16xf32> to vector<16xf32>
        %mul3A_45 = vector.broadcast %squeeze3A : f32 to vector<16xf32>
        %mul3A_46 = arith.mulf %mul3A_45, %get3A_44 : vector<16xf32>
        %add3A_47 = arith.addf %broadcast_in_dim3A_27, %mul3A_46 : vector<16xf32>
        %add3A_48 = arith.constant 16 : i32
        %add3A_49 = arith.addi %mul3A_39, %add3A_48 : i32
        %get3A_50 = arith.index_cast %add3A_49 : i32 to index
        %get3A_51 = tpu.vector_load %arg5[%get3A_50] {strides = array<i32>} : memref<81920xf32, #tpu.memory_space<vmem>>, vector<16xf32>,
        %get3A_52 = vector.shape_cast %get3A_51 : vector<16xf32> to vector<16xf32>
        %mul3A_53 = vector.broadcast %squeeze3A : f32 to vector<16xf32>
        %mul3A_54 = arith.mulf %mul3A_53, %get3A_52 : vector<16xf32>
        %add3A_55 = arith.addf %broadcast_in_dim3A_29, %mul3A_54 : vector<16xf32>
        %add3A_56 = arith.constant 32 : i32
        %add3A_57 = arith.addi %mul3A_39, %add3A_56 : i32
        %get3A_58 = arith.index_cast %add3A_57 : i32 to index
        %get3A_59 = tpu.vector_load %arg5[%get3A_58] {strides = array<i32>} : memref<81920xf32, #tpu.memory_space<vmem>>, vector<16xf32>,
        %get3A_60 = vector.shape_cast %get3A_59 : vector<16xf32> to vector<16xf32>
        %mul3A_61 = vector.broadcast %squeeze3A : f32 to vector<16xf32>
        %mul3A_62 = arith.mulf %mul3A_61, %get3A_60 : vector<16xf32>
        %add3A_63 = arith.addf %broadcast_in_dim3A_31, %mul3A_62 : vector<16xf32>
        %add3A_64 = arith.constant 48 : i32
        %add3A_65 = arith.addi %mul3A_39, %add3A_64 : i32
        %get3A_66 = arith.index_cast %add3A_65 : i32 to index
        %get3A_67 = tpu.vector_load %arg5[%get3A_66] {strides = array<i32>} : memref<81920xf32, #tpu.memory_space<vmem>>, vector<16xf32>,
        %get3A_68 = vector.shape_cast %get3A_67 : vector<16xf32> to vector<16xf32>
        %mul3A_69 = vector.broadcast %squeeze3A : f32 to vector<16xf32>
        %mul3A_70 = arith.mulf %mul3A_69, %get3A_68 : vector<16xf32>
        %add3A_71 = arith.addf %broadcast_in_dim3A_33, %mul3A_70 : vector<16xf32>
        %add3A_72 = arith.constant 64 : i32
        %add3A_73 = arith.addi %mul3A_39, %add3A_72 : i32
        %get3A_74 = arith.index_cast %add3A_73 : i32 to index
        %get3A_75 = tpu.vector_load %arg5[%get3A_74] {strides = array<i32>} : memref<81920xf32, #tpu.memory_space<vmem>>, vector<16xf32>,
        %get3A_76 = vector.shape_cast %get3A_75 : vector<16xf32> to vector<16xf32>
        %mul3A_77 = vector.broadcast %squeeze3A : f32 to vector<16xf32>
        %mul3A_78 = arith.mulf %mul3A_77, %get3A_76 : vector<16xf32>
        %add3A_79 = arith.addf %broadcast_in_dim3A_35, %mul3A_78 : vector<16xf32>
        %slice3A_80 = vector.extract_strided_slice %get3A_26 {offsets = [1], sizes = [1], strides = [1]} : vector<16xf32> to vector<1xf32>
        %squeeze3A_81 = vector.extract %slice3A_80[0] : f32 from vector<1xf32>
        %slice3A_82 = vector.extract_strided_slice %get3A_26 {offsets = [9], sizes = [1], strides = [1]} : vector<16xf32> to vector<1xf32>
        %squeeze3A_83 = vector.extract %slice3A_82[0] : f32 from vector<1xf32>
        %convert_element_type3A_84 = arith.fptosi %squeeze3A_83 : f32 to i32
        %mul3A_85 = arith.constant 80 : i32
        %mul3A_86 = arith.muli %convert_element_type3A_84, %mul3A_85 : i32
        %add3A_87 = arith.constant 0 : i32
        %add3A_88 = arith.addi %mul3A_86, %add3A_87 : i32
        %get3A_89 = arith.index_cast %add3A_88 : i32 to index
        %get3A_90 = tpu.vector_load %arg5[%get3A_89] {strides = array<i32>} : memref<81920xf32, #tpu.memory_space<vmem>>, vector<16xf32>,
        %get3A_91 = vector.shape_cast %get3A_90 : vector<16xf32> to vector<16xf32>
        %mul3A_92 = vector.broadcast %squeeze3A_81 : f32 to vector<16xf32>
        %mul3A_93 = arith.mulf %mul3A_92, %get3A_91 : vector<16xf32>
        %add3A_94 = arith.addf %add3A_47, %mul3A_93 : vector<16xf32>
        %add3A_95 = arith.constant 16 : i32
        %add3A_96 = arith.addi %mul3A_86, %add3A_95 : i32
        %get3A_97 = arith.index_cast %add3A_96 : i32 to index
        %get3A_98 = tpu.vector_load %arg5[%get3A_97] {strides = array<i32>} : memref<81920xf32, #tpu.memory_space<vmem>>, vector<16xf32>,
        %get3A_99 = vector.shape_cast %get3A_98 : vector<16xf32> to vector<16xf32>
        %mul3A_100 = vector.broadcast %squeeze3A_81 : f32 to vector<16xf32>
        %mul3A_101 = arith.mulf %mul3A_100, %get3A_99 : vector<16xf32>
        %add3A_102 = arith.addf %add3A_55, %mul3A_101 : vector<16xf32>
        %add3A_103 = arith.constant 32 : i32
        %add3A_104 = arith.addi %mul3A_86, %add3A_103 : i32
        %get3A_105 = arith.index_cast %add3A_104 : i32 to index
        %get3A_106 = tpu.vector_load %arg5[%get3A_105] {strides = array<i32>} : memref<81920xf32, #tpu.memory_space<vmem>>, vector<16xf32>,
        %get3A_107 = vector.shape_cast %get3A_106 : vector<16xf32> to vector<16xf32>
        %mul3A_108 = vector.broadcast %squeeze3A_81 : f32 to vector<16xf32>
        %mul3A_109 = arith.mulf %mul3A_108, %get3A_107 : vector<16xf32>
        %add3A_110 = arith.addf %add3A_63, %mul3A_109 : vector<16xf32>
        %add3A_111 = arith.constant 48 : i32
        %add3A_112 = arith.addi %mul3A_86, %add3A_111 : i32
        %get3A_113 = arith.index_cast %add3A_112 : i32 to index
        %get3A_114 = tpu.vector_load %arg5[%get3A_113] {strides = array<i32>} : memref<81920xf32, #tpu.memory_space<vmem>>, vector<16xf32>,
        %get3A_115 = vector.shape_cast %get3A_114 : vector<16xf32> to vector<16xf32>
        %mul3A_116 = vector.broadcast %squeeze3A_81 : f32 to vector<16xf32>
        %mul3A_117 = arith.mulf %mul3A_116, %get3A_115 : vector<16xf32>
        %add3A_118 = arith.addf %add3A_71, %mul3A_117 : vector<16xf32>
        %add3A_119 = arith.constant 64 : i32
        %add3A_120 = arith.addi %mul3A_86, %add3A_119 : i32
        %get3A_121 = arith.index_cast %add3A_120 : i32 to index
        %get3A_122 = tpu.vector_load %arg5[%get3A_121] {strides = array<i32>} : memref<81920xf32, #tpu.memory_space<vmem>>, vector<16xf32>,
        %get3A_123 = vector.shape_cast %get3A_122 : vector<16xf32> to vector<16xf32>
        %mul3A_124 = vector.broadcast %squeeze3A_81 : f32 to vector<16xf32>
        %mul3A_125 = arith.mulf %mul3A_124, %get3A_123 : vector<16xf32>
        %add3A_126 = arith.addf %add3A_79, %mul3A_125 : vector<16xf32>
        %slice3A_127 = vector.extract_strided_slice %get3A_26 {offsets = [2], sizes = [1], strides = [1]} : vector<16xf32> to vector<1xf32>
        %squeeze3A_128 = vector.extract %slice3A_127[0] : f32 from vector<1xf32>
        %slice3A_129 = vector.extract_strided_slice %get3A_26 {offsets = [10], sizes = [1], strides = [1]} : vector<16xf32> to vector<1xf32>
        %squeeze3A_130 = vector.extract %slice3A_129[0] : f32 from vector<1xf32>
        %convert_element_type3A_131 = arith.fptosi %squeeze3A_130 : f32 to i32
        %mul3A_132 = arith.constant 80 : i32
        %mul3A_133 = arith.muli %convert_element_type3A_131, %mul3A_132 : i32
        %add3A_134 = arith.constant 0 : i32
        %add3A_135 = arith.addi %mul3A_133, %add3A_134 : i32
        %get3A_136 = arith.index_cast %add3A_135 : i32 to index
        %get3A_137 = tpu.vector_load %arg5[%get3A_136] {strides = array<i32>} : memref<81920xf32, #tpu.memory_space<vmem>>, vector<16xf32>,
        %get3A_138 = vector.shape_cast %get3A_137 : vector<16xf32> to vector<16xf32>
        %mul3A_139 = vector.broadcast %squeeze3A_128 : f32 to vector<16xf32>
        %mul3A_140 = arith.mulf %mul3A_139, %get3A_138 : vector<16xf32>
        %add3A_141 = arith.addf %add3A_94, %mul3A_140 : vector<16xf32>
        %add3A_142 = arith.constant 16 : i32
        %add3A_143 = arith.addi %mul3A_133, %add3A_142 : i32
        %get3A_144 = arith.index_cast %add3A_143 : i32 to index
        %get3A_145 = tpu.vector_load %arg5[%get3A_144] {strides = array<i32>} : memref<81920xf32, #tpu.memory_space<vmem>>, vector<16xf32>,
        %get3A_146 = vector.shape_cast %get3A_145 : vector<16xf32> to vector<16xf32>
        %mul3A_147 = vector.broadcast %squeeze3A_128 : f32 to vector<16xf32>
        %mul3A_148 = arith.mulf %mul3A_147, %get3A_146 : vector<16xf32>
        %add3A_149 = arith.addf %add3A_102, %mul3A_148 : vector<16xf32>
        %add3A_150 = arith.constant 32 : i32
        %add3A_151 = arith.addi %mul3A_133, %add3A_150 : i32
        %get3A_152 = arith.index_cast %add3A_151 : i32 to index
        %get3A_153 = tpu.vector_load %arg5[%get3A_152] {strides = array<i32>} : memref<81920xf32, #tpu.memory_space<vmem>>, vector<16xf32>,
        %get3A_154 = vector.shape_cast %get3A_153 : vector<16xf32> to vector<16xf32>
        %mul3A_155 = vector.broadcast %squeeze3A_128 : f32 to vector<16xf32>
        %mul3A_156 = arith.mulf %mul3A_155, %get3A_154 : vector<16xf32>
        %add3A_157 = arith.addf %add3A_110, %mul3A_156 : vector<16xf32>
        %add3A_158 = arith.constant 48 : i32
        %add3A_159 = arith.addi %mul3A_133, %add3A_158 : i32
        %get3A_160 = arith.index_cast %add3A_159 : i32 to index
        %get3A_161 = tpu.vector_load %arg5[%get3A_160] {strides = array<i32>} : memref<81920xf32, #tpu.memory_space<vmem>>, vector<16xf32>,
        %get3A_162 = vector.shape_cast %get3A_161 : vector<16xf32> to vector<16xf32>
        %mul3A_163 = vector.broadcast %squeeze3A_128 : f32 to vector<16xf32>
        %mul3A_164 = arith.mulf %mul3A_163, %get3A_162 : vector<16xf32>
        %add3A_165 = arith.addf %add3A_118, %mul3A_164 : vector<16xf32>
        %add3A_166 = arith.constant 64 : i32
        %add3A_167 = arith.addi %mul3A_133, %add3A_166 : i32
        %get3A_168 = arith.index_cast %add3A_167 : i32 to index
        %get3A_169 = tpu.vector_load %arg5[%get3A_168] {strides = array<i32>} : memref<81920xf32, #tpu.memory_space<vmem>>, vector<16xf32>,
        %get3A_170 = vector.shape_cast %get3A_169 : vector<16xf32> to vector<16xf32>
        %mul3A_171 = vector.broadcast %squeeze3A_128 : f32 to vector<16xf32>
        %mul3A_172 = arith.mulf %mul3A_171, %get3A_170 : vector<16xf32>
        %add3A_173 = arith.addf %add3A_126, %mul3A_172 : vector<16xf32>
        %slice3A_174 = vector.extract_strided_slice %get3A_26 {offsets = [3], sizes = [1], strides = [1]} : vector<16xf32> to vector<1xf32>
        %squeeze3A_175 = vector.extract %slice3A_174[0] : f32 from vector<1xf32>
        %slice3A_176 = vector.extract_strided_slice %get3A_26 {offsets = [11], sizes = [1], strides = [1]} : vector<16xf32> to vector<1xf32>
        %squeeze3A_177 = vector.extract %slice3A_176[0] : f32 from vector<1xf32>
        %convert_element_type3A_178 = arith.fptosi %squeeze3A_177 : f32 to i32
        %mul3A_179 = arith.constant 80 : i32
        %mul3A_180 = arith.muli %convert_element_type3A_178, %mul3A_179 : i32
        %add3A_181 = arith.constant 0 : i32
        %add3A_182 = arith.addi %mul3A_180, %add3A_181 : i32
        %get3A_183 = arith.index_cast %add3A_182 : i32 to index
        %get3A_184 = tpu.vector_load %arg5[%get3A_183] {strides = array<i32>} : memref<81920xf32, #tpu.memory_space<vmem>>, vector<16xf32>,
        %get3A_185 = vector.shape_cast %get3A_184 : vector<16xf32> to vector<16xf32>
        %mul3A_186 = vector.broadcast %squeeze3A_175 : f32 to vector<16xf32>
        %mul3A_187 = arith.mulf %mul3A_186, %get3A_185 : vector<16xf32>
        %add3A_188 = arith.addf %add3A_141, %mul3A_187 : vector<16xf32>
        %add3A_189 = arith.constant 16 : i32
        %add3A_190 = arith.addi %mul3A_180, %add3A_189 : i32
        %get3A_191 = arith.index_cast %add3A_190 : i32 to index
        %get3A_192 = tpu.vector_load %arg5[%get3A_191] {strides = array<i32>} : memref<81920xf32, #tpu.memory_space<vmem>>, vector<16xf32>,
        %get3A_193 = vector.shape_cast %get3A_192 : vector<16xf32> to vector<16xf32>
        %mul3A_194 = vector.broadcast %squeeze3A_175 : f32 to vector<16xf32>
        %mul3A_195 = arith.mulf %mul3A_194, %get3A_193 : vector<16xf32>
        %add3A_196 = arith.addf %add3A_149, %mul3A_195 : vector<16xf32>
        %add3A_197 = arith.constant 32 : i32
        %add3A_198 = arith.addi %mul3A_180, %add3A_197 : i32
        %get3A_199 = arith.index_cast %add3A_198 : i32 to index
        %get3A_200 = tpu.vector_load %arg5[%get3A_199] {strides = array<i32>} : memref<81920xf32, #tpu.memory_space<vmem>>, vector<16xf32>,
        %get3A_201 = vector.shape_cast %get3A_200 : vector<16xf32> to vector<16xf32>
        %mul3A_202 = vector.broadcast %squeeze3A_175 : f32 to vector<16xf32>
        %mul3A_203 = arith.mulf %mul3A_202, %get3A_201 : vector<16xf32>
        %add3A_204 = arith.addf %add3A_157, %mul3A_203 : vector<16xf32>
        %add3A_205 = arith.constant 48 : i32
        %add3A_206 = arith.addi %mul3A_180, %add3A_205 : i32
        %get3A_207 = arith.index_cast %add3A_206 : i32 to index
        %get3A_208 = tpu.vector_load %arg5[%get3A_207] {strides = array<i32>} : memref<81920xf32, #tpu.memory_space<vmem>>, vector<16xf32>,
        %get3A_209 = vector.shape_cast %get3A_208 : vector<16xf32> to vector<16xf32>
        %mul3A_210 = vector.broadcast %squeeze3A_175 : f32 to vector<16xf32>
        %mul3A_211 = arith.mulf %mul3A_210, %get3A_209 : vector<16xf32>
        %add3A_212 = arith.addf %add3A_165, %mul3A_211 : vector<16xf32>
        %add3A_213 = arith.constant 64 : i32
        %add3A_214 = arith.addi %mul3A_180, %add3A_213 : i32
        %get3A_215 = arith.index_cast %add3A_214 : i32 to index
        %get3A_216 = tpu.vector_load %arg5[%get3A_215] {strides = array<i32>} : memref<81920xf32, #tpu.memory_space<vmem>>, vector<16xf32>,
        %get3A_217 = vector.shape_cast %get3A_216 : vector<16xf32> to vector<16xf32>
        %mul3A_218 = vector.broadcast %squeeze3A_175 : f32 to vector<16xf32>
        %mul3A_219 = arith.mulf %mul3A_218, %get3A_217 : vector<16xf32>
        %add3A_220 = arith.addf %add3A_173, %mul3A_219 : vector<16xf32>
        %slice3A_221 = vector.extract_strided_slice %get3A_26 {offsets = [4], sizes = [1], strides = [1]} : vector<16xf32> to vector<1xf32>
        %squeeze3A_222 = vector.extract %slice3A_221[0] : f32 from vector<1xf32>
        %slice3A_223 = vector.extract_strided_slice %get3A_26 {offsets = [12], sizes = [1], strides = [1]} : vector<16xf32> to vector<1xf32>
        %squeeze3A_224 = vector.extract %slice3A_223[0] : f32 from vector<1xf32>
        %convert_element_type3A_225 = arith.fptosi %squeeze3A_224 : f32 to i32
        %mul3A_226 = arith.constant 80 : i32
        %mul3A_227 = arith.muli %convert_element_type3A_225, %mul3A_226 : i32
        %add3A_228 = arith.constant 0 : i32
        %add3A_229 = arith.addi %mul3A_227, %add3A_228 : i32
        %get3A_230 = arith.index_cast %add3A_229 : i32 to index
        %get3A_231 = tpu.vector_load %arg5[%get3A_230] {strides = array<i32>} : memref<81920xf32, #tpu.memory_space<vmem>>, vector<16xf32>,
        %get3A_232 = vector.shape_cast %get3A_231 : vector<16xf32> to vector<16xf32>
        %mul3A_233 = vector.broadcast %squeeze3A_222 : f32 to vector<16xf32>
        %mul3A_234 = arith.mulf %mul3A_233, %get3A_232 : vector<16xf32>
        %add3A_235 = arith.addf %add3A_188, %mul3A_234 : vector<16xf32>
        %add3A_236 = arith.constant 16 : i32
        %add3A_237 = arith.addi %mul3A_227, %add3A_236 : i32
        %get3A_238 = arith.index_cast %add3A_237 : i32 to index
        %get3A_239 = tpu.vector_load %arg5[%get3A_238] {strides = array<i32>} : memref<81920xf32, #tpu.memory_space<vmem>>, vector<16xf32>,
        %get3A_240 = vector.shape_cast %get3A_239 : vector<16xf32> to vector<16xf32>
        %mul3A_241 = vector.broadcast %squeeze3A_222 : f32 to vector<16xf32>
        %mul3A_242 = arith.mulf %mul3A_241, %get3A_240 : vector<16xf32>
        %add3A_243 = arith.addf %add3A_196, %mul3A_242 : vector<16xf32>
        %add3A_244 = arith.constant 32 : i32
        %add3A_245 = arith.addi %mul3A_227, %add3A_244 : i32
        %get3A_246 = arith.index_cast %add3A_245 : i32 to index
        %get3A_247 = tpu.vector_load %arg5[%get3A_246] {strides = array<i32>} : memref<81920xf32, #tpu.memory_space<vmem>>, vector<16xf32>,
        %get3A_248 = vector.shape_cast %get3A_247 : vector<16xf32> to vector<16xf32>
        %mul3A_249 = vector.broadcast %squeeze3A_222 : f32 to vector<16xf32>
        %mul3A_250 = arith.mulf %mul3A_249, %get3A_248 : vector<16xf32>
        %add3A_251 = arith.addf %add3A_204, %mul3A_250 : vector<16xf32>
        %add3A_252 = arith.constant 48 : i32
        %add3A_253 = arith.addi %mul3A_227, %add3A_252 : i32
        %get3A_254 = arith.index_cast %add3A_253 : i32 to index
        %get3A_255 = tpu.vector_load %arg5[%get3A_254] {strides = array<i32>} : memref<81920xf32, #tpu.memory_space<vmem>>, vector<16xf32>,
        %get3A_256 = vector.shape_cast %get3A_255 : vector<16xf32> to vector<16xf32>
        %mul3A_257 = vector.broadcast %squeeze3A_222 : f32 to vector<16xf32>
        %mul3A_258 = arith.mulf %mul3A_257, %get3A_256 : vector<16xf32>
        %add3A_259 = arith.addf %add3A_212, %mul3A_258 : vector<16xf32>
        %add3A_260 = arith.constant 64 : i32
        %add3A_261 = arith.addi %mul3A_227, %add3A_260 : i32
        %get3A_262 = arith.index_cast %add3A_261 : i32 to index
        %get3A_263 = tpu.vector_load %arg5[%get3A_262] {strides = array<i32>} : memref<81920xf32, #tpu.memory_space<vmem>>, vector<16xf32>,
        %get3A_264 = vector.shape_cast %get3A_263 : vector<16xf32> to vector<16xf32>
        %mul3A_265 = vector.broadcast %squeeze3A_222 : f32 to vector<16xf32>
        %mul3A_266 = arith.mulf %mul3A_265, %get3A_264 : vector<16xf32>
        %add3A_267 = arith.addf %add3A_220, %mul3A_266 : vector<16xf32>
        %slice3A_268 = vector.extract_strided_slice %get3A_26 {offsets = [5], sizes = [1], strides = [1]} : vector<16xf32> to vector<1xf32>
        %squeeze3A_269 = vector.extract %slice3A_268[0] : f32 from vector<1xf32>
        %slice3A_270 = vector.extract_strided_slice %get3A_26 {offsets = [13], sizes = [1], strides = [1]} : vector<16xf32> to vector<1xf32>
        %squeeze3A_271 = vector.extract %slice3A_270[0] : f32 from vector<1xf32>
        %convert_element_type3A_272 = arith.fptosi %squeeze3A_271 : f32 to i32
        %mul3A_273 = arith.constant 80 : i32
        %mul3A_274 = arith.muli %convert_element_type3A_272, %mul3A_273 : i32
        %add3A_275 = arith.constant 0 : i32
        %add3A_276 = arith.addi %mul3A_274, %add3A_275 : i32
        %get3A_277 = arith.index_cast %add3A_276 : i32 to index
        %get3A_278 = tpu.vector_load %arg5[%get3A_277] {strides = array<i32>} : memref<81920xf32, #tpu.memory_space<vmem>>, vector<16xf32>,
        %get3A_279 = vector.shape_cast %get3A_278 : vector<16xf32> to vector<16xf32>
        %mul3A_280 = vector.broadcast %squeeze3A_269 : f32 to vector<16xf32>
        %mul3A_281 = arith.mulf %mul3A_280, %get3A_279 : vector<16xf32>
        %add3A_282 = arith.addf %add3A_235, %mul3A_281 : vector<16xf32>
        %add3A_283 = arith.constant 16 : i32
        %add3A_284 = arith.addi %mul3A_274, %add3A_283 : i32
        %get3A_285 = arith.index_cast %add3A_284 : i32 to index
        %get3A_286 = tpu.vector_load %arg5[%get3A_285] {strides = array<i32>} : memref<81920xf32, #tpu.memory_space<vmem>>, vector<16xf32>,
        %get3A_287 = vector.shape_cast %get3A_286 : vector<16xf32> to vector<16xf32>
        %mul3A_288 = vector.broadcast %squeeze3A_269 : f32 to vector<16xf32>
        %mul3A_289 = arith.mulf %mul3A_288, %get3A_287 : vector<16xf32>
        %add3A_290 = arith.addf %add3A_243, %mul3A_289 : vector<16xf32>
        %add3A_291 = arith.constant 32 : i32
        %add3A_292 = arith.addi %mul3A_274, %add3A_291 : i32
        %get3A_293 = arith.index_cast %add3A_292 : i32 to index
        %get3A_294 = tpu.vector_load %arg5[%get3A_293] {strides = array<i32>} : memref<81920xf32, #tpu.memory_space<vmem>>, vector<16xf32>,
        %get3A_295 = vector.shape_cast %get3A_294 : vector<16xf32> to vector<16xf32>
        %mul3A_296 = vector.broadcast %squeeze3A_269 : f32 to vector<16xf32>
        %mul3A_297 = arith.mulf %mul3A_296, %get3A_295 : vector<16xf32>
        %add3A_298 = arith.addf %add3A_251, %mul3A_297 : vector<16xf32>
        %add3A_299 = arith.constant 48 : i32
        %add3A_300 = arith.addi %mul3A_274, %add3A_299 : i32
        %get3A_301 = arith.index_cast %add3A_300 : i32 to index
        %get3A_302 = tpu.vector_load %arg5[%get3A_301] {strides = array<i32>} : memref<81920xf32, #tpu.memory_space<vmem>>, vector<16xf32>,
        %get3A_303 = vector.shape_cast %get3A_302 : vector<16xf32> to vector<16xf32>
        %mul3A_304 = vector.broadcast %squeeze3A_269 : f32 to vector<16xf32>
        %mul3A_305 = arith.mulf %mul3A_304, %get3A_303 : vector<16xf32>
        %add3A_306 = arith.addf %add3A_259, %mul3A_305 : vector<16xf32>
        %add3A_307 = arith.constant 64 : i32
        %add3A_308 = arith.addi %mul3A_274, %add3A_307 : i32
        %get3A_309 = arith.index_cast %add3A_308 : i32 to index
        %get3A_310 = tpu.vector_load %arg5[%get3A_309] {strides = array<i32>} : memref<81920xf32, #tpu.memory_space<vmem>>, vector<16xf32>,
        %get3A_311 = vector.shape_cast %get3A_310 : vector<16xf32> to vector<16xf32>
        %mul3A_312 = vector.broadcast %squeeze3A_269 : f32 to vector<16xf32>
        %mul3A_313 = arith.mulf %mul3A_312, %get3A_311 : vector<16xf32>
        %add3A_314 = arith.addf %add3A_267, %mul3A_313 : vector<16xf32>
        %slice3A_315 = vector.extract_strided_slice %get3A_26 {offsets = [6], sizes = [1], strides = [1]} : vector<16xf32> to vector<1xf32>
        %squeeze3A_316 = vector.extract %slice3A_315[0] : f32 from vector<1xf32>
        %slice3A_317 = vector.extract_strided_slice %get3A_26 {offsets = [14], sizes = [1], strides = [1]} : vector<16xf32> to vector<1xf32>
        %squeeze3A_318 = vector.extract %slice3A_317[0] : f32 from vector<1xf32>
        %convert_element_type3A_319 = arith.fptosi %squeeze3A_318 : f32 to i32
        %mul3A_320 = arith.constant 80 : i32
        %mul3A_321 = arith.muli %convert_element_type3A_319, %mul3A_320 : i32
        %add3A_322 = arith.constant 0 : i32
        %add3A_323 = arith.addi %mul3A_321, %add3A_322 : i32
        %get3A_324 = arith.index_cast %add3A_323 : i32 to index
        %get3A_325 = tpu.vector_load %arg5[%get3A_324] {strides = array<i32>} : memref<81920xf32, #tpu.memory_space<vmem>>, vector<16xf32>,
        %get3A_326 = vector.shape_cast %get3A_325 : vector<16xf32> to vector<16xf32>
        %mul3A_327 = vector.broadcast %squeeze3A_316 : f32 to vector<16xf32>
        %mul3A_328 = arith.mulf %mul3A_327, %get3A_326 : vector<16xf32>
        %add3A_329 = arith.addf %add3A_282, %mul3A_328 : vector<16xf32>
        %add3A_330 = arith.constant 16 : i32
        %add3A_331 = arith.addi %mul3A_321, %add3A_330 : i32
        %get3A_332 = arith.index_cast %add3A_331 : i32 to index
        %get3A_333 = tpu.vector_load %arg5[%get3A_332] {strides = array<i32>} : memref<81920xf32, #tpu.memory_space<vmem>>, vector<16xf32>,
        %get3A_334 = vector.shape_cast %get3A_333 : vector<16xf32> to vector<16xf32>
        %mul3A_335 = vector.broadcast %squeeze3A_316 : f32 to vector<16xf32>
        %mul3A_336 = arith.mulf %mul3A_335, %get3A_334 : vector<16xf32>
        %add3A_337 = arith.addf %add3A_290, %mul3A_336 : vector<16xf32>
        %add3A_338 = arith.constant 32 : i32
        %add3A_339 = arith.addi %mul3A_321, %add3A_338 : i32
        %get3A_340 = arith.index_cast %add3A_339 : i32 to index
        %get3A_341 = tpu.vector_load %arg5[%get3A_340] {strides = array<i32>} : memref<81920xf32, #tpu.memory_space<vmem>>, vector<16xf32>,
        %get3A_342 = vector.shape_cast %get3A_341 : vector<16xf32> to vector<16xf32>
        %mul3A_343 = vector.broadcast %squeeze3A_316 : f32 to vector<16xf32>
        %mul3A_344 = arith.mulf %mul3A_343, %get3A_342 : vector<16xf32>
        %add3A_345 = arith.addf %add3A_298, %mul3A_344 : vector<16xf32>
        %add3A_346 = arith.constant 48 : i32
        %add3A_347 = arith.addi %mul3A_321, %add3A_346 : i32
        %get3A_348 = arith.index_cast %add3A_347 : i32 to index
        %get3A_349 = tpu.vector_load %arg5[%get3A_348] {strides = array<i32>} : memref<81920xf32, #tpu.memory_space<vmem>>, vector<16xf32>,
        %get3A_350 = vector.shape_cast %get3A_349 : vector<16xf32> to vector<16xf32>
        %mul3A_351 = vector.broadcast %squeeze3A_316 : f32 to vector<16xf32>
        %mul3A_352 = arith.mulf %mul3A_351, %get3A_350 : vector<16xf32>
        %add3A_353 = arith.addf %add3A_306, %mul3A_352 : vector<16xf32>
        %add3A_354 = arith.constant 64 : i32
        %add3A_355 = arith.addi %mul3A_321, %add3A_354 : i32
        %get3A_356 = arith.index_cast %add3A_355 : i32 to index
        %get3A_357 = tpu.vector_load %arg5[%get3A_356] {strides = array<i32>} : memref<81920xf32, #tpu.memory_space<vmem>>, vector<16xf32>,
        %get3A_358 = vector.shape_cast %get3A_357 : vector<16xf32> to vector<16xf32>
        %mul3A_359 = vector.broadcast %squeeze3A_316 : f32 to vector<16xf32>
        %mul3A_360 = arith.mulf %mul3A_359, %get3A_358 : vector<16xf32>
        %add3A_361 = arith.addf %add3A_314, %mul3A_360 : vector<16xf32>
        %slice3A_362 = vector.extract_strided_slice %get3A_26 {offsets = [7], sizes = [1], strides = [1]} : vector<16xf32> to vector<1xf32>
        %squeeze3A_363 = vector.extract %slice3A_362[0] : f32 from vector<1xf32>
        %slice3A_364 = vector.extract_strided_slice %get3A_26 {offsets = [15], sizes = [1], strides = [1]} : vector<16xf32> to vector<1xf32>
        %squeeze3A_365 = vector.extract %slice3A_364[0] : f32 from vector<1xf32>
        %convert_element_type3A_366 = arith.fptosi %squeeze3A_365 : f32 to i32
        %mul3A_367 = arith.constant 80 : i32
        %mul3A_368 = arith.muli %convert_element_type3A_366, %mul3A_367 : i32
        %add3A_369 = arith.constant 0 : i32
        %add3A_370 = arith.addi %mul3A_368, %add3A_369 : i32
        %get3A_371 = arith.index_cast %add3A_370 : i32 to index
        %get3A_372 = tpu.vector_load %arg5[%get3A_371] {strides = array<i32>} : memref<81920xf32, #tpu.memory_space<vmem>>, vector<16xf32>,
        %get3A_373 = vector.shape_cast %get3A_372 : vector<16xf32> to vector<16xf32>
        %mul3A_374 = vector.broadcast %squeeze3A_363 : f32 to vector<16xf32>
        %mul3A_375 = arith.mulf %mul3A_374, %get3A_373 : vector<16xf32>
        %add3A_376 = arith.addf %add3A_329, %mul3A_375 : vector<16xf32>
        %add3A_377 = arith.constant 16 : i32
        %add3A_378 = arith.addi %mul3A_368, %add3A_377 : i32
        %get3A_379 = arith.index_cast %add3A_378 : i32 to index
        %get3A_380 = tpu.vector_load %arg5[%get3A_379] {strides = array<i32>} : memref<81920xf32, #tpu.memory_space<vmem>>, vector<16xf32>,
        %get3A_381 = vector.shape_cast %get3A_380 : vector<16xf32> to vector<16xf32>
        %mul3A_382 = vector.broadcast %squeeze3A_363 : f32 to vector<16xf32>
        %mul3A_383 = arith.mulf %mul3A_382, %get3A_381 : vector<16xf32>
        %add3A_384 = arith.addf %add3A_337, %mul3A_383 : vector<16xf32>
        %add3A_385 = arith.constant 32 : i32
        %add3A_386 = arith.addi %mul3A_368, %add3A_385 : i32
        %get3A_387 = arith.index_cast %add3A_386 : i32 to index
        %get3A_388 = tpu.vector_load %arg5[%get3A_387] {strides = array<i32>} : memref<81920xf32, #tpu.memory_space<vmem>>, vector<16xf32>,
        %get3A_389 = vector.shape_cast %get3A_388 : vector<16xf32> to vector<16xf32>
        %mul3A_390 = vector.broadcast %squeeze3A_363 : f32 to vector<16xf32>
        %mul3A_391 = arith.mulf %mul3A_390, %get3A_389 : vector<16xf32>
        %add3A_392 = arith.addf %add3A_345, %mul3A_391 : vector<16xf32>
        %add3A_393 = arith.constant 48 : i32
        %add3A_394 = arith.addi %mul3A_368, %add3A_393 : i32
        %get3A_395 = arith.index_cast %add3A_394 : i32 to index
        %get3A_396 = tpu.vector_load %arg5[%get3A_395] {strides = array<i32>} : memref<81920xf32, #tpu.memory_space<vmem>>, vector<16xf32>,
        %get3A_397 = vector.shape_cast %get3A_396 : vector<16xf32> to vector<16xf32>
        %mul3A_398 = vector.broadcast %squeeze3A_363 : f32 to vector<16xf32>
        %mul3A_399 = arith.mulf %mul3A_398, %get3A_397 : vector<16xf32>
        %add3A_400 = arith.addf %add3A_353, %mul3A_399 : vector<16xf32>
        %add3A_401 = arith.constant 64 : i32
        %add3A_402 = arith.addi %mul3A_368, %add3A_401 : i32
        %get3A_403 = arith.index_cast %add3A_402 : i32 to index
        %get3A_404 = tpu.vector_load %arg5[%get3A_403] {strides = array<i32>} : memref<81920xf32, #tpu.memory_space<vmem>>, vector<16xf32>,
        %get3A_405 = vector.shape_cast %get3A_404 : vector<16xf32> to vector<16xf32>
        %mul3A_406 = vector.broadcast %squeeze3A_363 : f32 to vector<16xf32>
        %mul3A_407 = arith.mulf %mul3A_406, %get3A_405 : vector<16xf32>
        %add3A_408 = arith.addf %add3A_361, %mul3A_407 : vector<16xf32>
        %swap3A = arith.index_cast %scan3A_22 : i32 to index
        %swap3A_409 = arith.constant 0 : index
        %swap3A_410 = tpu.vector_load %arg7[%swap3A, %swap3A_409] {strides = array<i32>} : memref<128x80xf32, #tpu.memory_space<vmem>>, vector<1x16xf32>,
        %swap3A_411 = vector.shape_cast %swap3A_410 : vector<1x16xf32> to vector<16xf32>
        %swap3A_412 = vector.shape_cast %add3A_376 : vector<16xf32> to vector<1x16xf32>
        tpu.vector_store %arg7[%swap3A, %swap3A_409], %swap3A_412 {strides = array<i32>} : memref<128x80xf32, #tpu.memory_space<vmem>>, vector<1x16xf32>,
        %swap3A_413 = arith.index_cast %scan3A_22 : i32 to index
        %swap3A_414 = arith.constant 16 : index
        %swap3A_415 = tpu.vector_load %arg7[%swap3A_413, %swap3A_414] {strides = array<i32>} : memref<128x80xf32, #tpu.memory_space<vmem>>, vector<1x16xf32>,
        %swap3A_416 = vector.shape_cast %swap3A_415 : vector<1x16xf32> to vector<16xf32>
        %swap3A_417 = vector.shape_cast %add3A_384 : vector<16xf32> to vector<1x16xf32>
        tpu.vector_store %arg7[%swap3A_413, %swap3A_414], %swap3A_417 {strides = array<i32>} : memref<128x80xf32, #tpu.memory_space<vmem>>, vector<1x16xf32>,
        %swap3A_418 = arith.index_cast %scan3A_22 : i32 to index
        %swap3A_419 = arith.constant 32 : index
        %swap3A_420 = tpu.vector_load %arg7[%swap3A_418, %swap3A_419] {strides = array<i32>} : memref<128x80xf32, #tpu.memory_space<vmem>>, vector<1x16xf32>,
        %swap3A_421 = vector.shape_cast %swap3A_420 : vector<1x16xf32> to vector<16xf32>
        %swap3A_422 = vector.shape_cast %add3A_392 : vector<16xf32> to vector<1x16xf32>
        tpu.vector_store %arg7[%swap3A_418, %swap3A_419], %swap3A_422 {strides = array<i32>} : memref<128x80xf32, #tpu.memory_space<vmem>>, vector<1x16xf32>,
        %swap3A_423 = arith.index_cast %scan3A_22 : i32 to index
        %swap3A_424 = arith.constant 48 : index
        %swap3A_425 = tpu.vector_load %arg7[%swap3A_423, %swap3A_424] {strides = array<i32>} : memref<128x80xf32, #tpu.memory_space<vmem>>, vector<1x16xf32>,
        %swap3A_426 = vector.shape_cast %swap3A_425 : vector<1x16xf32> to vector<16xf32>
        %swap3A_427 = vector.shape_cast %add3A_400 : vector<16xf32> to vector<1x16xf32>
        tpu.vector_store %arg7[%swap3A_423, %swap3A_424], %swap3A_427 {strides = array<i32>} : memref<128x80xf32, #tpu.memory_space<vmem>>, vector<1x16xf32>,
        %swap3A_428 = arith.index_cast %scan3A_22 : i32 to index
        %swap3A_429 = arith.constant 64 : index
        %swap3A_430 = tpu.vector_load %arg7[%swap3A_428, %swap3A_429] {strides = array<i32>} : memref<128x80xf32, #tpu.memory_space<vmem>>, vector<1x16xf32>,
        %swap3A_431 = vector.shape_cast %swap3A_430 : vector<1x16xf32> to vector<16xf32>
        %swap3A_432 = vector.shape_cast %add3A_408 : vector<16xf32> to vector<1x16xf32>
        tpu.vector_store %arg7[%swap3A_428, %swap3A_429], %swap3A_432 {strides = array<i32>} : memref<128x80xf32, #tpu.memory_space<vmem>>, vector<1x16xf32>,
        %scan3A_433 = arith.constant 0 : i32
        scf.yield %scan3A_433 : i32
      }
      %scan3A_20 = arith.constant 128 : i32
      "tpu.region"() ({
        %run_scoped3A = tpu.sem_alloc : memref<!tpu.dma_semaphore, #tpu.memory_space<semaphore_mem>>
        %dma_start3A = arith.constant 0 : i32
        %dma_start3A_22 = tpu.memref_slice %arg4[%add3A_13, %dma_start3A] : memref<16384x80xf32, #tpu.memory_space<hbm>> -> memref<128x80xf32, #tpu.memory_space<hbm>>
        %dma_start3A_23 = arith.constant 0 : i32
        %dma_start3A_24 = tpu.memref_slice %arg4[%add3A_13, %dma_start3A_23] : memref<16384x80xf32, #tpu.memory_space<hbm>> -> memref<128x80xf32, #tpu.memory_space<hbm>>
        tpu.enqueue_dma source(%arg7 : memref<128x80xf32, #tpu.memory_space<vmem>>) target(%dma_start3A_24 : memref<128x80xf32, #tpu.memory_space<hbm>>) target_semaphore(%run_scoped3A : memref<!tpu.dma_semaphore, #tpu.memory_space<semaphore_mem>>)
        %dma_wait3A = arith.constant 0 : i32
        %dma_wait3A_25 = tpu.memref_slice %arg4[%add3A_13, %dma_wait3A] : memref<16384x80xf32, #tpu.memory_space<hbm>> -> memref<128x80xf32, #tpu.memory_space<hbm>>
        %dma_wait3A_26 = arith.constant 0 : i32
        %dma_wait3A_27 = tpu.memref_slice %arg4[%add3A_13, %dma_wait3A_26] : memref<16384x80xf32, #tpu.memory_space<hbm>> -> memref<128x80xf32, #tpu.memory_space<hbm>>
        tpu.wait_dma2 semaphore(%run_scoped3A : memref<!tpu.dma_semaphore, #tpu.memory_space<semaphore_mem>>) src(%arg7 : memref<128x80xf32, #tpu.memory_space<vmem>>) dst(%dma_wait3A_27 : memref<128x80xf32, #tpu.memory_space<hbm>>)
        tpu.yield
      }) : () -> ()
      %scan3A_21 = arith.constant 0 : i32
      scf.yield %scan3A_21 : i32
    }
    %scan3A_8 = arith.constant 4 : i32
    return
  }
}

module attributes {stable_mosaic.version = 14 : i64} {
  func.func @_knn_block(%arg0: i32, %arg1: memref<256x3xf32, #tpu.memory_space<vmem>>, %arg2: memref<1x3x1024xf32, #tpu.memory_space<vmem>>, %arg3: memref<256x16xf32, #tpu.memory_space<vmem>>, %arg4: memref<256x1xf32, #tpu.memory_space<vmem>>) attributes {dimension_semantics = [#tpu.dimension_semantics<arbitrary>], iteration_bounds = array<i64: 64>, scalar_prefetch = 0 : i64, scratch_operands = 0 : i64, tpu.core_type = #tpu.core_type<tc>, window_params = [{transform_indices = @transform_0, window_bounds = array<i64: 256, 3>}, {pipeline_mode = #tpu.pipeline_mode<synchronous>, transform_indices = @transform_1, window_bounds = array<i64: 1, 3, 1024>}, {transform_indices = @transform_2, window_bounds = array<i64: 256, 16>}, {transform_indices = @transform_3, window_bounds = array<i64: 256, 1>}]} {
    %get3A = arith.constant 0 : index
    %get3A_0 = arith.constant 0 : index
    %get3A_1 = vector.load %arg1[%get3A, %get3A_0] : memref<256x3xf32, #tpu.memory_space<vmem>>, vector<256x3xf32>
    %get3A_2 = arith.constant 0 : index
    %get3A_3 = arith.constant 0 : index
    %get3A_4 = arith.constant 0 : index
    %get3A_5 = vector.load %arg2[%get3A_2, %get3A_3, %get3A_4] : memref<1x3x1024xf32, #tpu.memory_space<vmem>>, vector<1x3x1024xf32>
    %get3A_6 = vector.shape_cast %get3A_5 : vector<1x3x1024xf32> to vector<3x1024xf32>
    %mul3A = arith.mulf %get3A_1, %get3A_1 : vector<256x3xf32>
    %reduce_sum3A = arith.constant dense<0.000000e+00> : vector<256xf32>
    %reduce_sum3A_7 = vector.multi_reduction <add>, %mul3A, %reduce_sum3A [1] : vector<256x3xf32> to vector<256xf32>
    %broadcast_in_dim3A = vector.shape_cast %reduce_sum3A_7 : vector<256xf32> to vector<256x1xf32>
    %mul3A_8 = arith.mulf %get3A_6, %get3A_6 : vector<3x1024xf32>
    %reduce_sum3A_9 = arith.constant dense<0.000000e+00> : vector<1024xf32>
    %reduce_sum3A_10 = vector.multi_reduction <add>, %mul3A_8, %reduce_sum3A_9 [0] : vector<3x1024xf32> to vector<1024xf32>
    %broadcast_in_dim3A_11 = vector.shape_cast %reduce_sum3A_10 : vector<1024xf32> to vector<1x1024xf32>
    %dot_general3A = arith.constant dense<0.000000e+00> : vector<256x1024xf32>
    %dot_general3A_12 = tpu.matmul %get3A_1, %get3A_6, %dot_general3A {dimension_numbers = #tpu.dot_dimension_numbers<[1], [0], [0], [1], [0, 0, 1, 1], [], []>, transpose_lhs_hint = false} : vector<256x3xf32>, vector<3x1024xf32>, vector<256x1024xf32> -> vector<256x1024xf32>
    %mul3A_13 = arith.constant 2.000000e+00 : f32
    %mul3A_14 = vector.broadcast %mul3A_13 : f32 to vector<256x1024xf32>
    %mul3A_15 = arith.mulf %mul3A_14, %dot_general3A_12 : vector<256x1024xf32>
    %sub3A = vector.broadcast %broadcast_in_dim3A : vector<256x1xf32> to vector<256x1024xf32>
    %sub3A_16 = arith.subf %sub3A, %mul3A_15 : vector<256x1024xf32>
    %add3A = vector.broadcast %broadcast_in_dim3A_11 : vector<1x1024xf32> to vector<256x1024xf32>
    %add3A_17 = arith.addf %sub3A_16, %add3A : vector<256x1024xf32>
    %iota3A = tpu.iota {dimensions = array<i32: 1>} : vector<256x1024xi32>
    %convert_element_type3A = arith.sitofp %iota3A : vector<256x1024xi32> to vector<256x1024xf32>
    %reduce_min3A = arith.constant dense<0x7F800000> : vector<256xf32>
    %reduce_min3A_18 = vector.multi_reduction <minimumf>, %add3A_17, %reduce_min3A [1] : vector<256x1024xf32> to vector<256xf32>
    %broadcast_in_dim3A_19 = vector.shape_cast %reduce_min3A_18 : vector<256xf32> to vector<256x1xf32>
    %eq3A = vector.broadcast %broadcast_in_dim3A_19 : vector<256x1xf32> to vector<256x1024xf32>
    %eq3A_20 = arith.cmpf oeq, %add3A_17, %eq3A : vector<256x1024xf32>
    %jit3A = arith.constant 3.000000e+38 : f32
    %broadcast_in_dim3A_21 = vector.broadcast %jit3A : f32 to vector<256x1024xf32>
    %select_n3A = arith.select %eq3A_20, %broadcast_in_dim3A_21, %add3A_17 : vector<256x1024xi1>, vector<256x1024xf32>
    %jit3A_22 = arith.constant 3.000000e+38 : f32
    %broadcast_in_dim3A_23 = vector.broadcast %jit3A_22 : f32 to vector<256x1024xf32>
    %select_n3A_24 = arith.select %eq3A_20, %convert_element_type3A, %broadcast_in_dim3A_23 : vector<256x1024xi1>, vector<256x1024xf32>
    %reduce_min3A_25 = arith.constant dense<0x7F800000> : vector<256xf32>
    %reduce_min3A_26 = vector.multi_reduction <minimumf>, %select_n3A_24, %reduce_min3A_25 [1] : vector<256x1024xf32> to vector<256xf32>
    %broadcast_in_dim3A_27 = vector.shape_cast %reduce_min3A_26 : vector<256xf32> to vector<256x1xf32>
    %reduce_min3A_28 = arith.constant dense<0x7F800000> : vector<256xf32>
    %reduce_min3A_29 = vector.multi_reduction <minimumf>, %select_n3A, %reduce_min3A_28 [1] : vector<256x1024xf32> to vector<256xf32>
    %broadcast_in_dim3A_30 = vector.shape_cast %reduce_min3A_29 : vector<256xf32> to vector<256x1xf32>
    %eq3A_31 = vector.broadcast %broadcast_in_dim3A_30 : vector<256x1xf32> to vector<256x1024xf32>
    %eq3A_32 = arith.cmpf oeq, %select_n3A, %eq3A_31 : vector<256x1024xf32>
    %jit3A_33 = arith.constant 3.000000e+38 : f32
    %broadcast_in_dim3A_34 = vector.broadcast %jit3A_33 : f32 to vector<256x1024xf32>
    %select_n3A_35 = arith.select %eq3A_32, %broadcast_in_dim3A_34, %select_n3A : vector<256x1024xi1>, vector<256x1024xf32>
    %jit3A_36 = arith.constant 3.000000e+38 : f32
    %broadcast_in_dim3A_37 = vector.broadcast %jit3A_36 : f32 to vector<256x1024xf32>
    %select_n3A_38 = arith.select %eq3A_32, %convert_element_type3A, %broadcast_in_dim3A_37 : vector<256x1024xi1>, vector<256x1024xf32>
    %reduce_min3A_39 = arith.constant dense<0x7F800000> : vector<256xf32>
    %reduce_min3A_40 = vector.multi_reduction <minimumf>, %select_n3A_38, %reduce_min3A_39 [1] : vector<256x1024xf32> to vector<256xf32>
    %broadcast_in_dim3A_41 = vector.shape_cast %reduce_min3A_40 : vector<256xf32> to vector<256x1xf32>
    %reduce_min3A_42 = arith.constant dense<0x7F800000> : vector<256xf32>
    %reduce_min3A_43 = vector.multi_reduction <minimumf>, %select_n3A_35, %reduce_min3A_42 [1] : vector<256x1024xf32> to vector<256xf32>
    %broadcast_in_dim3A_44 = vector.shape_cast %reduce_min3A_43 : vector<256xf32> to vector<256x1xf32>
    %eq3A_45 = vector.broadcast %broadcast_in_dim3A_44 : vector<256x1xf32> to vector<256x1024xf32>
    %eq3A_46 = arith.cmpf oeq, %select_n3A_35, %eq3A_45 : vector<256x1024xf32>
    %jit3A_47 = arith.constant 3.000000e+38 : f32
    %broadcast_in_dim3A_48 = vector.broadcast %jit3A_47 : f32 to vector<256x1024xf32>
    %select_n3A_49 = arith.select %eq3A_46, %broadcast_in_dim3A_48, %select_n3A_35 : vector<256x1024xi1>, vector<256x1024xf32>
    %jit3A_50 = arith.constant 3.000000e+38 : f32
    %broadcast_in_dim3A_51 = vector.broadcast %jit3A_50 : f32 to vector<256x1024xf32>
    %select_n3A_52 = arith.select %eq3A_46, %convert_element_type3A, %broadcast_in_dim3A_51 : vector<256x1024xi1>, vector<256x1024xf32>
    %reduce_min3A_53 = arith.constant dense<0x7F800000> : vector<256xf32>
    %reduce_min3A_54 = vector.multi_reduction <minimumf>, %select_n3A_52, %reduce_min3A_53 [1] : vector<256x1024xf32> to vector<256xf32>
    %broadcast_in_dim3A_55 = vector.shape_cast %reduce_min3A_54 : vector<256xf32> to vector<256x1xf32>
    %reduce_min3A_56 = arith.constant dense<0x7F800000> : vector<256xf32>
    %reduce_min3A_57 = vector.multi_reduction <minimumf>, %select_n3A_49, %reduce_min3A_56 [1] : vector<256x1024xf32> to vector<256xf32>
    %broadcast_in_dim3A_58 = vector.shape_cast %reduce_min3A_57 : vector<256xf32> to vector<256x1xf32>
    %eq3A_59 = vector.broadcast %broadcast_in_dim3A_58 : vector<256x1xf32> to vector<256x1024xf32>
    %eq3A_60 = arith.cmpf oeq, %select_n3A_49, %eq3A_59 : vector<256x1024xf32>
    %jit3A_61 = arith.constant 3.000000e+38 : f32
    %broadcast_in_dim3A_62 = vector.broadcast %jit3A_61 : f32 to vector<256x1024xf32>
    %select_n3A_63 = arith.select %eq3A_60, %broadcast_in_dim3A_62, %select_n3A_49 : vector<256x1024xi1>, vector<256x1024xf32>
    %jit3A_64 = arith.constant 3.000000e+38 : f32
    %broadcast_in_dim3A_65 = vector.broadcast %jit3A_64 : f32 to vector<256x1024xf32>
    %select_n3A_66 = arith.select %eq3A_60, %convert_element_type3A, %broadcast_in_dim3A_65 : vector<256x1024xi1>, vector<256x1024xf32>
    %reduce_min3A_67 = arith.constant dense<0x7F800000> : vector<256xf32>
    %reduce_min3A_68 = vector.multi_reduction <minimumf>, %select_n3A_66, %reduce_min3A_67 [1] : vector<256x1024xf32> to vector<256xf32>
    %broadcast_in_dim3A_69 = vector.shape_cast %reduce_min3A_68 : vector<256xf32> to vector<256x1xf32>
    %reduce_min3A_70 = arith.constant dense<0x7F800000> : vector<256xf32>
    %reduce_min3A_71 = vector.multi_reduction <minimumf>, %select_n3A_63, %reduce_min3A_70 [1] : vector<256x1024xf32> to vector<256xf32>
    %broadcast_in_dim3A_72 = vector.shape_cast %reduce_min3A_71 : vector<256xf32> to vector<256x1xf32>
    %eq3A_73 = vector.broadcast %broadcast_in_dim3A_72 : vector<256x1xf32> to vector<256x1024xf32>
    %eq3A_74 = arith.cmpf oeq, %select_n3A_63, %eq3A_73 : vector<256x1024xf32>
    %jit3A_75 = arith.constant 3.000000e+38 : f32
    %broadcast_in_dim3A_76 = vector.broadcast %jit3A_75 : f32 to vector<256x1024xf32>
    %select_n3A_77 = arith.select %eq3A_74, %broadcast_in_dim3A_76, %select_n3A_63 : vector<256x1024xi1>, vector<256x1024xf32>
    %jit3A_78 = arith.constant 3.000000e+38 : f32
    %broadcast_in_dim3A_79 = vector.broadcast %jit3A_78 : f32 to vector<256x1024xf32>
    %select_n3A_80 = arith.select %eq3A_74, %convert_element_type3A, %broadcast_in_dim3A_79 : vector<256x1024xi1>, vector<256x1024xf32>
    %reduce_min3A_81 = arith.constant dense<0x7F800000> : vector<256xf32>
    %reduce_min3A_82 = vector.multi_reduction <minimumf>, %select_n3A_80, %reduce_min3A_81 [1] : vector<256x1024xf32> to vector<256xf32>
    %broadcast_in_dim3A_83 = vector.shape_cast %reduce_min3A_82 : vector<256xf32> to vector<256x1xf32>
    %reduce_min3A_84 = arith.constant dense<0x7F800000> : vector<256xf32>
    %reduce_min3A_85 = vector.multi_reduction <minimumf>, %select_n3A_77, %reduce_min3A_84 [1] : vector<256x1024xf32> to vector<256xf32>
    %broadcast_in_dim3A_86 = vector.shape_cast %reduce_min3A_85 : vector<256xf32> to vector<256x1xf32>
    %eq3A_87 = vector.broadcast %broadcast_in_dim3A_86 : vector<256x1xf32> to vector<256x1024xf32>
    %eq3A_88 = arith.cmpf oeq, %select_n3A_77, %eq3A_87 : vector<256x1024xf32>
    %jit3A_89 = arith.constant 3.000000e+38 : f32
    %broadcast_in_dim3A_90 = vector.broadcast %jit3A_89 : f32 to vector<256x1024xf32>
    %select_n3A_91 = arith.select %eq3A_88, %broadcast_in_dim3A_90, %select_n3A_77 : vector<256x1024xi1>, vector<256x1024xf32>
    %jit3A_92 = arith.constant 3.000000e+38 : f32
    %broadcast_in_dim3A_93 = vector.broadcast %jit3A_92 : f32 to vector<256x1024xf32>
    %select_n3A_94 = arith.select %eq3A_88, %convert_element_type3A, %broadcast_in_dim3A_93 : vector<256x1024xi1>, vector<256x1024xf32>
    %reduce_min3A_95 = arith.constant dense<0x7F800000> : vector<256xf32>
    %reduce_min3A_96 = vector.multi_reduction <minimumf>, %select_n3A_94, %reduce_min3A_95 [1] : vector<256x1024xf32> to vector<256xf32>
    %broadcast_in_dim3A_97 = vector.shape_cast %reduce_min3A_96 : vector<256xf32> to vector<256x1xf32>
    %reduce_min3A_98 = arith.constant dense<0x7F800000> : vector<256xf32>
    %reduce_min3A_99 = vector.multi_reduction <minimumf>, %select_n3A_91, %reduce_min3A_98 [1] : vector<256x1024xf32> to vector<256xf32>
    %broadcast_in_dim3A_100 = vector.shape_cast %reduce_min3A_99 : vector<256xf32> to vector<256x1xf32>
    %eq3A_101 = vector.broadcast %broadcast_in_dim3A_100 : vector<256x1xf32> to vector<256x1024xf32>
    %eq3A_102 = arith.cmpf oeq, %select_n3A_91, %eq3A_101 : vector<256x1024xf32>
    %jit3A_103 = arith.constant 3.000000e+38 : f32
    %broadcast_in_dim3A_104 = vector.broadcast %jit3A_103 : f32 to vector<256x1024xf32>
    %select_n3A_105 = arith.select %eq3A_102, %broadcast_in_dim3A_104, %select_n3A_91 : vector<256x1024xi1>, vector<256x1024xf32>
    %jit3A_106 = arith.constant 3.000000e+38 : f32
    %broadcast_in_dim3A_107 = vector.broadcast %jit3A_106 : f32 to vector<256x1024xf32>
    %select_n3A_108 = arith.select %eq3A_102, %convert_element_type3A, %broadcast_in_dim3A_107 : vector<256x1024xi1>, vector<256x1024xf32>
    %reduce_min3A_109 = arith.constant dense<0x7F800000> : vector<256xf32>
    %reduce_min3A_110 = vector.multi_reduction <minimumf>, %select_n3A_108, %reduce_min3A_109 [1] : vector<256x1024xf32> to vector<256xf32>
    %broadcast_in_dim3A_111 = vector.shape_cast %reduce_min3A_110 : vector<256xf32> to vector<256x1xf32>
    %reduce_min3A_112 = arith.constant dense<0x7F800000> : vector<256xf32>
    %reduce_min3A_113 = vector.multi_reduction <minimumf>, %select_n3A_105, %reduce_min3A_112 [1] : vector<256x1024xf32> to vector<256xf32>
    %broadcast_in_dim3A_114 = vector.shape_cast %reduce_min3A_113 : vector<256xf32> to vector<256x1xf32>
    %eq3A_115 = vector.broadcast %broadcast_in_dim3A_114 : vector<256x1xf32> to vector<256x1024xf32>
    %eq3A_116 = arith.cmpf oeq, %select_n3A_105, %eq3A_115 : vector<256x1024xf32>
    %jit3A_117 = arith.constant 3.000000e+38 : f32
    %broadcast_in_dim3A_118 = vector.broadcast %jit3A_117 : f32 to vector<256x1024xf32>
    %select_n3A_119 = arith.select %eq3A_116, %convert_element_type3A, %broadcast_in_dim3A_118 : vector<256x1024xi1>, vector<256x1024xf32>
    %reduce_min3A_120 = arith.constant dense<0x7F800000> : vector<256xf32>
    %reduce_min3A_121 = vector.multi_reduction <minimumf>, %select_n3A_119, %reduce_min3A_120 [1] : vector<256x1024xf32> to vector<256xf32>
    %broadcast_in_dim3A_122 = vector.shape_cast %reduce_min3A_121 : vector<256xf32> to vector<256x1xf32>
    %concatenate3A = tpu.concatenate %broadcast_in_dim3A_19, %broadcast_in_dim3A_30, %broadcast_in_dim3A_44, %broadcast_in_dim3A_58, %broadcast_in_dim3A_72, %broadcast_in_dim3A_86, %broadcast_in_dim3A_100, %broadcast_in_dim3A_114 in 1 : vector<256x1xf32>, vector<256x1xf32>, vector<256x1xf32>, vector<256x1xf32>, vector<256x1xf32>, vector<256x1xf32>, vector<256x1xf32>, vector<256x1xf32> -> vector<256x8xf32>
    %max3A = arith.constant 0.000000e+00 : f32
    %max3A_123 = vector.broadcast %max3A : f32 to vector<256x8xf32>
    %max3A_124 = arith.maximumf %concatenate3A, %max3A_123 : vector<256x8xf32>
    %slice3A = vector.extract_strided_slice %max3A_124 {offsets = [0, 0], sizes = [256, 1], strides = [1, 1]} : vector<256x8xf32> to vector<256x1xf32>
    %swap3A = arith.constant 0 : index
    %swap3A_125 = arith.constant 0 : index
    %swap3A_126 = vector.load %arg4[%swap3A, %swap3A_125] : memref<256x1xf32, #tpu.memory_space<vmem>>, vector<256x1xf32>
    tpu.vector_store %arg4[%swap3A, %swap3A_125], %slice3A {strides = array<i32>} : memref<256x1xf32, #tpu.memory_space<vmem>>, vector<256x1xf32>,
    %sqrt3A = math.sqrt %max3A_124 : vector<256x8xf32>
    %add3A_127 = arith.constant 9.99999993E-9 : f32
    %add3A_128 = vector.broadcast %add3A_127 : f32 to vector<256x8xf32>
    %add3A_129 = arith.addf %sqrt3A, %add3A_128 : vector<256x8xf32>
    %div3A = arith.constant 1.000000e+00 : f32
    %div3A_130 = vector.broadcast %div3A : f32 to vector<256x8xf32>
    %div3A_131 = arith.divf %div3A_130, %add3A_129 : vector<256x8xf32>
    %reduce_sum3A_132 = arith.constant dense<0.000000e+00> : vector<256xf32>
    %reduce_sum3A_133 = vector.multi_reduction <add>, %div3A_131, %reduce_sum3A_132 [1] : vector<256x8xf32> to vector<256xf32>
    %broadcast_in_dim3A_134 = vector.shape_cast %reduce_sum3A_133 : vector<256xf32> to vector<256x1xf32>
    %div3A_135 = vector.broadcast %broadcast_in_dim3A_134 : vector<256x1xf32> to vector<256x8xf32>
    %div3A_136 = arith.divf %div3A_131, %div3A_135 : vector<256x8xf32>
    %concatenate3A_137 = tpu.concatenate %div3A_136, %broadcast_in_dim3A_27, %broadcast_in_dim3A_41, %broadcast_in_dim3A_55, %broadcast_in_dim3A_69, %broadcast_in_dim3A_83, %broadcast_in_dim3A_97, %broadcast_in_dim3A_111, %broadcast_in_dim3A_122 in 1 : vector<256x8xf32>, vector<256x1xf32>, vector<256x1xf32>, vector<256x1xf32>, vector<256x1xf32>, vector<256x1xf32>, vector<256x1xf32>, vector<256x1xf32>, vector<256x1xf32> -> vector<256x16xf32>
    %swap3A_138 = arith.constant 0 : index
    %swap3A_139 = arith.constant 0 : index
    %swap3A_140 = vector.load %arg3[%swap3A_138, %swap3A_139] : memref<256x16xf32, #tpu.memory_space<vmem>>, vector<256x16xf32>
    tpu.vector_store %arg3[%swap3A_138, %swap3A_139], %concatenate3A_137 {strides = array<i32>} : memref<256x16xf32, #tpu.memory_space<vmem>>, vector<256x16xf32>,
    return
  }
  func.func @transform_0(%arg0: i32) -> (i32, i32) {
    %c0_i32 = arith.constant 0 : i32
    %c0_i32_0 = arith.constant 0 : i32
    return %arg0, %c0_i32 : i32, i32
  }
  func.func @transform_1(%arg0: i32) -> (i32, i32, i32) {
    %c0_i32 = arith.constant 0 : i32
    %c0_i32_0 = arith.constant 0 : i32
    %c0_i32_1 = arith.constant 0 : i32
    %c0_i32_2 = arith.constant 0 : i32
    return %c0_i32, %c0_i32_0, %c0_i32_1 : i32, i32, i32
  }
  func.func @transform_2(%arg0: i32) -> (i32, i32) {
    %c0_i32 = arith.constant 0 : i32
    %c0_i32_0 = arith.constant 0 : i32
    return %arg0, %c0_i32 : i32, i32
  }
  func.func @transform_3(%arg0: i32) -> (i32, i32) {
    %c0_i32 = arith.constant 0 : i32
    %c0_i32_0 = arith.constant 0 : i32
    return %arg0, %c0_i32 : i32, i32
  }
}

module attributes {stable_mosaic.version = 14 : i64} {
  func.func @_head_block(%arg0: i32, %arg1: memref<512x80xf32, #tpu.memory_space<vmem>>, %arg2: memref<512x3xf32, #tpu.memory_space<vmem>>, %arg3: memref<512x3xf32, #tpu.memory_space<vmem>>, %arg4: memref<512x1xf32, #tpu.memory_space<vmem>>, %arg5: memref<64x128xf32, #tpu.memory_space<vmem>>, %arg6: memref<3x128xf32, #tpu.memory_space<vmem>>, %arg7: memref<1x128xf32, #tpu.memory_space<vmem>>, %arg8: memref<128x1xf32, #tpu.memory_space<vmem>>, %arg9: memref<1x1xf32, #tpu.memory_space<vmem>>, %arg10: memref<128x3xf32, #tpu.memory_space<vmem>>, %arg11: memref<3x3xf32, #tpu.memory_space<vmem>>, %arg12: memref<1x3xf32, #tpu.memory_space<vmem>>, %arg13: memref<512x4xf32, #tpu.memory_space<vmem>>) attributes {dimension_semantics = [#tpu.dimension_semantics<arbitrary>], iteration_bounds = array<i64: 32>, scalar_prefetch = 0 : i64, scratch_operands = 0 : i64, tpu.core_type = #tpu.core_type<tc>, window_params = [{transform_indices = @transform_0, window_bounds = array<i64: 512, 80>}, {transform_indices = @transform_1, window_bounds = array<i64: 512, 3>}, {transform_indices = @transform_2, window_bounds = array<i64: 512, 3>}, {transform_indices = @transform_3, window_bounds = array<i64: 512, 1>}, {pipeline_mode = #tpu.pipeline_mode<synchronous>, transform_indices = @transform_4, window_bounds = array<i64: 64, 128>}, {pipeline_mode = #tpu.pipeline_mode<synchronous>, transform_indices = @transform_5, window_bounds = array<i64: 3, 128>}, {pipeline_mode = #tpu.pipeline_mode<synchronous>, transform_indices = @transform_6, window_bounds = array<i64: 1, 128>}, {pipeline_mode = #tpu.pipeline_mode<synchronous>, transform_indices = @transform_7, window_bounds = array<i64: 128, 1>}, {pipeline_mode = #tpu.pipeline_mode<synchronous>, transform_indices = @transform_8, window_bounds = array<i64: 1, 1>}, {pipeline_mode = #tpu.pipeline_mode<synchronous>, transform_indices = @transform_9, window_bounds = array<i64: 128, 3>}, {pipeline_mode = #tpu.pipeline_mode<synchronous>, transform_indices = @transform_10, window_bounds = array<i64: 3, 3>}, {pipeline_mode = #tpu.pipeline_mode<synchronous>, transform_indices = @transform_11, window_bounds = array<i64: 1, 3>}, {transform_indices = @transform_12, window_bounds = array<i64: 512, 4>}]} {
    %get3A = arith.constant 0 : index
    %get3A_0 = arith.constant 0 : index
    %get3A_1 = vector.load %arg1[%get3A, %get3A_0] : memref<512x80xf32, #tpu.memory_space<vmem>>, vector<512x80xf32>
    %slice3A = vector.extract_strided_slice %get3A_1 {offsets = [0, 0], sizes = [512, 64], strides = [1, 1]} : vector<512x80xf32> to vector<512x64xf32>
    %slice3A_2 = vector.extract_strided_slice %get3A_1 {offsets = [0, 64], sizes = [512, 3], strides = [1, 1]} : vector<512x80xf32> to vector<512x3xf32>
    %get3A_3 = arith.constant 0 : index
    %get3A_4 = arith.constant 0 : index
    %get3A_5 = vector.load %arg2[%get3A_3, %get3A_4] : memref<512x3xf32, #tpu.memory_space<vmem>>, vector<512x3xf32>
    %sub3A = arith.subf %get3A_5, %slice3A_2 : vector<512x3xf32>
    %get3A_6 = arith.constant 0 : index
    %get3A_7 = arith.constant 0 : index
    %get3A_8 = vector.load %arg5[%get3A_6, %get3A_7] : memref<64x128xf32, #tpu.memory_space<vmem>>, vector<64x128xf32>
    %dot_general3A = arith.constant dense<0.000000e+00> : vector<512x128xf32>
    %dot_general3A_9 = tpu.matmul %slice3A, %get3A_8, %dot_general3A {dimension_numbers = #tpu.dot_dimension_numbers<[1], [0], [0], [1], [0, 0, 1, 1], [], []>, transpose_lhs_hint = false} : vector<512x64xf32>, vector<64x128xf32>, vector<512x128xf32> -> vector<512x128xf32>
    %get3A_10 = arith.constant 0 : index
    %get3A_11 = arith.constant 0 : index
    %get3A_12 = vector.load %arg6[%get3A_10, %get3A_11] : memref<3x128xf32, #tpu.memory_space<vmem>>, vector<3x128xf32>
    %dot_general3A_13 = arith.constant dense<0.000000e+00> : vector<512x128xf32>
    %dot_general3A_14 = tpu.matmul %sub3A, %get3A_12, %dot_general3A_13 {dimension_numbers = #tpu.dot_dimension_numbers<[1], [0], [0], [1], [0, 0, 1, 1], [], []>, transpose_lhs_hint = false} : vector<512x3xf32>, vector<3x128xf32>, vector<512x128xf32> -> vector<512x128xf32>
    %add3A = arith.addf %dot_general3A_9, %dot_general3A_14 : vector<512x128xf32>
    %get3A_15 = arith.constant 0 : index
    %get3A_16 = arith.constant 0 : index
    %get3A_17 = vector.load %arg7[%get3A_15, %get3A_16] : memref<1x128xf32, #tpu.memory_space<vmem>>, vector<1x128xf32>
    %add3A_18 = vector.broadcast %get3A_17 : vector<1x128xf32> to vector<512x128xf32>
    %add3A_19 = arith.addf %add3A, %add3A_18 : vector<512x128xf32>
    %max3A = arith.constant 0.000000e+00 : f32
    %max3A_20 = vector.broadcast %max3A : f32 to vector<512x128xf32>
    %max3A_21 = arith.maximumf %add3A_19, %max3A_20 : vector<512x128xf32>
    %get3A_22 = arith.constant 0 : index
    %get3A_23 = arith.constant 0 : index
    %get3A_24 = vector.load %arg8[%get3A_22, %get3A_23] : memref<128x1xf32, #tpu.memory_space<vmem>>, vector<128x1xf32>
    %dot_general3A_25 = arith.constant dense<0.000000e+00> : vector<512x1xf32>
    %dot_general3A_26 = tpu.matmul %max3A_21, %get3A_24, %dot_general3A_25 {dimension_numbers = #tpu.dot_dimension_numbers<[1], [0], [0], [1], [0, 0, 1, 1], [], []>, transpose_lhs_hint = false} : vector<512x128xf32>, vector<128x1xf32>, vector<512x1xf32> -> vector<512x1xf32>
    %get3A_27 = arith.constant 0 : index
    %get3A_28 = arith.constant 0 : index
    %get3A_29 = vector.load %arg9[%get3A_27, %get3A_28] : memref<1x1xf32, #tpu.memory_space<vmem>>, vector<1x1xf32>
    %add3A_30 = vector.broadcast %get3A_29 : vector<1x1xf32> to vector<512x1xf32>
    %add3A_31 = arith.addf %dot_general3A_26, %add3A_30 : vector<512x1xf32>
    %sub3A_32 = arith.constant 1.000000e+00 : f32
    %sub3A_33 = vector.broadcast %sub3A_32 : f32 to vector<512x1xf32>
    %sub3A_34 = arith.subf %add3A_31, %sub3A_33 : vector<512x1xf32>
    %max3A_35 = arith.constant 0.000000e+00 : f32
    %max3A_36 = vector.broadcast %max3A_35 : f32 to vector<512x1xf32>
    %max3A_37 = arith.maximumf %sub3A_34, %max3A_36 : vector<512x1xf32>
    %abs3A = math.absf %sub3A_34 : vector<512x1xf32>
    %neg3A = arith.constant 0.000000e+00 : f32
    %neg3A_38 = vector.broadcast %neg3A : f32 to vector<512x1xf32>
    %neg3A_39 = arith.subf %neg3A_38, %abs3A : vector<512x1xf32>
    %exp3A = math.exp %neg3A_39 : vector<512x1xf32>
    %add3A_40 = arith.constant 1.000000e+00 : f32
    %add3A_41 = vector.broadcast %add3A_40 : f32 to vector<512x1xf32>
    %add3A_42 = arith.addf %add3A_41, %exp3A : vector<512x1xf32>
    %log3A = math.log %add3A_42 : vector<512x1xf32>
    %add3A_43 = arith.addf %max3A_37, %log3A : vector<512x1xf32>
    %get3A_44 = arith.constant 0 : index
    %get3A_45 = arith.constant 0 : index
    %get3A_46 = vector.load %arg3[%get3A_44, %get3A_45] : memref<512x3xf32, #tpu.memory_space<vmem>>, vector<512x3xf32>
    %mul3A = arith.mulf %get3A_46, %get3A_46 : vector<512x3xf32>
    %reduce_sum3A = arith.constant dense<0.000000e+00> : vector<512xf32>
    %reduce_sum3A_47 = vector.multi_reduction <add>, %mul3A, %reduce_sum3A [1] : vector<512x3xf32> to vector<512xf32>
    %broadcast_in_dim3A = vector.shape_cast %reduce_sum3A_47 : vector<512xf32> to vector<512x1xf32>
    %sqrt3A = math.sqrt %broadcast_in_dim3A : vector<512x1xf32>
    %add3A_48 = arith.constant 9.99999993E-9 : f32
    %add3A_49 = vector.broadcast %add3A_48 : f32 to vector<512x1xf32>
    %add3A_50 = arith.addf %sqrt3A, %add3A_49 : vector<512x1xf32>
    %div3A = vector.broadcast %add3A_50 : vector<512x1xf32> to vector<512x3xf32>
    %div3A_51 = arith.divf %get3A_46, %div3A : vector<512x3xf32>
    %get3A_52 = arith.constant 0 : index
    %get3A_53 = arith.constant 0 : index
    %get3A_54 = vector.load %arg10[%get3A_52, %get3A_53] : memref<128x3xf32, #tpu.memory_space<vmem>>, vector<128x3xf32>
    %dot_general3A_55 = arith.constant dense<0.000000e+00> : vector<512x3xf32>
    %dot_general3A_56 = tpu.matmul %max3A_21, %get3A_54, %dot_general3A_55 {dimension_numbers = #tpu.dot_dimension_numbers<[1], [0], [0], [1], [0, 0, 1, 1], [], []>, transpose_lhs_hint = false} : vector<512x128xf32>, vector<128x3xf32>, vector<512x3xf32> -> vector<512x3xf32>
    %get3A_57 = arith.constant 0 : index
    %get3A_58 = arith.constant 0 : index
    %get3A_59 = vector.load %arg11[%get3A_57, %get3A_58] : memref<3x3xf32, #tpu.memory_space<vmem>>, vector<3x3xf32>
    %dot_general3A_60 = arith.constant dense<0.000000e+00> : vector<512x3xf32>
    %dot_general3A_61 = tpu.matmul %div3A_51, %get3A_59, %dot_general3A_60 {dimension_numbers = #tpu.dot_dimension_numbers<[1], [0], [0], [1], [0, 0, 1, 1], [], []>, transpose_lhs_hint = false} : vector<512x3xf32>, vector<3x3xf32>, vector<512x3xf32> -> vector<512x3xf32>
    %add3A_62 = arith.addf %dot_general3A_56, %dot_general3A_61 : vector<512x3xf32>
    %get3A_63 = arith.constant 0 : index
    %get3A_64 = arith.constant 0 : index
    %get3A_65 = vector.load %arg12[%get3A_63, %get3A_64] : memref<1x3xf32, #tpu.memory_space<vmem>>, vector<1x3xf32>
    %add3A_66 = vector.broadcast %get3A_65 : vector<1x3xf32> to vector<512x3xf32>
    %add3A_67 = arith.addf %add3A_62, %add3A_66 : vector<512x3xf32>
    %neg3A_68 = arith.constant 0.000000e+00 : f32
    %neg3A_69 = vector.broadcast %neg3A_68 : f32 to vector<512x3xf32>
    %neg3A_70 = arith.subf %neg3A_69, %add3A_67 : vector<512x3xf32>
    %exp3A_71 = math.exp %neg3A_70 : vector<512x3xf32>
    %add3A_72 = arith.constant 1.000000e+00 : f32
    %add3A_73 = vector.broadcast %add3A_72 : f32 to vector<512x3xf32>
    %add3A_74 = arith.addf %add3A_73, %exp3A_71 : vector<512x3xf32>
    %div3A_75 = arith.constant 1.000000e+00 : f32
    %div3A_76 = vector.broadcast %div3A_75 : f32 to vector<512x3xf32>
    %div3A_77 = arith.divf %div3A_76, %add3A_74 : vector<512x3xf32>
    %get3A_78 = arith.constant 0 : index
    %get3A_79 = arith.constant 0 : index
    %get3A_80 = vector.load %arg4[%get3A_78, %get3A_79] : memref<512x1xf32, #tpu.memory_space<vmem>>, vector<512x1xf32>
    %lt3A = arith.constant 2.500000e-01 : f32
    %lt3A_81 = vector.broadcast %lt3A : f32 to vector<512x1xf32>
    %lt3A_82 = arith.cmpf olt, %get3A_80, %lt3A_81 : vector<512x1xf32>
    %jit3A = arith.constant 1.000000e+00 : f32
    %jit3A_83 = arith.constant 0.000000e+00 : f32
    %broadcast_in_dim3A_84 = vector.broadcast %jit3A : f32 to vector<512x1xf32>
    %broadcast_in_dim3A_85 = vector.broadcast %jit3A_83 : f32 to vector<512x1xf32>
    %select_n3A = arith.select %lt3A_82, %broadcast_in_dim3A_84, %broadcast_in_dim3A_85 : vector<512x1xi1>, vector<512x1xf32>
    %concatenate3A = tpu.concatenate %add3A_43, %div3A_77 in 1 : vector<512x1xf32>, vector<512x3xf32> -> vector<512x4xf32>
    %mul3A_86 = vector.broadcast %select_n3A : vector<512x1xf32> to vector<512x4xf32>
    %mul3A_87 = arith.mulf %concatenate3A, %mul3A_86 : vector<512x4xf32>
    %swap3A = arith.constant 0 : index
    %swap3A_88 = arith.constant 0 : index
    %swap3A_89 = vector.load %arg13[%swap3A, %swap3A_88] : memref<512x4xf32, #tpu.memory_space<vmem>>, vector<512x4xf32>
    tpu.vector_store %arg13[%swap3A, %swap3A_88], %mul3A_87 {strides = array<i32>} : memref<512x4xf32, #tpu.memory_space<vmem>>, vector<512x4xf32>,
    return
  }
  func.func @transform_0(%arg0: i32) -> (i32, i32) {
    %c0_i32 = arith.constant 0 : i32
    %c0_i32_0 = arith.constant 0 : i32
    return %arg0, %c0_i32 : i32, i32
  }
  func.func @transform_1(%arg0: i32) -> (i32, i32) {
    %c0_i32 = arith.constant 0 : i32
    %c0_i32_0 = arith.constant 0 : i32
    return %arg0, %c0_i32 : i32, i32
  }
  func.func @transform_2(%arg0: i32) -> (i32, i32) {
    %c0_i32 = arith.constant 0 : i32
    %c0_i32_0 = arith.constant 0 : i32
    return %arg0, %c0_i32 : i32, i32
  }
  func.func @transform_3(%arg0: i32) -> (i32, i32) {
    %c0_i32 = arith.constant 0 : i32
    %c0_i32_0 = arith.constant 0 : i32
    return %arg0, %c0_i32 : i32, i32
  }
  func.func @transform_4(%arg0: i32) -> (i32, i32) {
    %c0_i32 = arith.constant 0 : i32
    %c0_i32_0 = arith.constant 0 : i32
    %c0_i32_1 = arith.constant 0 : i32
    return %c0_i32, %c0_i32_0 : i32, i32
  }
  func.func @transform_5(%arg0: i32) -> (i32, i32) {
    %c0_i32 = arith.constant 0 : i32
    %c0_i32_0 = arith.constant 0 : i32
    %c0_i32_1 = arith.constant 0 : i32
    return %c0_i32, %c0_i32_0 : i32, i32
  }
  func.func @transform_6(%arg0: i32) -> (i32, i32) {
    %c0_i32 = arith.constant 0 : i32
    %c0_i32_0 = arith.constant 0 : i32
    %c0_i32_1 = arith.constant 0 : i32
    return %c0_i32, %c0_i32_0 : i32, i32
  }
  func.func @transform_7(%arg0: i32) -> (i32, i32) {
    %c0_i32 = arith.constant 0 : i32
    %c0_i32_0 = arith.constant 0 : i32
    %c0_i32_1 = arith.constant 0 : i32
    return %c0_i32, %c0_i32_0 : i32, i32
  }
  func.func @transform_8(%arg0: i32) -> (i32, i32) {
    %c0_i32 = arith.constant 0 : i32
    %c0_i32_0 = arith.constant 0 : i32
    %c0_i32_1 = arith.constant 0 : i32
    return %c0_i32, %c0_i32_0 : i32, i32
  }
  func.func @transform_9(%arg0: i32) -> (i32, i32) {
    %c0_i32 = arith.constant 0 : i32
    %c0_i32_0 = arith.constant 0 : i32
    %c0_i32_1 = arith.constant 0 : i32
    return %c0_i32, %c0_i32_0 : i32, i32
  }
  func.func @transform_10(%arg0: i32) -> (i32, i32) {
    %c0_i32 = arith.constant 0 : i32
    %c0_i32_0 = arith.constant 0 : i32
    %c0_i32_1 = arith.constant 0 : i32
    return %c0_i32, %c0_i32_0 : i32, i32
  }
  func.func @transform_11(%arg0: i32) -> (i32, i32) {
    %c0_i32 = arith.constant 0 : i32
    %c0_i32_0 = arith.constant 0 : i32
    %c0_i32_1 = arith.constant 0 : i32
    return %c0_i32, %c0_i32_0 : i32, i32
  }
  func.func @transform_12(%arg0: i32) -> (i32, i32) {
    %c0_i32 = arith.constant 0 : i32
    %c0_i32_0 = arith.constant 0 : i32
    return %arg0, %c0_i32 : i32, i32
  }
}

</mosaic_0001>

<sc_bundles>
// kernel: kernel.14.cloned.1.call-start
scs
__scs_entry_jumppad:
0x0: {  	(pc) =	sbr.rel $0x88, $3  }
0x1: {  	(tag) =	ssettag $0x0;
	lr =	simm.s32 $0x1  }
0x2: {  	[smem:$0x3F97] =	sst lr;
	_ =	strace $0xD0000000  }
0x3: {  	_ = 	snop  }
0x4: {  	_ = 	snop  }
0x5: {  	_ = 	snop  }
0x6: {  	_ = 	snop  }
0x7: {  	_ = 	snop  }
__scs_overlays_trampoline_lowered:
0x8: {  	[smem:$0x3FA6] =	sst s0  }
0x9: {  	[smem:$0x3FA7] =	sst s1  }
0xa: {  	[smem:$0x3FA8] =	sst s2  }
0xb: {  	[smem:$0x3FA9] =	sst s3  }
0xc: {  	[smem:$0x3FAA] =	sst s4  }
0xd: {  	[smem:$0x3FAB] =	sst s5  }
0xe: {  	[smem:$0x3FAC] =	sst s6  }
0xf: {  	[smem:$0x3FAD] =	sst s7  }
0x10: {  	[smem:$0x3FAE] =	sst s8  }
0x11: {  	[smem:$0x3FAF] =	sst s9;
	s0 =	simm.s32 @!p0 $0x0  }
0x12: {  	s1 =	sld [smem:$0x3F95];
	s0 =	simm.s32 @p0 $0x1  }
0x13: {  	[smem:$0x3FB0] =	sst s0;
	s0 =	simm.s32 @!p1 $0x0  }
0x14: {  	s2 =	sld [smem:$0x3F94];
	s0 =	simm.s32 @p1 $0x1  }
0x15: {  	[smem:$0x3FB1] =	sst s0;
	s0 =	simm.s32 @!p2 $0x0  }
0x16: {  	s3 =	sld [smem:$0x3FDB];
	s0 =	simm.s32 @p2 $0x1  }
0x17: {  	s4 =	simm.s32 $0x1BF5;
	[smem:$0x3FB3] =	sst s0  }
0x18: {  	s0 =	sld [smem:$0x3F96];
	_ =	swait.ge [sflag:s4], $0x0  }
0x19: {  	s7 =	sld [smem:$0x3F97]  }
0x1a: {  	s8 =	sadd.s32 $0xFFFFE003, lr  }
0x1b: {  	s9 =	sadd.s32 $0xFFFFFEF7, lr;
	s5 =	simm.s32 $0xFFFFFFFF;
	p2 =	slt.u32 s8, $0xFFFFF086  }
0x1c: {  	p1 =	slt.u32 s9, $0xF7A;
	s5 =	simm.s32 @!p2 $0x0  }
0x1d: {  	s5 =	simm.s32 @p1 $0x1;
	p0 =	seq.s32 s7, s2  }
0x1e: {  	s7 =	smul.u32 @!p0 $0xF7A, s2;
	p2 =	seq.s32 @!p0 s5, $0x0  }
0x1f: {  	s9 =	smul.u32 $0xF7A, s1;
	s8 =	simm.s32 @!p0 $0x1BF5;
	p2 =	por !p2, p0  }
0x20: {  	[sflag:s8] =	ssyncset.s32 @!p0 $0xFFFFF086;
	s6 =	sadd.s32 @!p0 s3, s7;
	s7 =	simm.s32 @!p0 $0x108  }
0x21: {  	s3 =	sadd.s32 s3, s9;
	s6 =	sadd.s32 @!p0 $0x88, s6;
	s7 =	simm.s32 @p2 $0x1082  }
0x22: {  	[simem:s7], [sflag:s8] =	dma.local @!p0 [hbm:s6], $0xF7A  }
0x23: {  	s9 =	sor.u32 $0xD0000000, s2;
	s6 =	simm.s32 $0x108;
	_ =	swait.ge @!p0 [sflag:s8], $0x0  }
0x24: {  	s3 =	sadd.s32 $0x88, s3;
	s6 =	simm.s32 @!p1 $0x1082;
	[sflag:s4] =	ssyncset.s32 $0xFFFFF086  }
0x25: {  	[simem:s6], [sflag:s4] =	dma.local [hbm:s3], $0xF7A  }
0x26: {  	[smem:$0x3F97] =	sst s1;
	(tag) =	ssettag s2;
	_ =	strace s9  }
0x27: {  	s1 =	sld [smem:$0x3FA7]  }
0x28: {  	s2 =	sld [smem:$0x3FA8]  }
0x29: {  	s4 =	sld [smem:$0x3FAA]  }
0x2a: {  	p0 =	seq.s32 s5, $0x0;
	s5 =	sld [smem:$0x3FAB]  }
0x2b: {  	s6 =	sld [smem:$0x3FAC]  }
0x2c: {  	s7 =	sld [smem:$0x3FAD]  }
0x2d: {  	s3 =	simm.s32 $0x108;
	s8 =	sld [smem:$0x3FAE]  }
0x2e: {  	s3 =	simm.s32 @!p0 $0x1082;
	s9 =	sld [smem:$0x3FAF]  }
0x2f: {  	lr =	sadd.s32 s0, s3;
	s0 =	sld [smem:$0x3FA6]  }
0x30: {  	s3 =	sld [smem:$0x3FA9]  }
0x31: {  	[smem:$0x3FB2] =	sst s10  }
0x32: {  	s10 =	sld [smem:$0x3FB0];
	_ =	sdelay $0x3  }
0x33: {  	p0 =	seq.s32 s10, $0x1;
	s10 =	sld [smem:$0x3FB2];
	_ =	sdelay $0x3  }
0x34: {  	[smem:$0x3FB2] =	sst s10  }
0x35: {  	s10 =	sld [smem:$0x3FB1];
	_ =	sdelay $0x3  }
0x36: {  	p1 =	seq.s32 s10, $0x1;
	s10 =	sld [smem:$0x3FB2];
	_ =	sdelay $0x3  }
0x37: {  	[smem:$0x3FB2] =	sst s10  }
0x38: {  	s10 =	sld [smem:$0x3FB3]  }
0x39: {  	_ = 	snop;
	(pc) =	sbr.ind lr, $3  }
0x3a: {  	_ = 	snop  }
0x3b: {  	_ = 	snop  }
0x3c: {  	p2 =	seq.s32 s10, $0x1;
	s10 =	sld [smem:$0x3FB2]  }
0x3d: {  	_ =	shalt  }
0x3e: {  	_ =	shalt  }
0x3f: {  	_ =	shalt  }
0x40: {  	_ =	shalt  }
0x41: {  	_ =	shalt  }
0x42: {  	_ =	shalt  }
0x43: {  	_ =	shalt  }
0x44: {  	_ =	shalt  }
0x45: {  	_ =	shalt  }
0x46: {  	_ =	shalt  }
0x47: {  	_ =	shalt  }
0x48: {  	_ =	shalt  }
0x49: {  	_ =	shalt  }
0x4a: {  	_ =	shalt  }
0x4b: {  	_ =	shalt  }
0x4c: {  	_ =	shalt  }
0x4d: {  	_ =	shalt  }
0x4e: {  	_ =	shalt  }
0x4f: {  	_ =	shalt  }
0x50: {  	_ =	shalt  }
0x51: {  	_ =	shalt  }
0x52: {  	_ =	shalt  }
0x53: {  	_ =	shalt  }
0x54: {  	_ =	shalt  }
0x55: {  	_ =	shalt  }
0x56: {  	_ =	shalt  }
0x57: {  	_ =	shalt  }
0x58: {  	_ =	shalt  }
0x59: {  	_ =	shalt  }
0x5a: {  	_ =	shalt  }
0x5b: {  	_ =	shalt  }
0x5c: {  	_ =	shalt  }
0x5d: {  	_ =	shalt  }
0x5e: {  	_ =	shalt  }
0x5f: {  	_ =	shalt  }
0x60: {  	_ =	shalt  }
0x61: {  	_ =	shalt  }
0x62: {  	_ =	shalt  }
0x63: {  	_ =	shalt  }
0x64: {  	_ =	shalt  }
0x65: {  	_ =	shalt  }
0x66: {  	_ =	shalt  }
0x67: {  	_ =	shalt  }
0x68: {  	_ =	shalt  }
0x69: {  	_ =	shalt  }
0x6a: {  	_ =	shalt  }
0x6b: {  	_ =	shalt  }
0x6c: {  	_ =	shalt  }
0x6d: {  	_ =	shalt  }
0x6e: {  	_ =	shalt  }
0x6f: {  	_ =	shalt  }
0x70: {  	_ =	shalt  }
0x71: {  	_ =	shalt  }
0x72: {  	_ =	shalt  }
0x73: {  	_ =	shalt  }
0x74: {  	_ =	shalt  }
0x75: {  	_ =	shalt  }
0x76: {  	_ =	shalt  }
0x77: {  	_ =	shalt  }
0x78: {  	_ =	shalt  }
0x79: {  	_ =	shalt  }
0x7a: {  	_ =	shalt  }
0x7b: {  	_ =	shalt  }
0x7c: {  	_ =	shalt  }
0x7d: {  	_ =	shalt  }
0x7e: {  	_ =	shalt  }
0x7f: {  	_ =	shalt  }
0x80: {  	_ =	shalt  }
0x81: {  	_ =	shalt  }
0x82: {  	_ =	shalt  }
0x83: {  	_ =	shalt  }
0x84: {  	_ =	shalt  }
0x85: {  	_ =	shalt  }
0x86: {  	_ =	shalt  }
0x87: {  	_ =	shalt  }
.Lfunc_end0:
.L_simem_size_0:
called_computation_lowered:
.L_overlay_start_0:
0x88: {  	s2 =	sld [smem:$0x3FD9]  }
0x89: {  	s3 =	sld [smem:$0x3FFE];
	_ =	sdelay $0x1  }
0x8a: {  	s1 =	srdreg.scid  }
0x8b: {  	s0 =	sand.u32 $0x1, s1  }
0x8c: {  	s17 =	sshll.u32 s0, $0xA;
	s2 =	sadd.s32 s3, s2  }
0x8d: {  	s2 =	sadd.s32 s2, s17  }
0x8e: {  	[smem:$0x3FBE] =	sst s2  }
0x8f: {  	_ = 	snop  }
0x90: {  	(tm) =	ssettm $0x1  }
0x91: {  	s18 =	sld [smem:$0x3FFB];
	_ =	sdelay $0x3  }
0x92: {  	_ =	strace s18  }
0x93: {  	s2 =	sld [smem:$0x3FFC];
	_ =	sdelay $0x3  }
0x94: {  	_ =	strace s2  }
0x95: {  	s2 =	sld [smem:$0x3FFD];
	_ =	sdelay $0x3  }
0x96: {  	_ =	strace s2  }
0x97: {  	_ =	strace $0x8FFFFFFF  }
0x98: {  	s19 =	sld [smem:$0x3FDB];
	_ =	sdelay $0x1  }
0x99: {  	s20 =	simm.s32 $_scs_section_size  }
0x9a: {  	s4 =	simm.s32 $_size__tile_overlayer_lowered;
	s5 =	simm.s32 $_tile_overlayer_lowered  }
0x9b: {  	s6 =	simm.s32 $0x1BFF;
	s21 =	sshll.u32 s5, $0x1;
	s3 =	sadd.s32 s20, s19  }
0x9c: {  	s22 =	simm.s32 $0x0;
	s4 =	sshll.u32 s4, $0x1;
	s5 =	sadd.s32 s21, s3  }
0x9d: {  	[timem:s22], [sflag:s6] =	dma.local [hbm:s5], s4  }
0x9e: {  	_ =	swait.ge [sflag:s6], s4  }
0x9f: {  	s4 =	ssub.s32 $0x0, s4;
	[sflag:s6] =	ssyncset.done $0x0  }
0xa0: {  	[sflag:s6] =	ssyncadd.s32 s4;
	_ =	sdelay $0x1  }
0xa1: {  	s23 =	simm.s32 $0x1B8B  }
0xa2: {  	_ =	swait.ge [sflag:s23], $0x1  }
0xa3: {  	[sflag:s23] =	ssyncset.done $0x0  }
0xa4: {  	[sflag:s23] =	ssyncadd.s32 $0xFFFFFFFF  }
0xa5: {  	s4 =	sld [smem:$0x0]  }
0xa6: {  	s5 =	sand.u32 $0xFFFFFFFE, s1  }
0xa7: {  	p0 =	sne.s32 s1, s5  }
0xa8: {  	s5 =	sshll.u32 @p0 s5, $0xE  }
0xa9: {  	s5 =	sadd.s32 @p0 $0x11B8D, s5;
	s6 =	sshll.u32 @p0 s4, $0x11  }
0xaa: {  	s5 =	sor.u32 @p0 s6, s5  }
0xab: {  	[sflag:s5] =	ssyncadd.remote.s32 @p0 $0x1;
	_ =	sdelay $0x1  }
0xac: {  	s5 =	simm.s32 @p0 $0x1B8D  }
0xad: {  	_ =	swait.eq @p0 [sflag:s5], $0x1  }
0xae: {  	[sflag:s5] =	ssyncadd.s32 @p0 $0xFFFFFFFF  }
0xaf: {  	s6 =	sshll.u32 @!p0 s1, $0xE  }
0xb0: {  	s6 =	sor.u32 @!p0 $0x4000, s6;
	s5 =	simm.s32 @!p0 $0x1B8D  }
0xb1: {  	s4 =	sshll.u32 @!p0 s4, $0x11;
	s6 =	sadd.s32 @!p0 $0x11B8D, s6;
	_ =	swait.eq @!p0 [sflag:s5], $0x1  }
0xb2: {  	s4 =	sor.u32 @!p0 s4, s6;
	[sflag:s5] =	ssyncadd.s32 @!p0 $0xFFFFFFFF  }
0xb3: {  	s25 =	simm.s32 $0x1B8E;
	s24 =	sld [smem:$0x3FFE];
	[sflag:s4] =	ssyncadd.remote.s32 @!p0 $0x1  }
0xb4: {  	s26 =	simm.s32 $execute0_lowered;
	[smem:$0x3FD2] =	sst s25  }
0xb5: {  	s5 =	sshll.u32 s26, $0x1;
	_ =	strace $0x8000004F;
	[dreg:$0x1] =	wrdreg $0xFFFFFFFF  }
0xb6: {  	s28 =	simm.s32 $_size_execute0_lowered;
	s3 =	sadd.s32 s3, s5;
	[dreg:$0x0] =	wrdreg $0x0  }
0xb7: {  	s5 =	sshll.u32 s28, $0x1;
	[dreg:$0x2] =	wrdreg s3  }
0xb8: {  	[dreg:$0x3] =	wrdreg s5  }
0xb9: {  	[dreg:$0x4] =	wrdreg $0xC0  }
0xba: {  	_ =	task [dreg:s22], $0x5FFFF  }
0xbb: {  	[dreg:$0x1] =	wrdreg $0xFFFFFFFF  }
0xbc: {  	[dreg:$0x0] =	wrdreg $0x60  }
0xbd: {  	[dreg:$0x2] =	wrdreg s24  }
0xbe: {  	[dreg:$0x3] =	wrdreg $0x9  }
0xbf: {  	_ =	task.clear_ibuf [dreg:s22], $0x4FFFF;
	_ =	strace $0x9000004F  }
0xc0: {  	s29 =	simm.s32 $0x9;
	_ =	strace $0x80000051  }
0xc1: {  	_ =	swait.ge [sflag:s29], $0x1  }
0xc2: {  	[sflag:s29] =	ssyncadd.s32 $0xFFFFFFFF  }
0xc3: {  	_ =	strace $0x90000051  }
0xc4: {  	_ =	sfence  }
0xc5: {  	s30 =	sld [smem:$0x0];
	_ =	sdelay $0x2  }
0xc6: {  	s31 =	sshll.u32 s1, $0xD;
	s1 =	sshrl.u32 s1, $0x2  }
0xc7: {  	s4 =	sand.u32 $0x4000, s31;
	s1 =	sadd.s32 s1, s30  }
0xc8: {  	s0 =	sor.u32 s4, s0;
	s1 =	sshll.u32 s1, $0x11  }
0xc9: {  	s0 =	sor.u32 s1, s0  }
0xca: {  	s0 =	sadd.s32 $0x8F2B, s0  }
0xcb: {  	[sflag:s0] =	ssyncadd.remote.s32 $0x1  }
0xcc: {  	_ =	sfence.sel $0xFFFF  }
0xcd: {  	[dreg:$0x0] =	wrdreg $0xFFFFFFFF;
	(pc) =	sbr.abs _section_cstart, $3  }
0xce: {  	[dreg:$0x1] =	wrdreg $0xFFFFFFFF  }
0xcf: {  	_ =	task.clear_ibuf [dreg:s22], $0x2FFFF;
	_ =	strace $0x9FFFFFFF  }
0xd0: {  	(tm) =	ssettm $0x7FFFFFFF  }
0xd1: {  	_ =	shalt  }
tec
execute0_lowered:
.L_overlay_start_1:
0x0: {  	(tag) =	ssettag $0x1  }
0x1: {  	s2 =	rddreg [dreg:$0x0]  }
0x2: {  	s0 =	rddreg [dreg:$0x1];
	s1 =	simm.s32 $0x0;
	s3 =	srdreg.scid  }
0x3: {  	s9 =	simm.s32 $0x14000;
	s10 =	simm.s32 $0x18000;
	s11 =	simm.s32 $0x0  }
0x4: {  	[smem:$0x7FF] =	sst s1;
	s6 =	sand.u32 $0x1, s3;
	s3 =	sadd.s32 $0x104800, s2  }
0x5: {  	s4 =	sadd.s32 $0x407000, s2;
	s5 =	sadd.s32 $0x487000, s2;
	s7 =	ssub.s32 $0x2, s6  }
0x6: {  	s2 =	stileid.u32;
	_ =	strace $0x80000050;
	s8 =	sshrl.u32 s7, $0x1  }
0x7: {  	s31 =	sshll.u32 s2, $0xE;
	s6 =	sshll.u32 s6, $0xD;
	s7 =	ssub.s32 s7, s8  }
0x8: {  	s6 =	sor.u32 s6, s31;
	s8 =	simm.s32 $0x1;
	s7 =	smax.u32 s7, $0x1  }
.LBB2_1:
0x9: {  	[tilespmem:s1], [sflag:$0x1] =	stream.linear.gather [hbm4b:s3+s1], $0x14000, $0x38;
	[tilespmem:$0x1C000] =	vst v63  }
0xa: {  	_ =	swait.ge [sflag:s8], $0x14000  }
0xb: {  	[sflag:s8] =	ssyncset.done $0x0  }
0xc: {  	s12 =	simm.s32 $0x0;
	[sflag:s8] =	ssyncadd.s32 $0xFFFEC000  }
.LBB2_2:
0xd: {  	s13 =	sshll.u32 s12, $0xB  }
0xe: {  	s13 =	sadd.s32 s6, s13  }
0xf: {  	s15 =	simm.s32 $0x0;
	s14 =	sadd.s32 s4, s13  }
0x10: {  	[tilespmem:s9], [sflag:$0x1] =	stream.linear.gather [hbm4b:s14+s15], $0x4000, $0x38;
	[tilespmem:$0x1C000] =	vst v63  }
0x11: {  	_ =	swait.ge [sflag:s8], $0x4000  }
0x12: {  	[sflag:s8] =	ssyncset.done $0x0  }
0x13: {  	s14 =	simm.s32 $0x0;
	[sflag:s8] =	ssyncadd.s32 $0xFFFFC000  }
0x14: {  	v0 =	vld [tilespmem:s14+$0x14000];
	_ =	sdelay $0x4  }
0x15: {  	(v2sf) =	vpush v0, $0xD  }
0x16: {  	(v2sf) =	vpush v0, $0xA  }
0x17: {  	(v2sf) =	vpush v0, $0x9  }
0x18: {  	(v2sf) =	vpush v0, $0xB  }
0x19: {  	(v2sf) =	vpush v0, $0xC  }
0x1a: {  	(v2sf) =	vpush v0, $0xF;
	_ =	sdelay $0x1  }
0x1b: {  	(v2sf) =	vpush v0, $0x8  }
0x1c: {  	(v2sf) =	vpush v0, $0xE;
	_ =	sdelay $0x6  }
0x1d: {  	s16 =	spop (v2sf)  }
0x1e: {  	s26 =	spop (v2sf)  }
0x1f: {  	s19 =	spop (v2sf)  }
0x20: {  	s17 =	spop (v2sf)  }
0x21: {  	s22 =	spop (v2sf)  }
0x22: {  	s18 =	spop (v2sf)  }
0x23: {  	s18 =	scvt.f32.s32 s18  }
0x24: {  	s15 =	scvt.f32.s32 s26;
	s23 =	spop (v2sf)  }
0x25: {  	s20 =	spop (v2sf);
	s18 =	smul.u32 $0x140, s18  }
0x26: {  	s28 =	smul.u32 $0x140, s15;
	s20 =	scvt.f32.s32 s20  }
0x27: {  	s15 =	sshra.s32 s18, $0x2  }
0x28: {  	s17 =	scvt.f32.s32 s17;
	s20 =	smul.u32 $0x140, s20;
	s18 =	sshra.s32 s28, $0x2;
	v13 =	vld [tilespmem:s15+$0x10]  }
0x29: {  	v1 =	vld [tilespmem:s18+$0x30]  }
0x2a: {  	s16 =	scvt.f32.s32 s16;
	s17 =	smul.u32 $0x140, s17;
	v5 =	vld [tilespmem:s18+$0x40];
	s21 =	sshra.s32 s20, $0x2  }
0x2b: {  	v9 =	vld [tilespmem:s21+$0x10]  }
0x2c: {  	s16 =	smul.u32 $0x140, s16;
	s20 =	sshra.s32 s17, $0x2;
	v12 =	vld [tilespmem:s21+$0x0]  }
0x2d: {  	v6 =	vld [tilespmem:s20+$0x20]  }
0x2e: {  	s17 =	sshra.s32 s16, $0x2;
	v17 =	vld [tilespmem:s20+$0x40]  }
0x2f: {  	s30 =	scvt.f32.s32 s22;
	v15 =	vld [tilespmem:s17+$0x0]  }
0x30: {  	s29 =	scvt.f32.s32 s19;
	v14 =	vld [tilespmem:s17+$0x20]  }
0x31: {  	s31 =	scvt.f32.s32 s23;
	s19 =	smul.u32 $0x140, s30;
	v16 =	vld [tilespmem:s20+$0x30]  }
0x32: {  	v4 =	vbroadcast v0, $0x2;
	s16 =	smul.u32 $0x140, s29;
	v10 =	vld [tilespmem:s20+$0x10]  }
0x33: {  	v3 =	vbroadcast v0, $0x3;
	s22 =	smul.u32 $0x140, s31;
	v7 =	vld [tilespmem:s21+$0x30]  }
0x34: {  	v8 =	vld [tilespmem:s21+$0x40];
	s23 =	sshra.s32 s16, $0x2;
	v2 =	vmul.f32 v1, v4;
	v11 =	vmul.f32 v5, v4  }
0x35: {  	s19 =	sshra.s32 s19, $0x2;
	s24 =	sshra.s32 s22, $0x2;
	s16 =	simm.s32 $0x200;
	v5 =	vmul.f32 v6, v3;
	v1 =	vmul.f32 v17, v3;
	v17 =	vld [tilespmem:s23+$0x30]  }
.LBB2_3:
0x36: {  	p0 =	sne.s32 s16, $0xFE00;
	v18 =	vld [tilespmem:s18+$0x20];
	v19 =	vbroadcast v0, $0x4;
	s22 =	smov.u32 s16;
	s16 =	sadd.s32 $0x200, s16  }
0x37: {  	v21 =	vbroadcast v0, $0x1;
	v22 =	vbroadcast v0, $0x6;
	s22 =	sshra.s32 s22, $0x2;
	v20 =	vld [tilespmem:s24+$0x40]  }
0x38: {  	v24 =	vbroadcast v0, $0x5;
	v6 =	vbroadcast v0, $0x7;
	v23 =	vld [tilespmem:s23+$0x40]  }
0x39: {  	v7 =	vmul.f32 v7, v22;
	v25 =	vld [tilespmem:s22+$0x14000];
	v8 =	vmul.f32 v8, v22  }
0x3a: {  	v26 =	vbroadcast v0, $0x0;
	v12 =	vmul.f32 v12, v22;
	v27 =	vld [tilespmem:s24+$0x20]  }
0x3b: {  	v9 =	vmul.f32 v9, v22;
	v13 =	vmul.f32 v13, v6;
	v28 =	vld [tilespmem:s23+$0x20]  }
0x3c: {  	v15 =	vmul.f32 v15, v24;
	v29 =	vld [tilespmem:s24+$0x30];
	v32 =	vmul.f32 v20, v26  }
0x3d: {  	v16 =	vmul.f32 v16, v3;
	v14 =	vmul.f32 v14, v24;
	v20 =	vld [tilespmem:s24+$0x10]  }
0x3e: {  	v10 =	vmul.f32 v10, v3;
	v23 =	vmul.f32 v23, v21;
	v30 =	vadd.f32 $0.0e+00, v32;
	v31 =	vld [tilespmem:s21+$0x20];
	v0 =	vmovc v25  }
0x3f: {  	v17 =	vmul.f32 v17, v21;
	(v2sf) =	vpush v0, $0xD;
	v25 =	vld [tilespmem:s24+$0x0];
	v27 =	vmul.f32 v27, v26  }
0x40: {  	(v2sf) =	vpush v0, $0xA;
	v32 =	vld [tilespmem:s23+$0x10];
	v28 =	vmul.f32 v28, v21;
	v23 =	vadd.f32 v23, v30  }
0x41: {  	(v2sf) =	vpush v0, $0x9;
	v27 =	vadd.f32 $0.0e+00, v27;
	v29 =	vmul.f32 v29, v26;
	v30 =	vld [tilespmem:s23+$0x0]  }
0x42: {  	(v2sf) =	vpush v0, $0xB;
	v20 =	vmul.f32 v20, v26;
	v33 =	vld [tilespmem:s18+$0x10];
	v11 =	vadd.f32 v11, v23  }
0x43: {  	v18 =	vmul.f32 v18, v4;
	(v2sf) =	vpush v0, $0xC;
	v23 =	vadd.f32 v28, v27;
	v27 =	vld [tilespmem:s18+$0x0]  }
0x44: {  	(v2sf) =	vpush v0, $0xF;
	v25 =	vmul.f32 v25, v26;
	v26 =	vadd.f32 $0.0e+00, v29;
	v28 =	vld [tilespmem:s19+$0x20]  }
0x45: {  	v20 =	vadd.f32 $0.0e+00, v20;
	(v2sf) =	vpush v0, $0x8;
	v29 =	vmul.f32 v32, v21;
	v32 =	vld [tilespmem:s20+$0x0]  }
0x46: {  	(v2sf) =	vpush v0, $0xE;
	v25 =	vadd.f32 $0.0e+00, v25;
	v21 =	vmul.f32 v30, v21;
	v30 =	vld [tilespmem:s19+$0x10]  }
0x47: {  	v18 =	vadd.f32 v18, v23;
	v20 =	vadd.f32 v29, v20;
	v29 =	vmul.f32 v33, v4;
	v23 =	vld [tilespmem:s19+$0x0]  }
0x48: {  	v17 =	vadd.f32 v17, v26;
	v21 =	vadd.f32 v21, v25;
	v4 =	vmul.f32 v27, v4;
	v25 =	vld [tilespmem:s17+$0x10]  }
0x49: {  	v5 =	vadd.f32 v5, v18;
	v20 =	vadd.f32 v29, v20;
	v18 =	vmul.f32 v28, v19;
	v26 =	vld [tilespmem:s19+$0x40]  }
0x4a: {  	v2 =	vadd.f32 v2, v17;
	v4 =	vadd.f32 v4, v21;
	v3 =	vmul.f32 v32, v3;
	v17 =	vld [tilespmem:s19+$0x30]  }
0x4b: {  	v22 =	vmul.f32 v31, v22;
	v10 =	vadd.f32 v10, v20;
	v20 =	vmul.f32 v30, v19;
	v21 =	vld [tilespmem:s17+$0x40]  }
0x4c: {  	v5 =	vadd.f32 v18, v5;
	v3 =	vadd.f32 v3, v4;
	v4 =	vmul.f32 v23, v19;
	v18 =	vld [tilespmem:s17+$0x30]  }
0x4d: {  	v2 =	vadd.f32 v16, v2;
	v10 =	vadd.f32 v20, v10;
	v16 =	vmul.f32 v25, v24;
	v20 =	vld [tilespmem:s15+$0x0]  }
0x4e: {  	v1 =	vadd.f32 v1, v11;
	s17 =	spop (v2sf);
	v3 =	vadd.f32 v4, v3;
	v4 =	vmul.f32 v26, v19;
	v11 =	vld [tilespmem:s15+$0x30]  }
0x4f: {  	v5 =	vadd.f32 v14, v5;
	s17 =	scvt.f32.s32 s17;
	s18 =	spop (v2sf);
	v17 =	vmul.f32 v17, v19;
	v10 =	vadd.f32 v16, v10;
	v14 =	vld [tilespmem:s15+$0x40]  }
0x50: {  	s18 =	scvt.f32.s32 s18;
	s19 =	spop (v2sf);
	v1 =	vadd.f32 v4, v1;
	v3 =	vadd.f32 v15, v3;
	v4 =	vmul.f32 v21, v24;
	v15 =	vld [tilespmem:s15+$0x20]  }
0x51: {  	s15 =	scvt.f32.s32 s19;
	s19 =	spop (v2sf);
	v2 =	vadd.f32 v17, v2;
	v16 =	vmul.f32 v18, v24;
	v9 =	vadd.f32 v9, v10  }
0x52: {  	s18 =	smul.u32 $0x140, s18;
	s20 =	spop (v2sf);
	v1 =	vadd.f32 v4, v1;
	v3 =	vadd.f32 v12, v3;
	v4 =	vmul.f32 v20, v6  }
0x53: {  	s19 =	scvt.f32.s32 s19;
	s21 =	spop (v2sf);
	v2 =	vadd.f32 v16, v2;
	v9 =	vadd.f32 v13, v9;
	v10 =	vmul.f32 v11, v6  }
0x54: {  	s15 =	smul.u32 $0x140, s15;
	s18 =	sshra.s32 s18, $0x2;
	s23 =	spop (v2sf);
	v1 =	vadd.f32 v8, v1;
	v3 =	vadd.f32 v4, v3;
	v4 =	vmul.f32 v14, v6  }
0x55: {  	v5 =	vadd.f32 v22, v5;
	s19 =	smul.u32 $0x140, s19;
	s24 =	spop (v2sf);
	v2 =	vadd.f32 v7, v2;
	v6 =	vmul.f32 v15, v6;
	[tilespmem:s14+$0x18010] =	vst v9  }
0x56: {  	s25 =	scvt.f32.s32 s23;
	s23 =	sshra.s32 s15, $0x2;
	s15 =	scvt.f32.s32 s24;
	v1 =	vadd.f32 v4, v1;
	[tilespmem:s14+$0x18000] =	vst v3  }
0x57: {  	s26 =	scvt.f32.s32 s21;
	s24 =	scvt.f32.s32 s20;
	v3 =	vadd.f32 v6, v5;
	v2 =	vadd.f32 v10, v2  }
0x58: {  	s20 =	sshra.s32 s19, $0x2;
	s15 =	smul.u32 $0x140, s15;
	[tilespmem:s14+$0x18040] =	vst v1  }
0x59: {  	s19 =	smul.u32 $0x140, s24;
	[tilespmem:s14+$0x18020] =	vst v3  }
0x5a: {  	s21 =	sshra.s32 s15, $0x2;
	s15 =	smul.u32 $0x140, s26;
	[tilespmem:s14+$0x18030] =	vst v2;
	s14 =	smov.u32 s22  }
0x5b: {  	s22 =	smul.u32 $0x140, s25;
	s19 =	sshra.s32 s19, $0x2;
	v9 =	vld [tilespmem:s21+$0x10]  }
0x5c: {  	v12 =	vld [tilespmem:s21+$0x0];
	s15 =	sshra.s32 s15, $0x2  }
0x5d: {  	s24 =	sshra.s32 s22, $0x2;
	v13 =	vld [tilespmem:s15+$0x10]  }
0x5e: {  	v1 =	vld [tilespmem:s18+$0x30]  }
0x5f: {  	s17 =	smul.u32 $0x140, s17;
	v5 =	vld [tilespmem:s18+$0x40]  }
0x60: {  	v6 =	vld [tilespmem:s20+$0x20]  }
0x61: {  	s17 =	sshra.s32 s17, $0x2;
	v4 =	vbroadcast v0, $0x2;
	v7 =	vld [tilespmem:s20+$0x40]  }
0x62: {  	v15 =	vld [tilespmem:s17+$0x0]  }
0x63: {  	v3 =	vbroadcast v0, $0x3;
	v2 =	vmul.f32 v1, v4;
	v14 =	vld [tilespmem:s17+$0x20]  }
.Ltmp0:
0x64: {  	v11 =	vmul.f32 v5, v4;
	v16 =	vld [tilespmem:s20+$0x30];
	(pc) =	sbr.rel @p0 .LBB2_3-.Ltmp0, $4  }
0x65: {  	v10 =	vld [tilespmem:s20+$0x10];
	v5 =	vmul.f32 v6, v3  }
0x66: {  	v1 =	vmul.f32 v7, v3;
	v7 =	vld [tilespmem:s21+$0x30]  }
0x67: {  	v8 =	vld [tilespmem:s21+$0x40]  }
0x68: {  	v17 =	vld [tilespmem:s23+$0x30]  }
0x69: {  	v18 =	vld [tilespmem:s24+$0x40]  }
0x6a: {  	v19 =	vbroadcast v0, $0x4;
	v21 =	vld [tilespmem:s23+$0x40]  }
0x6b: {  	v20 =	vbroadcast v0, $0x1;
	v22 =	vbroadcast v0, $0x6;
	v24 =	vld [tilespmem:s24+$0x20]  }
0x6c: {  	v23 =	vbroadcast v0, $0x5;
	v25 =	vbroadcast v0, $0x7;
	v26 =	vld [tilespmem:s23+$0x20]  }
0x6d: {  	v58 =	vbroadcast v0, $0x0;
	v27 =	vld [tilespmem:s24+$0x30];
	v16 =	vmul.f32 v16, v3  }
0x6e: {  	v28 =	vld [tilespmem:s24+$0x10];
	v10 =	vmul.f32 v10, v3;
	v7 =	vmul.f32 v7, v22  }
0x6f: {  	v29 =	vld [tilespmem:s24+$0x0];
	v12 =	vmul.f32 v12, v22;
	v9 =	vmul.f32 v9, v22  }
0x70: {  	v30 =	vld [tilespmem:s23+$0x10];
	v13 =	vmul.f32 v13, v25;
	v15 =	vmul.f32 v15, v23  }
0x71: {  	v6 =	vld [tilespmem:s18+$0x20];
	v14 =	vmul.f32 v14, v23;
	v17 =	vmul.f32 v17, v20  }
0x72: {  	v31 =	vld [tilespmem:s23+$0x0];
	v18 =	vmul.f32 v18, v58;
	v21 =	vmul.f32 v21, v20  }
0x73: {  	v32 =	vld [tilespmem:s18+$0x0];
	v24 =	vmul.f32 v24, v58;
	v26 =	vmul.f32 v26, v20  }
0x74: {  	v63 =	vld [tilespmem:s20+$0x0];
	v28 =	vmul.f32 v28, v58;
	v27 =	vmul.f32 v27, v58  }
0x75: {  	v59 =	vld [tilespmem:s18+$0x10];
	v0 =	vmul.f32 v29, v58;
	v62 =	vmul.f32 v30, v20  }
0x76: {  	v60 =	vld [tilespmem:s19+$0x20];
	v6 =	vmul.f32 v6, v4;
	v18 =	vadd.f32 $0.0e+00, v18;
	v24 =	vadd.f32 $0.0e+00, v24  }
0x77: {  	v33 =	vld [tilespmem:s19+$0x10];
	v20 =	vmul.f32 v31, v20;
	v61 =	vadd.f32 $0.0e+00, v28;
	v0 =	vadd.f32 $0.0e+00, v0  }
0x78: {  	v34 =	vld [tilespmem:s19+$0x0];
	v35 =	vmul.f32 v32, v4;
	v27 =	vadd.f32 $0.0e+00, v27;
	v18 =	vadd.f32 v21, v18  }
0x79: {  	v36 =	vld [tilespmem:s17+$0x10];
	v38 =	vmul.f32 v63, v3;
	v24 =	vadd.f32 v26, v24;
	v26 =	vadd.f32 v62, v61  }
0x7a: {  	v37 =	vld [tilespmem:s19+$0x40];
	v21 =	vmul.f32 v59, v4;
	v0 =	vadd.f32 v20, v0;
	v17 =	vadd.f32 v17, v27  }
0x7b: {  	v39 =	vld [tilespmem:s19+$0x30];
	v40 =	vmul.f32 v60, v19;
	v11 =	vadd.f32 v11, v18;
	v6 =	vadd.f32 v6, v24  }
0x7c: {  	v41 =	vmul.f32 v33, v19;
	v21 =	vadd.f32 v21, v26;
	v0 =	vadd.f32 v35, v0  }
0x7d: {  	v42 =	vld [tilespmem:s17+$0x40];
	v43 =	vmul.f32 v34, v19;
	v2 =	vadd.f32 v2, v17;
	v5 =	vadd.f32 v5, v6  }
0x7e: {  	v44 =	vld [tilespmem:s17+$0x30];
	v47 =	vmul.f32 v36, v23;
	v10 =	vadd.f32 v10, v21;
	v0 =	vadd.f32 v38, v0  }
0x7f: {  	v45 =	vld [tilespmem:s21+$0x20];
	v49 =	vmul.f32 v37, v19;
	v2 =	vadd.f32 v16, v2;
	v1 =	vadd.f32 v1, v11  }
0x80: {  	v48 =	vld [tilespmem:s15+$0x0];
	v50 =	vmul.f32 v39, v19;
	v5 =	vadd.f32 v40, v5;
	v46 =	vadd.f32 v41, v10  }
0x81: {  	v52 =	vld [tilespmem:s15+$0x40];
	v8 =	vmul.f32 v8, v22;
	v0 =	vadd.f32 v43, v0;
	v1 =	vadd.f32 v49, v1  }
0x82: {  	v54 =	vld [tilespmem:s15+$0x20];
	v53 =	vmul.f32 v42, v23;
	v2 =	vadd.f32 v50, v2;
	v51 =	vadd.f32 v47, v46  }
0x83: {  	v55 =	vld [tilespmem:s15+$0x30];
	v56 =	vmul.f32 v44, v23;
	v5 =	vadd.f32 v14, v5;
	v0 =	vadd.f32 v15, v0  }
0x84: {  	v57 =	vmul.f32 v45, v22;
	v1 =	vadd.f32 v53, v1;
	v4 =	vadd.f32 v9, v51  }
0x85: {  	v58 =	vmul.f32 v48, v25;
	v2 =	vadd.f32 v56, v2;
	v0 =	vadd.f32 v12, v0  }
0x86: {  	v60 =	vmul.f32 v52, v25;
	v1 =	vadd.f32 v8, v1;
	v59 =	vadd.f32 v13, v4  }
0x87: {  	v61 =	vmul.f32 v54, v25;
	v5 =	vadd.f32 v57, v5;
	v0 =	vadd.f32 v58, v0  }
0x88: {  	v62 =	vmul.f32 v55, v25;
	v2 =	vadd.f32 v7, v2;
	v1 =	vadd.f32 v60, v1;
	[tilespmem:s14+$0x18010] =	vst v59  }
0x89: {  	v63 =	vadd.f32 v61, v5;
	[tilespmem:s14+$0x18000] =	vst v0  }
0x8a: {  	s12 =	sadd.s32 $0x1, s12;
	v2 =	vadd.f32 v62, v2;
	[tilespmem:s14+$0x18040] =	vst v1  }
0x8b: {  	p0 =	sne.s32 s12, $0x4;
	[tilespmem:s14+$0x18020] =	vst v63  }
.Ltmp1:
0x8c: {  	s13 =	sadd.s32 s5, s13;
	[tilespmem:s14+$0x18030] =	vst v2;
	(pc) =	sbr.rel @p0 .LBB2_2-.Ltmp1, $4  }
0x8d: {  	[hbm4b:s13+s1] =	stream.linear.scatter [tilespmem:s10], [sflag:$0x1], $0x4000, $0x38;
	[tilespmem:$0x1C000] =	vst v63  }
0x8e: {  	_ =	swait.ge [sflag:s8], $0x4000  }
0x8f: {  	[sflag:s8] =	ssyncset.done $0x0  }
0x90: {  	[sflag:s8] =	ssyncadd.s32 $0xFFFFC000  }
0x91: {  	s11 =	sadd.s32 $0x1, s11  }
0x92: {  	p0 =	sne.s32 s11, s7  }
.Ltmp2:
0x93: {  	_ = 	snop;
	(pc) =	sbr.rel @p0 .LBB2_1-.Ltmp2, $1  }
0x94: {  	_ =	sdelay $0x3  }
0x95: {  	_ =	sfence.sel $0x180000  }
0x96: {  	[bflag:$0x0] =	sbarrier.arrive $0xFFFF  }
0x97: {  	p0 =	sne.s32 s2, $0x0;
	_ =	strace $0x90000050  }
0x98: {  	s0 =	sadd.s32 @!p0 $0x100000, s0;
	[bflag:$0x2] =	sbarrier.arrive $0xFFFF  }
0x99: {  	[sflag:s0] =	ssyncadd.tile.s32 @!p0 $0x1;
	_ =	shalt  }
.Lfunc_end2:
_tile_overlayer_lowered:
.L_overlay_start_2:
0x9a: {  	(tag) =	ssettag $0x2  }
0x9b: {  	s0 =	rddreg [dreg:$0x0];
	s2 =	stileid.u32  }
0x9c: {  	s1 =	rddreg [dreg:$0x1];
	p0 =	sne.s32 s2, $0x0  }
0x9d: {  	s3 =	rddreg [dreg:$0x2];
	[bflag:$0x3] =	sbarrier.arrive $0xFFFF;
	s2 =	simm.s32 @!p0 $0x1C01  }
0x9e: {  	[timem:s3], [sflag:s2] =	dma.local @!p0 [hbm:s0], s1  }
0x9f: {  	s0 =	simm.s32 @!p0 $0x1  }
0xa0: {  	_ =	swait.ge @!p0 [sflag:s0], s1  }
0xa1: {  	s1 =	ssub.s32 @!p0 $0x0, s1;
	[sflag:s0] =	ssyncset.done @!p0 $0x0  }
0xa2: {  	[sflag:s0] =	ssyncadd.s32 @!p0 s1  }
0xa3: {  	[bflag:$0x3] =	sbarrier.arrive $0xFFFF  }
0xa4: {  	_ =	shalt  }

// kernel: kernel.17.cloned.1.call-start
scs
__scs_entry_jumppad:
0x0: {  	(pc) =	sbr.rel $0x88, $3  }
0x1: {  	(tag) =	ssettag $0x0;
	lr =	simm.s32 $0x1  }
0x2: {  	[smem:$0x3F97] =	sst lr;
	_ =	strace $0xD0000000  }
0x3: {  	_ = 	snop  }
0x4: {  	_ = 	snop  }
0x5: {  	_ = 	snop  }
0x6: {  	_ = 	snop  }
0x7: {  	_ = 	snop  }
__scs_overlays_trampoline_lowered:
0x8: {  	[smem:$0x3FA6] =	sst s0  }
0x9: {  	[smem:$0x3FA7] =	sst s1  }
0xa: {  	[smem:$0x3FA8] =	sst s2  }
0xb: {  	[smem:$0x3FA9] =	sst s3  }
0xc: {  	[smem:$0x3FAA] =	sst s4  }
0xd: {  	[smem:$0x3FAB] =	sst s5  }
0xe: {  	[smem:$0x3FAC] =	sst s6  }
0xf: {  	[smem:$0x3FAD] =	sst s7  }
0x10: {  	[smem:$0x3FAE] =	sst s8  }
0x11: {  	[smem:$0x3FAF] =	sst s9;
	s0 =	simm.s32 @!p0 $0x0  }
0x12: {  	s1 =	sld [smem:$0x3F95];
	s0 =	simm.s32 @p0 $0x1  }
0x13: {  	[smem:$0x3FB0] =	sst s0;
	s0 =	simm.s32 @!p1 $0x0  }
0x14: {  	s2 =	sld [smem:$0x3F94];
	s0 =	simm.s32 @p1 $0x1  }
0x15: {  	[smem:$0x3FB1] =	sst s0;
	s0 =	simm.s32 @!p2 $0x0  }
0x16: {  	s3 =	sld [smem:$0x3FDB];
	s0 =	simm.s32 @p2 $0x1  }
0x17: {  	s4 =	simm.s32 $0x1BF5;
	[smem:$0x3FB3] =	sst s0  }
0x18: {  	s0 =	sld [smem:$0x3F96];
	_ =	swait.ge [sflag:s4], $0x0  }
0x19: {  	s7 =	sld [smem:$0x3F97]  }
0x1a: {  	s8 =	sadd.s32 $0xFFFFE003, lr  }
0x1b: {  	s9 =	sadd.s32 $0xFFFFFEF7, lr;
	s5 =	simm.s32 $0xFFFFFFFF;
	p2 =	slt.u32 s8, $0xFFFFF086  }
0x1c: {  	p1 =	slt.u32 s9, $0xF7A;
	s5 =	simm.s32 @!p2 $0x0  }
0x1d: {  	s5 =	simm.s32 @p1 $0x1;
	p0 =	seq.s32 s7, s2  }
0x1e: {  	s7 =	smul.u32 @!p0 $0xF7A, s2;
	p2 =	seq.s32 @!p0 s5, $0x0  }
0x1f: {  	s9 =	smul.u32 $0xF7A, s1;
	s8 =	simm.s32 @!p0 $0x1BF5;
	p2 =	por !p2, p0  }
0x20: {  	[sflag:s8] =	ssyncset.s32 @!p0 $0xFFFFF086;
	s6 =	sadd.s32 @!p0 s3, s7;
	s7 =	simm.s32 @!p0 $0x108  }
0x21: {  	s3 =	sadd.s32 s3, s9;
	s6 =	sadd.s32 @!p0 $0x88, s6;
	s7 =	simm.s32 @p2 $0x1082  }
0x22: {  	[simem:s7], [sflag:s8] =	dma.local @!p0 [hbm:s6], $0xF7A  }
0x23: {  	s9 =	sor.u32 $0xD0000000, s2;
	s6 =	simm.s32 $0x108;
	_ =	swait.ge @!p0 [sflag:s8], $0x0  }
0x24: {  	s3 =	sadd.s32 $0x88, s3;
	s6 =	simm.s32 @!p1 $0x1082;
	[sflag:s4] =	ssyncset.s32 $0xFFFFF086  }
0x25: {  	[simem:s6], [sflag:s4] =	dma.local [hbm:s3], $0xF7A  }
0x26: {  	[smem:$0x3F97] =	sst s1;
	(tag) =	ssettag s2;
	_ =	strace s9  }
0x27: {  	s1 =	sld [smem:$0x3FA7]  }
0x28: {  	s2 =	sld [smem:$0x3FA8]  }
0x29: {  	s4 =	sld [smem:$0x3FAA]  }
0x2a: {  	p0 =	seq.s32 s5, $0x0;
	s5 =	sld [smem:$0x3FAB]  }
0x2b: {  	s6 =	sld [smem:$0x3FAC]  }
0x2c: {  	s7 =	sld [smem:$0x3FAD]  }
0x2d: {  	s3 =	simm.s32 $0x108;
	s8 =	sld [smem:$0x3FAE]  }
0x2e: {  	s3 =	simm.s32 @!p0 $0x1082;
	s9 =	sld [smem:$0x3FAF]  }
0x2f: {  	lr =	sadd.s32 s0, s3;
	s0 =	sld [smem:$0x3FA6]  }
0x30: {  	s3 =	sld [smem:$0x3FA9]  }
0x31: {  	[smem:$0x3FB2] =	sst s10  }
0x32: {  	s10 =	sld [smem:$0x3FB0];
	_ =	sdelay $0x3  }
0x33: {  	p0 =	seq.s32 s10, $0x1;
	s10 =	sld [smem:$0x3FB2];
	_ =	sdelay $0x3  }
0x34: {  	[smem:$0x3FB2] =	sst s10  }
0x35: {  	s10 =	sld [smem:$0x3FB1];
	_ =	sdelay $0x3  }
0x36: {  	p1 =	seq.s32 s10, $0x1;
	s10 =	sld [smem:$0x3FB2];
	_ =	sdelay $0x3  }
0x37: {  	[smem:$0x3FB2] =	sst s10  }
0x38: {  	s10 =	sld [smem:$0x3FB3]  }
0x39: {  	_ = 	snop;
	(pc) =	sbr.ind lr, $3  }
0x3a: {  	_ = 	snop  }
0x3b: {  	_ = 	snop  }
0x3c: {  	p2 =	seq.s32 s10, $0x1;
	s10 =	sld [smem:$0x3FB2]  }
0x3d: {  	_ =	shalt  }
0x3e: {  	_ =	shalt  }
0x3f: {  	_ =	shalt  }
0x40: {  	_ =	shalt  }
0x41: {  	_ =	shalt  }
0x42: {  	_ =	shalt  }
0x43: {  	_ =	shalt  }
0x44: {  	_ =	shalt  }
0x45: {  	_ =	shalt  }
0x46: {  	_ =	shalt  }
0x47: {  	_ =	shalt  }
0x48: {  	_ =	shalt  }
0x49: {  	_ =	shalt  }
0x4a: {  	_ =	shalt  }
0x4b: {  	_ =	shalt  }
0x4c: {  	_ =	shalt  }
0x4d: {  	_ =	shalt  }
0x4e: {  	_ =	shalt  }
0x4f: {  	_ =	shalt  }
0x50: {  	_ =	shalt  }
0x51: {  	_ =	shalt  }
0x52: {  	_ =	shalt  }
0x53: {  	_ =	shalt  }
0x54: {  	_ =	shalt  }
0x55: {  	_ =	shalt  }
0x56: {  	_ =	shalt  }
0x57: {  	_ =	shalt  }
0x58: {  	_ =	shalt  }
0x59: {  	_ =	shalt  }
0x5a: {  	_ =	shalt  }
0x5b: {  	_ =	shalt  }
0x5c: {  	_ =	shalt  }
0x5d: {  	_ =	shalt  }
0x5e: {  	_ =	shalt  }
0x5f: {  	_ =	shalt  }
0x60: {  	_ =	shalt  }
0x61: {  	_ =	shalt  }
0x62: {  	_ =	shalt  }
0x63: {  	_ =	shalt  }
0x64: {  	_ =	shalt  }
0x65: {  	_ =	shalt  }
0x66: {  	_ =	shalt  }
0x67: {  	_ =	shalt  }
0x68: {  	_ =	shalt  }
0x69: {  	_ =	shalt  }
0x6a: {  	_ =	shalt  }
0x6b: {  	_ =	shalt  }
0x6c: {  	_ =	shalt  }
0x6d: {  	_ =	shalt  }
0x6e: {  	_ =	shalt  }
0x6f: {  	_ =	shalt  }
0x70: {  	_ =	shalt  }
0x71: {  	_ =	shalt  }
0x72: {  	_ =	shalt  }
0x73: {  	_ =	shalt  }
0x74: {  	_ =	shalt  }
0x75: {  	_ =	shalt  }
0x76: {  	_ =	shalt  }
0x77: {  	_ =	shalt  }
0x78: {  	_ =	shalt  }
0x79: {  	_ =	shalt  }
0x7a: {  	_ =	shalt  }
0x7b: {  	_ =	shalt  }
0x7c: {  	_ =	shalt  }
0x7d: {  	_ =	shalt  }
0x7e: {  	_ =	shalt  }
0x7f: {  	_ =	shalt  }
0x80: {  	_ =	shalt  }
0x81: {  	_ =	shalt  }
0x82: {  	_ =	shalt  }
0x83: {  	_ =	shalt  }
0x84: {  	_ =	shalt  }
0x85: {  	_ =	shalt  }
0x86: {  	_ =	shalt  }
0x87: {  	_ =	shalt  }
.Lfunc_end0:
.L_simem_size_0:
called_computation.1_lowered:
.L_overlay_start_0:
0x88: {  	s2 =	sld [smem:$0x3FD9]  }
0x89: {  	s3 =	sld [smem:$0x3FFE];
	_ =	sdelay $0x1  }
0x8a: {  	s1 =	srdreg.scid  }
0x8b: {  	s0 =	sand.u32 $0x1, s1  }
0x8c: {  	s16 =	sshll.u32 s0, $0xA;
	s2 =	sadd.s32 s3, s2  }
0x8d: {  	s2 =	sadd.s32 s2, s16  }
0x8e: {  	[smem:$0x3FBE] =	sst s2  }
0x8f: {  	_ = 	snop  }
0x90: {  	(tm) =	ssettm $0x1  }
0x91: {  	s17 =	sld [smem:$0x3FFB];
	_ =	sdelay $0x3  }
0x92: {  	_ =	strace s17  }
0x93: {  	s2 =	sld [smem:$0x3FFC];
	_ =	sdelay $0x3  }
0x94: {  	_ =	strace s2  }
0x95: {  	s2 =	sld [smem:$0x3FFD];
	_ =	sdelay $0x3  }
0x96: {  	_ =	strace s2  }
0x97: {  	_ =	strace $0x8FFFFFFF  }
0x98: {  	s18 =	sld [smem:$0x3FDB];
	_ =	sdelay $0x1  }
0x99: {  	s19 =	simm.s32 $_scs_section_size  }
0x9a: {  	s4 =	simm.s32 $_size__tile_overlayer_lowered;
	s5 =	simm.s32 $_tile_overlayer_lowered  }
0x9b: {  	s22 =	simm.s32 $0x1BFF;
	s21 =	sshll.u32 s5, $0x1;
	s2 =	sadd.s32 s19, s18  }
0x9c: {  	s6 =	simm.s32 $0x0;
	s20 =	sshll.u32 s4, $0x1;
	s4 =	sadd.s32 s21, s2  }
0x9d: {  	[timem:s6], [sflag:s22] =	dma.local [hbm:s4], s20  }
0x9e: {  	_ =	swait.ge [sflag:s22], s20  }
0x9f: {  	s3 =	ssub.s32 $0x0, s20;
	[sflag:s22] =	ssyncset.done $0x0  }
0xa0: {  	[sflag:s22] =	ssyncadd.s32 s3;
	_ =	sdelay $0x1  }
0xa1: {  	s23 =	simm.s32 $0x1B8B  }
0xa2: {  	_ =	swait.ge [sflag:s23], $0x1  }
0xa3: {  	[sflag:s23] =	ssyncset.done $0x0  }
0xa4: {  	s25 =	simm.s32 $0x1B8E;
	s24 =	sld [smem:$0x3FFE];
	[sflag:s23] =	ssyncadd.s32 $0xFFFFFFFF  }
0xa5: {  	s26 =	simm.s32 $execute0_lowered;
	[smem:$0x3FD2] =	sst s25  }
0xa6: {  	s4 =	sshll.u32 s26, $0x1;
	_ =	strace $0x80000046;
	[dreg:$0x1] =	wrdreg $0xFFFFFFFF  }
0xa7: {  	s28 =	simm.s32 $_size_execute0_lowered;
	s2 =	sadd.s32 s2, s4;
	[dreg:$0x0] =	wrdreg $0x0  }
0xa8: {  	s4 =	sshll.u32 s28, $0x1;
	[dreg:$0x2] =	wrdreg s2  }
0xa9: {  	[dreg:$0x3] =	wrdreg s4  }
0xaa: {  	[dreg:$0x4] =	wrdreg $0xC0  }
0xab: {  	_ =	task [dreg:s6], $0x5FFFF  }
0xac: {  	[dreg:$0x1] =	wrdreg $0xFFFFFFFF  }
0xad: {  	[dreg:$0x0] =	wrdreg $0x60  }
0xae: {  	[dreg:$0x2] =	wrdreg s24  }
0xaf: {  	[dreg:$0x3] =	wrdreg $0xA  }
0xb0: {  	_ =	task.clear_ibuf [dreg:s6], $0x4FFFF;
	_ =	strace $0x90000046  }
0xb1: {  	s29 =	simm.s32 $0xA;
	_ =	strace $0x80000048  }
0xb2: {  	_ =	swait.ge [sflag:s29], $0x1  }
0xb3: {  	[sflag:s29] =	ssyncadd.s32 $0xFFFFFFFF  }
0xb4: {  	_ =	strace $0x90000048  }
0xb5: {  	_ =	sfence  }
0xb6: {  	s30 =	sld [smem:$0x0];
	_ =	sdelay $0x2  }
0xb7: {  	s31 =	sshll.u32 s1, $0xD;
	s1 =	sshrl.u32 s1, $0x2  }
0xb8: {  	s3 =	sand.u32 $0x4000, s31;
	s1 =	sadd.s32 s1, s30  }
0xb9: {  	s0 =	sor.u32 s3, s0;
	s1 =	sshll.u32 s1, $0x11  }
0xba: {  	s0 =	sor.u32 s1, s0  }
0xbb: {  	s0 =	sadd.s32 $0x8F2B, s0  }
0xbc: {  	[sflag:s0] =	ssyncadd.remote.s32 $0x1  }
0xbd: {  	_ =	sfence.sel $0xFFFF  }
0xbe: {  	[dreg:$0x0] =	wrdreg $0xFFFFFFFF;
	(pc) =	sbr.abs _section_cstart, $3  }
0xbf: {  	[dreg:$0x1] =	wrdreg $0xFFFFFFFF  }
0xc0: {  	_ =	task.clear_ibuf [dreg:s6], $0x2FFFF;
	_ =	strace $0x9FFFFFFF  }
0xc1: {  	(tm) =	ssettm $0x7FFFFFFF  }
tec
execute0_lowered:
.L_overlay_start_1:
0x0: {  	(tag) =	ssettag $0x1  }
0x1: {  	s2 =	rddreg [dreg:$0x0]  }
0x2: {  	s0 =	rddreg [dreg:$0x1];
	s1 =	simm.s32 $0x0;
	s3 =	srdreg.scid  }
0x3: {  	s9 =	simm.s32 $0x14000;
	s10 =	simm.s32 $0x18000;
	s11 =	simm.s32 $0x0  }
0x4: {  	[smem:$0x7FF] =	sst s1;
	s6 =	sand.u32 $0x1, s3;
	s3 =	sadd.s32 $0x104800, s2  }
0x5: {  	s4 =	sadd.s32 $0x4800, s2;
	s5 =	sadd.s32 $0x84800, s2;
	s7 =	ssub.s32 $0x2, s6  }
0x6: {  	s2 =	stileid.u32;
	_ =	strace $0x80000047;
	s8 =	sshrl.u32 s7, $0x1  }
0x7: {  	s31 =	sshll.u32 s2, $0xE;
	s6 =	sshll.u32 s6, $0xD;
	s7 =	ssub.s32 s7, s8  }
0x8: {  	s6 =	sor.u32 s6, s31;
	s8 =	simm.s32 $0x1;
	s7 =	smax.u32 s7, $0x1  }
.LBB2_1:
0x9: {  	[tilespmem:s1], [sflag:$0x1] =	stream.linear.gather [hbm4b:s3+s1], $0x14000, $0x38;
	[tilespmem:$0x1C000] =	vst v63  }
0xa: {  	_ =	swait.ge [sflag:s8], $0x14000  }
0xb: {  	[sflag:s8] =	ssyncset.done $0x0  }
0xc: {  	s12 =	simm.s32 $0x0;
	[sflag:s8] =	ssyncadd.s32 $0xFFFEC000  }
.LBB2_2:
0xd: {  	s13 =	sshll.u32 s12, $0xB  }
0xe: {  	s13 =	sadd.s32 s6, s13  }
0xf: {  	s15 =	simm.s32 $0x0;
	s14 =	sadd.s32 s4, s13  }
0x10: {  	[tilespmem:s9], [sflag:$0x1] =	stream.linear.gather [hbm4b:s14+s15], $0x4000, $0x38;
	[tilespmem:$0x1C000] =	vst v63  }
0x11: {  	_ =	swait.ge [sflag:s8], $0x4000  }
0x12: {  	[sflag:s8] =	ssyncset.done $0x0  }
0x13: {  	s14 =	simm.s32 $0x0;
	[sflag:s8] =	ssyncadd.s32 $0xFFFFC000  }
0x14: {  	v0 =	vld [tilespmem:s14+$0x14000];
	_ =	sdelay $0x4  }
0x15: {  	(v2sf) =	vpush v0, $0xD  }
0x16: {  	(v2sf) =	vpush v0, $0xA  }
0x17: {  	(v2sf) =	vpush v0, $0x9  }
0x18: {  	(v2sf) =	vpush v0, $0xB  }
0x19: {  	(v2sf) =	vpush v0, $0xC  }
0x1a: {  	(v2sf) =	vpush v0, $0xF;
	_ =	sdelay $0x1  }
0x1b: {  	(v2sf) =	vpush v0, $0x8  }
0x1c: {  	(v2sf) =	vpush v0, $0xE;
	_ =	sdelay $0x6  }
0x1d: {  	s16 =	spop (v2sf)  }
0x1e: {  	s26 =	spop (v2sf)  }
0x1f: {  	s19 =	spop (v2sf)  }
0x20: {  	s17 =	spop (v2sf)  }
0x21: {  	s22 =	spop (v2sf)  }
0x22: {  	s18 =	spop (v2sf)  }
0x23: {  	s18 =	scvt.f32.s32 s18  }
0x24: {  	s15 =	scvt.f32.s32 s26;
	s23 =	spop (v2sf)  }
0x25: {  	s20 =	spop (v2sf);
	s18 =	smul.u32 $0x140, s18  }
0x26: {  	s28 =	smul.u32 $0x140, s15;
	s20 =	scvt.f32.s32 s20  }
0x27: {  	s15 =	sshra.s32 s18, $0x2  }
0x28: {  	s17 =	scvt.f32.s32 s17;
	s20 =	smul.u32 $0x140, s20;
	s18 =	sshra.s32 s28, $0x2;
	v13 =	vld [tilespmem:s15+$0x10]  }
0x29: {  	v1 =	vld [tilespmem:s18+$0x30]  }
0x2a: {  	s16 =	scvt.f32.s32 s16;
	s17 =	smul.u32 $0x140, s17;
	v5 =	vld [tilespmem:s18+$0x40];
	s21 =	sshra.s32 s20, $0x2  }
0x2b: {  	v9 =	vld [tilespmem:s21+$0x10]  }
0x2c: {  	s16 =	smul.u32 $0x140, s16;
	s20 =	sshra.s32 s17, $0x2;
	v12 =	vld [tilespmem:s21+$0x0]  }
0x2d: {  	v6 =	vld [tilespmem:s20+$0x20]  }
0x2e: {  	s17 =	sshra.s32 s16, $0x2;
	v17 =	vld [tilespmem:s20+$0x40]  }
0x2f: {  	s30 =	scvt.f32.s32 s22;
	v15 =	vld [tilespmem:s17+$0x0]  }
0x30: {  	s29 =	scvt.f32.s32 s19;
	v14 =	vld [tilespmem:s17+$0x20]  }
0x31: {  	s31 =	scvt.f32.s32 s23;
	s19 =	smul.u32 $0x140, s30;
	v16 =	vld [tilespmem:s20+$0x30]  }
0x32: {  	v4 =	vbroadcast v0, $0x2;
	s16 =	smul.u32 $0x140, s29;
	v10 =	vld [tilespmem:s20+$0x10]  }
0x33: {  	v3 =	vbroadcast v0, $0x3;
	s22 =	smul.u32 $0x140, s31;
	v7 =	vld [tilespmem:s21+$0x30]  }
0x34: {  	v8 =	vld [tilespmem:s21+$0x40];
	s23 =	sshra.s32 s16, $0x2;
	v2 =	vmul.f32 v1, v4;
	v11 =	vmul.f32 v5, v4  }
0x35: {  	s19 =	sshra.s32 s19, $0x2;
	s24 =	sshra.s32 s22, $0x2;
	s16 =	simm.s32 $0x200;
	v5 =	vmul.f32 v6, v3;
	v1 =	vmul.f32 v17, v3;
	v17 =	vld [tilespmem:s23+$0x30]  }
.LBB2_3:
0x36: {  	p0 =	sne.s32 s16, $0xFE00;
	v18 =	vld [tilespmem:s18+$0x20];
	v19 =	vbroadcast v0, $0x4;
	s22 =	smov.u32 s16;
	s16 =	sadd.s32 $0x200, s16  }
0x37: {  	v21 =	vbroadcast v0, $0x1;
	v22 =	vbroadcast v0, $0x6;
	s22 =	sshra.s32 s22, $0x2;
	v20 =	vld [tilespmem:s24+$0x40]  }
0x38: {  	v24 =	vbroadcast v0, $0x5;
	v6 =	vbroadcast v0, $0x7;
	v23 =	vld [tilespmem:s23+$0x40]  }
0x39: {  	v7 =	vmul.f32 v7, v22;
	v25 =	vld [tilespmem:s22+$0x14000];
	v8 =	vmul.f32 v8, v22  }
0x3a: {  	v26 =	vbroadcast v0, $0x0;
	v12 =	vmul.f32 v12, v22;
	v27 =	vld [tilespmem:s24+$0x20]  }
0x3b: {  	v9 =	vmul.f32 v9, v22;
	v13 =	vmul.f32 v13, v6;
	v28 =	vld [tilespmem:s23+$0x20]  }
0x3c: {  	v15 =	vmul.f32 v15, v24;
	v29 =	vld [tilespmem:s24+$0x30];
	v32 =	vmul.f32 v20, v26  }
0x3d: {  	v16 =	vmul.f32 v16, v3;
	v14 =	vmul.f32 v14, v24;
	v20 =	vld [tilespmem:s24+$0x10]  }
0x3e: {  	v10 =	vmul.f32 v10, v3;
	v23 =	vmul.f32 v23, v21;
	v30 =	vadd.f32 $0.0e+00, v32;
	v31 =	vld [tilespmem:s21+$0x20];
	v0 =	vmovc v25  }
0x3f: {  	v17 =	vmul.f32 v17, v21;
	(v2sf) =	vpush v0, $0xD;
	v25 =	vld [tilespmem:s24+$0x0];
	v27 =	vmul.f32 v27, v26  }
0x40: {  	(v2sf) =	vpush v0, $0xA;
	v32 =	vld [tilespmem:s23+$0x10];
	v28 =	vmul.f32 v28, v21;
	v23 =	vadd.f32 v23, v30  }
0x41: {  	(v2sf) =	vpush v0, $0x9;
	v27 =	vadd.f32 $0.0e+00, v27;
	v29 =	vmul.f32 v29, v26;
	v30 =	vld [tilespmem:s23+$0x0]  }
0x42: {  	(v2sf) =	vpush v0, $0xB;
	v20 =	vmul.f32 v20, v26;
	v33 =	vld [tilespmem:s18+$0x10];
	v11 =	vadd.f32 v11, v23  }
0x43: {  	v18 =	vmul.f32 v18, v4;
	(v2sf) =	vpush v0, $0xC;
	v23 =	vadd.f32 v28, v27;
	v27 =	vld [tilespmem:s18+$0x0]  }
0x44: {  	(v2sf) =	vpush v0, $0xF;
	v25 =	vmul.f32 v25, v26;
	v26 =	vadd.f32 $0.0e+00, v29;
	v28 =	vld [tilespmem:s19+$0x20]  }
0x45: {  	v20 =	vadd.f32 $0.0e+00, v20;
	(v2sf) =	vpush v0, $0x8;
	v29 =	vmul.f32 v32, v21;
	v32 =	vld [tilespmem:s20+$0x0]  }
0x46: {  	(v2sf) =	vpush v0, $0xE;
	v25 =	vadd.f32 $0.0e+00, v25;
	v21 =	vmul.f32 v30, v21;
	v30 =	vld [tilespmem:s19+$0x10]  }
0x47: {  	v18 =	vadd.f32 v18, v23;
	v20 =	vadd.f32 v29, v20;
	v29 =	vmul.f32 v33, v4;
	v23 =	vld [tilespmem:s19+$0x0]  }
0x48: {  	v17 =	vadd.f32 v17, v26;
	v21 =	vadd.f32 v21, v25;
	v4 =	vmul.f32 v27, v4;
	v25 =	vld [tilespmem:s17+$0x10]  }
0x49: {  	v5 =	vadd.f32 v5, v18;
	v20 =	vadd.f32 v29, v20;
	v18 =	vmul.f32 v28, v19;
	v26 =	vld [tilespmem:s19+$0x40]  }
0x4a: {  	v2 =	vadd.f32 v2, v17;
	v4 =	vadd.f32 v4, v21;
	v3 =	vmul.f32 v32, v3;
	v17 =	vld [tilespmem:s19+$0x30]  }
0x4b: {  	v22 =	vmul.f32 v31, v22;
	v10 =	vadd.f32 v10, v20;
	v20 =	vmul.f32 v30, v19;
	v21 =	vld [tilespmem:s17+$0x40]  }
0x4c: {  	v5 =	vadd.f32 v18, v5;
	v3 =	vadd.f32 v3, v4;
	v4 =	vmul.f32 v23, v19;
	v18 =	vld [tilespmem:s17+$0x30]  }
0x4d: {  	v2 =	vadd.f32 v16, v2;
	v10 =	vadd.f32 v20, v10;
	v16 =	vmul.f32 v25, v24;
	v20 =	vld [tilespmem:s15+$0x0]  }
0x4e: {  	v1 =	vadd.f32 v1, v11;
	s17 =	spop (v2sf);
	v3 =	vadd.f32 v4, v3;
	v4 =	vmul.f32 v26, v19;
	v11 =	vld [tilespmem:s15+$0x30]  }
0x4f: {  	v5 =	vadd.f32 v14, v5;
	s17 =	scvt.f32.s32 s17;
	s18 =	spop (v2sf);
	v17 =	vmul.f32 v17, v19;
	v10 =	vadd.f32 v16, v10;
	v14 =	vld [tilespmem:s15+$0x40]  }
0x50: {  	s18 =	scvt.f32.s32 s18;
	s19 =	spop (v2sf);
	v1 =	vadd.f32 v4, v1;
	v3 =	vadd.f32 v15, v3;
	v4 =	vmul.f32 v21, v24;
	v15 =	vld [tilespmem:s15+$0x20]  }
0x51: {  	s15 =	scvt.f32.s32 s19;
	s19 =	spop (v2sf);
	v2 =	vadd.f32 v17, v2;
	v16 =	vmul.f32 v18, v24;
	v9 =	vadd.f32 v9, v10  }
0x52: {  	s18 =	smul.u32 $0x140, s18;
	s20 =	spop (v2sf);
	v1 =	vadd.f32 v4, v1;
	v3 =	vadd.f32 v12, v3;
	v4 =	vmul.f32 v20, v6  }
0x53: {  	s19 =	scvt.f32.s32 s19;
	s21 =	spop (v2sf);
	v2 =	vadd.f32 v16, v2;
	v9 =	vadd.f32 v13, v9;
	v10 =	vmul.f32 v11, v6  }
0x54: {  	s15 =	smul.u32 $0x140, s15;
	s18 =	sshra.s32 s18, $0x2;
	s23 =	spop (v2sf);
	v1 =	vadd.f32 v8, v1;
	v3 =	vadd.f32 v4, v3;
	v4 =	vmul.f32 v14, v6  }
0x55: {  	v5 =	vadd.f32 v22, v5;
	s19 =	smul.u32 $0x140, s19;
	s24 =	spop (v2sf);
	v2 =	vadd.f32 v7, v2;
	v6 =	vmul.f32 v15, v6;
	[tilespmem:s14+$0x18010] =	vst v9  }
0x56: {  	s25 =	scvt.f32.s32 s23;
	s23 =	sshra.s32 s15, $0x2;
	s15 =	scvt.f32.s32 s24;
	v1 =	vadd.f32 v4, v1;
	[tilespmem:s14+$0x18000] =	vst v3  }
0x57: {  	s26 =	scvt.f32.s32 s21;
	s24 =	scvt.f32.s32 s20;
	v3 =	vadd.f32 v6, v5;
	v2 =	vadd.f32 v10, v2  }
0x58: {  	s20 =	sshra.s32 s19, $0x2;
	s15 =	smul.u32 $0x140, s15;
	[tilespmem:s14+$0x18040] =	vst v1  }
0x59: {  	s19 =	smul.u32 $0x140, s24;
	[tilespmem:s14+$0x18020] =	vst v3  }
0x5a: {  	s21 =	sshra.s32 s15, $0x2;
	s15 =	smul.u32 $0x140, s26;
	[tilespmem:s14+$0x18030] =	vst v2;
	s14 =	smov.u32 s22  }
0x5b: {  	s22 =	smul.u32 $0x140, s25;
	s19 =	sshra.s32 s19, $0x2;
	v9 =	vld [tilespmem:s21+$0x10]  }
0x5c: {  	v12 =	vld [tilespmem:s21+$0x0];
	s15 =	sshra.s32 s15, $0x2  }
0x5d: {  	s24 =	sshra.s32 s22, $0x2;
	v13 =	vld [tilespmem:s15+$0x10]  }
0x5e: {  	v1 =	vld [tilespmem:s18+$0x30]  }
0x5f: {  	s17 =	smul.u32 $0x140, s17;
	v5 =	vld [tilespmem:s18+$0x40]  }
0x60: {  	v6 =	vld [tilespmem:s20+$0x20]  }
0x61: {  	s17 =	sshra.s32 s17, $0x2;
	v4 =	vbroadcast v0, $0x2;
	v7 =	vld [tilespmem:s20+$0x40]  }
0x62: {  	v15 =	vld [tilespmem:s17+$0x0]  }
0x63: {  	v3 =	vbroadcast v0, $0x3;
	v2 =	vmul.f32 v1, v4;
	v14 =	vld [tilespmem:s17+$0x20]  }
.Ltmp0:
0x64: {  	v11 =	vmul.f32 v5, v4;
	v16 =	vld [tilespmem:s20+$0x30];
	(pc) =	sbr.rel @p0 .LBB2_3-.Ltmp0, $4  }
0x65: {  	v10 =	vld [tilespmem:s20+$0x10];
	v5 =	vmul.f32 v6, v3  }
0x66: {  	v1 =	vmul.f32 v7, v3;
	v7 =	vld [tilespmem:s21+$0x30]  }
0x67: {  	v8 =	vld [tilespmem:s21+$0x40]  }
0x68: {  	v17 =	vld [tilespmem:s23+$0x30]  }
0x69: {  	v18 =	vld [tilespmem:s24+$0x40]  }
0x6a: {  	v19 =	vbroadcast v0, $0x4;
	v21 =	vld [tilespmem:s23+$0x40]  }
0x6b: {  	v20 =	vbroadcast v0, $0x1;
	v22 =	vbroadcast v0, $0x6;
	v24 =	vld [tilespmem:s24+$0x20]  }
0x6c: {  	v23 =	vbroadcast v0, $0x5;
	v25 =	vbroadcast v0, $0x7;
	v26 =	vld [tilespmem:s23+$0x20]  }
0x6d: {  	v58 =	vbroadcast v0, $0x0;
	v27 =	vld [tilespmem:s24+$0x30];
	v16 =	vmul.f32 v16, v3  }
0x6e: {  	v28 =	vld [tilespmem:s24+$0x10];
	v10 =	vmul.f32 v10, v3;
	v7 =	vmul.f32 v7, v22  }
0x6f: {  	v29 =	vld [tilespmem:s24+$0x0];
	v12 =	vmul.f32 v12, v22;
	v9 =	vmul.f32 v9, v22  }
0x70: {  	v30 =	vld [tilespmem:s23+$0x10];
	v13 =	vmul.f32 v13, v25;
	v15 =	vmul.f32 v15, v23  }
0x71: {  	v6 =	vld [tilespmem:s18+$0x20];
	v14 =	vmul.f32 v14, v23;
	v17 =	vmul.f32 v17, v20  }
0x72: {  	v31 =	vld [tilespmem:s23+$0x0];
	v18 =	vmul.f32 v18, v58;
	v21 =	vmul.f32 v21, v20  }
0x73: {  	v32 =	vld [tilespmem:s18+$0x0];
	v24 =	vmul.f32 v24, v58;
	v26 =	vmul.f32 v26, v20  }
0x74: {  	v63 =	vld [tilespmem:s20+$0x0];
	v28 =	vmul.f32 v28, v58;
	v27 =	vmul.f32 v27, v58  }
0x75: {  	v59 =	vld [tilespmem:s18+$0x10];
	v0 =	vmul.f32 v29, v58;
	v62 =	vmul.f32 v30, v20  }
0x76: {  	v60 =	vld [tilespmem:s19+$0x20];
	v6 =	vmul.f32 v6, v4;
	v18 =	vadd.f32 $0.0e+00, v18;
	v24 =	vadd.f32 $0.0e+00, v24  }
0x77: {  	v33 =	vld [tilespmem:s19+$0x10];
	v20 =	vmul.f32 v31, v20;
	v61 =	vadd.f32 $0.0e+00, v28;
	v0 =	vadd.f32 $0.0e+00, v0  }
0x78: {  	v34 =	vld [tilespmem:s19+$0x0];
	v35 =	vmul.f32 v32, v4;
	v27 =	vadd.f32 $0.0e+00, v27;
	v18 =	vadd.f32 v21, v18  }
0x79: {  	v36 =	vld [tilespmem:s17+$0x10];
	v38 =	vmul.f32 v63, v3;
	v24 =	vadd.f32 v26, v24;
	v26 =	vadd.f32 v62, v61  }
0x7a: {  	v37 =	vld [tilespmem:s19+$0x40];
	v21 =	vmul.f32 v59, v4;
	v0 =	vadd.f32 v20, v0;
	v17 =	vadd.f32 v17, v27  }
0x7b: {  	v39 =	vld [tilespmem:s19+$0x30];
	v40 =	vmul.f32 v60, v19;
	v11 =	vadd.f32 v11, v18;
	v6 =	vadd.f32 v6, v24  }
0x7c: {  	v41 =	vmul.f32 v33, v19;
	v21 =	vadd.f32 v21, v26;
	v0 =	vadd.f32 v35, v0  }
0x7d: {  	v42 =	vld [tilespmem:s17+$0x40];
	v43 =	vmul.f32 v34, v19;
	v2 =	vadd.f32 v2, v17;
	v5 =	vadd.f32 v5, v6  }
0x7e: {  	v44 =	vld [tilespmem:s17+$0x30];
	v47 =	vmul.f32 v36, v23;
	v10 =	vadd.f32 v10, v21;
	v0 =	vadd.f32 v38, v0  }
0x7f: {  	v45 =	vld [tilespmem:s21+$0x20];
	v49 =	vmul.f32 v37, v19;
	v2 =	vadd.f32 v16, v2;
	v1 =	vadd.f32 v1, v11  }
0x80: {  	v48 =	vld [tilespmem:s15+$0x0];
	v50 =	vmul.f32 v39, v19;
	v5 =	vadd.f32 v40, v5;
	v46 =	vadd.f32 v41, v10  }
0x81: {  	v52 =	vld [tilespmem:s15+$0x40];
	v8 =	vmul.f32 v8, v22;
	v0 =	vadd.f32 v43, v0;
	v1 =	vadd.f32 v49, v1  }
0x82: {  	v54 =	vld [tilespmem:s15+$0x20];
	v53 =	vmul.f32 v42, v23;
	v2 =	vadd.f32 v50, v2;
	v51 =	vadd.f32 v47, v46  }
0x83: {  	v55 =	vld [tilespmem:s15+$0x30];
	v56 =	vmul.f32 v44, v23;
	v5 =	vadd.f32 v14, v5;
	v0 =	vadd.f32 v15, v0  }
0x84: {  	v57 =	vmul.f32 v45, v22;
	v1 =	vadd.f32 v53, v1;
	v4 =	vadd.f32 v9, v51  }
0x85: {  	v58 =	vmul.f32 v48, v25;
	v2 =	vadd.f32 v56, v2;
	v0 =	vadd.f32 v12, v0  }
0x86: {  	v60 =	vmul.f32 v52, v25;
	v1 =	vadd.f32 v8, v1;
	v59 =	vadd.f32 v13, v4  }
0x87: {  	v61 =	vmul.f32 v54, v25;
	v5 =	vadd.f32 v57, v5;
	v0 =	vadd.f32 v58, v0  }
0x88: {  	v62 =	vmul.f32 v55, v25;
	v2 =	vadd.f32 v7, v2;
	v1 =	vadd.f32 v60, v1;
	[tilespmem:s14+$0x18010] =	vst v59  }
0x89: {  	v63 =	vadd.f32 v61, v5;
	[tilespmem:s14+$0x18000] =	vst v0  }
0x8a: {  	s12 =	sadd.s32 $0x1, s12;
	v2 =	vadd.f32 v62, v2;
	[tilespmem:s14+$0x18040] =	vst v1  }
0x8b: {  	p0 =	sne.s32 s12, $0x4;
	[tilespmem:s14+$0x18020] =	vst v63  }
.Ltmp1:
0x8c: {  	s13 =	sadd.s32 s5, s13;
	[tilespmem:s14+$0x18030] =	vst v2;
	(pc) =	sbr.rel @p0 .LBB2_2-.Ltmp1, $4  }
0x8d: {  	[hbm4b:s13+s1] =	stream.linear.scatter [tilespmem:s10], [sflag:$0x1], $0x4000, $0x38;
	[tilespmem:$0x1C000] =	vst v63  }
0x8e: {  	_ =	swait.ge [sflag:s8], $0x4000  }
0x8f: {  	[sflag:s8] =	ssyncset.done $0x0  }
0x90: {  	[sflag:s8] =	ssyncadd.s32 $0xFFFFC000  }
0x91: {  	s11 =	sadd.s32 $0x1, s11  }
0x92: {  	p0 =	sne.s32 s11, s7  }
.Ltmp2:
0x93: {  	_ = 	snop;
	(pc) =	sbr.rel @p0 .LBB2_1-.Ltmp2, $1  }
0x94: {  	_ =	sdelay $0x3  }
0x95: {  	_ =	sfence.sel $0x180000  }
0x96: {  	[bflag:$0x0] =	sbarrier.arrive $0xFFFF  }
0x97: {  	p0 =	sne.s32 s2, $0x0;
	_ =	strace $0x90000047  }
0x98: {  	s0 =	sadd.s32 @!p0 $0x100000, s0;
	[bflag:$0x2] =	sbarrier.arrive $0xFFFF  }
0x99: {  	[sflag:s0] =	ssyncadd.tile.s32 @!p0 $0x1;
	_ =	shalt  }
.Lfunc_end2:
_tile_overlayer_lowered:
.L_overlay_start_2:
0x9a: {  	(tag) =	ssettag $0x2  }
0x9b: {  	s0 =	rddreg [dreg:$0x0];
	s2 =	stileid.u32  }
0x9c: {  	s1 =	rddreg [dreg:$0x1];
	p0 =	sne.s32 s2, $0x0  }
0x9d: {  	s3 =	rddreg [dreg:$0x2];
	[bflag:$0x3] =	sbarrier.arrive $0xFFFF;
	s2 =	simm.s32 @!p0 $0x1C01  }
0x9e: {  	[timem:s3], [sflag:s2] =	dma.local @!p0 [hbm:s0], s1  }
0x9f: {  	s0 =	simm.s32 @!p0 $0x1  }
0xa0: {  	_ =	swait.ge @!p0 [sflag:s0], s1  }
0xa1: {  	s1 =	ssub.s32 @!p0 $0x0, s1;
	[sflag:s0] =	ssyncset.done @!p0 $0x0  }
0xa2: {  	[sflag:s0] =	ssyncadd.s32 @!p0 s1  }
0xa3: {  	[bflag:$0x3] =	sbarrier.arrive $0xFFFF  }
0xa4: {  	_ =	shalt  }

// kernel: kernel.20.cloned.1.call-start
scs
__scs_entry_jumppad:
0x0: {  	(pc) =	sbr.rel $0x88, $3  }
0x1: {  	(tag) =	ssettag $0x0;
	lr =	simm.s32 $0x1  }
0x2: {  	[smem:$0x3F97] =	sst lr;
	_ =	strace $0xD0000000  }
0x3: {  	_ = 	snop  }
0x4: {  	_ = 	snop  }
0x5: {  	_ = 	snop  }
0x6: {  	_ = 	snop  }
0x7: {  	_ = 	snop  }
__scs_overlays_trampoline_lowered:
0x8: {  	[smem:$0x3FA6] =	sst s0  }
0x9: {  	[smem:$0x3FA7] =	sst s1  }
0xa: {  	[smem:$0x3FA8] =	sst s2  }
0xb: {  	[smem:$0x3FA9] =	sst s3  }
0xc: {  	[smem:$0x3FAA] =	sst s4  }
0xd: {  	[smem:$0x3FAB] =	sst s5  }
0xe: {  	[smem:$0x3FAC] =	sst s6  }
0xf: {  	[smem:$0x3FAD] =	sst s7  }
0x10: {  	[smem:$0x3FAE] =	sst s8  }
0x11: {  	[smem:$0x3FAF] =	sst s9;
	s0 =	simm.s32 @!p0 $0x0  }
0x12: {  	s1 =	sld [smem:$0x3F95];
	s0 =	simm.s32 @p0 $0x1  }
0x13: {  	[smem:$0x3FB0] =	sst s0;
	s0 =	simm.s32 @!p1 $0x0  }
0x14: {  	s2 =	sld [smem:$0x3F94];
	s0 =	simm.s32 @p1 $0x1  }
0x15: {  	[smem:$0x3FB1] =	sst s0;
	s0 =	simm.s32 @!p2 $0x0  }
0x16: {  	s3 =	sld [smem:$0x3FDB];
	s0 =	simm.s32 @p2 $0x1  }
0x17: {  	s4 =	simm.s32 $0x1BF5;
	[smem:$0x3FB3] =	sst s0  }
0x18: {  	s0 =	sld [smem:$0x3F96];
	_ =	swait.ge [sflag:s4], $0x0  }
0x19: {  	s7 =	sld [smem:$0x3F97]  }
0x1a: {  	s8 =	sadd.s32 $0xFFFFE003, lr  }
0x1b: {  	s9 =	sadd.s32 $0xFFFFFEF7, lr;
	s5 =	simm.s32 $0xFFFFFFFF;
	p2 =	slt.u32 s8, $0xFFFFF086  }
0x1c: {  	p1 =	slt.u32 s9, $0xF7A;
	s5 =	simm.s32 @!p2 $0x0  }
0x1d: {  	s5 =	simm.s32 @p1 $0x1;
	p0 =	seq.s32 s7, s2  }
0x1e: {  	s7 =	smul.u32 @!p0 $0xF7A, s2;
	p2 =	seq.s32 @!p0 s5, $0x0  }
0x1f: {  	s9 =	smul.u32 $0xF7A, s1;
	s8 =	simm.s32 @!p0 $0x1BF5;
	p2 =	por !p2, p0  }
0x20: {  	[sflag:s8] =	ssyncset.s32 @!p0 $0xFFFFF086;
	s6 =	sadd.s32 @!p0 s3, s7;
	s7 =	simm.s32 @!p0 $0x108  }
0x21: {  	s3 =	sadd.s32 s3, s9;
	s6 =	sadd.s32 @!p0 $0x88, s6;
	s7 =	simm.s32 @p2 $0x1082  }
0x22: {  	[simem:s7], [sflag:s8] =	dma.local @!p0 [hbm:s6], $0xF7A  }
0x23: {  	s9 =	sor.u32 $0xD0000000, s2;
	s6 =	simm.s32 $0x108;
	_ =	swait.ge @!p0 [sflag:s8], $0x0  }
0x24: {  	s3 =	sadd.s32 $0x88, s3;
	s6 =	simm.s32 @!p1 $0x1082;
	[sflag:s4] =	ssyncset.s32 $0xFFFFF086  }
0x25: {  	[simem:s6], [sflag:s4] =	dma.local [hbm:s3], $0xF7A  }
0x26: {  	[smem:$0x3F97] =	sst s1;
	(tag) =	ssettag s2;
	_ =	strace s9  }
0x27: {  	s1 =	sld [smem:$0x3FA7]  }
0x28: {  	s2 =	sld [smem:$0x3FA8]  }
0x29: {  	s4 =	sld [smem:$0x3FAA]  }
0x2a: {  	p0 =	seq.s32 s5, $0x0;
	s5 =	sld [smem:$0x3FAB]  }
0x2b: {  	s6 =	sld [smem:$0x3FAC]  }
0x2c: {  	s7 =	sld [smem:$0x3FAD]  }
0x2d: {  	s3 =	simm.s32 $0x108;
	s8 =	sld [smem:$0x3FAE]  }
0x2e: {  	s3 =	simm.s32 @!p0 $0x1082;
	s9 =	sld [smem:$0x3FAF]  }
0x2f: {  	lr =	sadd.s32 s0, s3;
	s0 =	sld [smem:$0x3FA6]  }
0x30: {  	s3 =	sld [smem:$0x3FA9]  }
0x31: {  	[smem:$0x3FB2] =	sst s10  }
0x32: {  	s10 =	sld [smem:$0x3FB0];
	_ =	sdelay $0x3  }
0x33: {  	p0 =	seq.s32 s10, $0x1;
	s10 =	sld [smem:$0x3FB2];
	_ =	sdelay $0x3  }
0x34: {  	[smem:$0x3FB2] =	sst s10  }
0x35: {  	s10 =	sld [smem:$0x3FB1];
	_ =	sdelay $0x3  }
0x36: {  	p1 =	seq.s32 s10, $0x1;
	s10 =	sld [smem:$0x3FB2];
	_ =	sdelay $0x3  }
0x37: {  	[smem:$0x3FB2] =	sst s10  }
0x38: {  	s10 =	sld [smem:$0x3FB3]  }
0x39: {  	_ = 	snop;
	(pc) =	sbr.ind lr, $3  }
0x3a: {  	_ = 	snop  }
0x3b: {  	_ = 	snop  }
0x3c: {  	p2 =	seq.s32 s10, $0x1;
	s10 =	sld [smem:$0x3FB2]  }
0x3d: {  	_ =	shalt  }
0x3e: {  	_ =	shalt  }
0x3f: {  	_ =	shalt  }
0x40: {  	_ =	shalt  }
0x41: {  	_ =	shalt  }
0x42: {  	_ =	shalt  }
0x43: {  	_ =	shalt  }
0x44: {  	_ =	shalt  }
0x45: {  	_ =	shalt  }
0x46: {  	_ =	shalt  }
0x47: {  	_ =	shalt  }
0x48: {  	_ =	shalt  }
0x49: {  	_ =	shalt  }
0x4a: {  	_ =	shalt  }
0x4b: {  	_ =	shalt  }
0x4c: {  	_ =	shalt  }
0x4d: {  	_ =	shalt  }
0x4e: {  	_ =	shalt  }
0x4f: {  	_ =	shalt  }
0x50: {  	_ =	shalt  }
0x51: {  	_ =	shalt  }
0x52: {  	_ =	shalt  }
0x53: {  	_ =	shalt  }
0x54: {  	_ =	shalt  }
0x55: {  	_ =	shalt  }
0x56: {  	_ =	shalt  }
0x57: {  	_ =	shalt  }
0x58: {  	_ =	shalt  }
0x59: {  	_ =	shalt  }
0x5a: {  	_ =	shalt  }
0x5b: {  	_ =	shalt  }
0x5c: {  	_ =	shalt  }
0x5d: {  	_ =	shalt  }
0x5e: {  	_ =	shalt  }
0x5f: {  	_ =	shalt  }
0x60: {  	_ =	shalt  }
0x61: {  	_ =	shalt  }
0x62: {  	_ =	shalt  }
0x63: {  	_ =	shalt  }
0x64: {  	_ =	shalt  }
0x65: {  	_ =	shalt  }
0x66: {  	_ =	shalt  }
0x67: {  	_ =	shalt  }
0x68: {  	_ =	shalt  }
0x69: {  	_ =	shalt  }
0x6a: {  	_ =	shalt  }
0x6b: {  	_ =	shalt  }
0x6c: {  	_ =	shalt  }
0x6d: {  	_ =	shalt  }
0x6e: {  	_ =	shalt  }
0x6f: {  	_ =	shalt  }
0x70: {  	_ =	shalt  }
0x71: {  	_ =	shalt  }
0x72: {  	_ =	shalt  }
0x73: {  	_ =	shalt  }
0x74: {  	_ =	shalt  }
0x75: {  	_ =	shalt  }
0x76: {  	_ =	shalt  }
0x77: {  	_ =	shalt  }
0x78: {  	_ =	shalt  }
0x79: {  	_ =	shalt  }
0x7a: {  	_ =	shalt  }
0x7b: {  	_ =	shalt  }
0x7c: {  	_ =	shalt  }
0x7d: {  	_ =	shalt  }
0x7e: {  	_ =	shalt  }
0x7f: {  	_ =	shalt  }
0x80: {  	_ =	shalt  }
0x81: {  	_ =	shalt  }
0x82: {  	_ =	shalt  }
0x83: {  	_ =	shalt  }
0x84: {  	_ =	shalt  }
0x85: {  	_ =	shalt  }
0x86: {  	_ =	shalt  }
0x87: {  	_ =	shalt  }
.Lfunc_end0:
.L_simem_size_0:
called_computation.2_lowered:
.L_overlay_start_0:
0x88: {  	s2 =	sld [smem:$0x3FD9]  }
0x89: {  	s3 =	sld [smem:$0x3FFE];
	_ =	sdelay $0x1  }
0x8a: {  	s1 =	srdreg.scid  }
0x8b: {  	s0 =	sand.u32 $0x1, s1  }
0x8c: {  	s17 =	sshll.u32 s0, $0xA;
	s2 =	sadd.s32 s3, s2  }
0x8d: {  	s2 =	sadd.s32 s2, s17  }
0x8e: {  	[smem:$0x3FBE] =	sst s2  }
0x8f: {  	_ = 	snop  }
0x90: {  	s18 =	sld [smem:$0x3FD0];
	(tm) =	ssettm $0x1  }
0x91: {  	s19 =	sld [smem:$0x3FFB];
	_ =	sdelay $0x3  }
0x92: {  	_ =	strace s19  }
0x93: {  	s2 =	sld [smem:$0x3FFC];
	_ =	sdelay $0x3  }
0x94: {  	_ =	strace s2  }
0x95: {  	s2 =	sld [smem:$0x3FFD];
	_ =	sdelay $0x3  }
0x96: {  	_ =	strace s2  }
0x97: {  	_ =	strace $0x8FFFFFFF  }
0x98: {  	s20 =	sld [smem:$0x3FDB];
	_ =	sdelay $0x1  }
0x99: {  	s4 =	simm.s32 $_scs_section_size  }
0x9a: {  	s5 =	simm.s32 $_size__tile_overlayer_lowered;
	s6 =	simm.s32 $_tile_overlayer_lowered  }
0x9b: {  	s7 =	simm.s32 $0x1BFF;
	s21 =	sshll.u32 s6, $0x1;
	s4 =	sadd.s32 s4, s20  }
0x9c: {  	s22 =	simm.s32 $0x0;
	s5 =	sshll.u32 s5, $0x1;
	s6 =	sadd.s32 s21, s4  }
0x9d: {  	[timem:s22], [sflag:s7] =	dma.local [hbm:s6], s5  }
0x9e: {  	_ =	swait.ge [sflag:s7], s5  }
0x9f: {  	s5 =	ssub.s32 $0x0, s5;
	[sflag:s7] =	ssyncset.done $0x0  }
0xa0: {  	[sflag:s7] =	ssyncadd.s32 s5;
	_ =	sdelay $0x1  }
0xa1: {  	s23 =	simm.s32 $0x1B8B  }
0xa2: {  	_ =	swait.ge [sflag:s23], $0x1  }
0xa3: {  	[sflag:s23] =	ssyncset.done $0x0  }
0xa4: {  	[sflag:s23] =	ssyncadd.s32 $0xFFFFFFFF  }
0xa5: {  	s5 =	sld [smem:$0x0]  }
0xa6: {  	s6 =	sand.u32 $0xFFFFFFFE, s1  }
0xa7: {  	p0 =	sne.s32 s1, s6  }
0xa8: {  	s6 =	sshll.u32 @p0 s6, $0xE  }
0xa9: {  	s6 =	sadd.s32 @p0 $0x11B8D, s6;
	s7 =	sshll.u32 @p0 s5, $0x11  }
0xaa: {  	s6 =	sor.u32 @p0 s7, s6  }
0xab: {  	[sflag:s6] =	ssyncadd.remote.s32 @p0 $0x1;
	_ =	sdelay $0x1  }
0xac: {  	s6 =	simm.s32 @p0 $0x1B8D  }
0xad: {  	_ =	swait.eq @p0 [sflag:s6], $0x1  }
0xae: {  	[sflag:s6] =	ssyncadd.s32 @p0 $0xFFFFFFFF  }
0xaf: {  	s7 =	sshll.u32 @!p0 s1, $0xE  }
0xb0: {  	s7 =	sor.u32 @!p0 $0x4000, s7;
	s6 =	simm.s32 @!p0 $0x1B8D  }
0xb1: {  	s5 =	sshll.u32 @!p0 s5, $0x11;
	s7 =	sadd.s32 @!p0 $0x11B8D, s7;
	_ =	swait.eq @!p0 [sflag:s6], $0x1  }
0xb2: {  	s5 =	sor.u32 @!p0 s5, s7;
	[sflag:s6] =	ssyncadd.s32 @!p0 $0xFFFFFFFF  }
0xb3: {  	s25 =	simm.s32 $0x1B8E;
	s24 =	sld [smem:$0x3FFE];
	[sflag:s5] =	ssyncadd.remote.s32 @!p0 $0x1  }
0xb4: {  	s26 =	simm.s32 $execute0_lowered;
	[smem:$0x3FD2] =	sst s25  }
0xb5: {  	s6 =	sshll.u32 s26, $0x1;
	_ =	strace $0x80000049;
	[dreg:$0x1] =	wrdreg $0xFFFFFFFF  }
0xb6: {  	s28 =	simm.s32 $_size_execute0_lowered;
	s4 =	sadd.s32 s4, s6;
	[dreg:$0x0] =	wrdreg $0x0  }
0xb7: {  	s6 =	sshll.u32 s28, $0x1;
	[dreg:$0x2] =	wrdreg s4  }
0xb8: {  	[dreg:$0x3] =	wrdreg s6  }
0xb9: {  	[dreg:$0x4] =	wrdreg $0xC0  }
0xba: {  	_ =	task [dreg:s22], $0x5FFFF  }
0xbb: {  	[dreg:$0x1] =	wrdreg $0xFFFFFFFF  }
0xbc: {  	[dreg:$0x0] =	wrdreg $0x60  }
0xbd: {  	[dreg:$0x2] =	wrdreg s18  }
0xbe: {  	[dreg:$0x3] =	wrdreg s24  }
0xbf: {  	[dreg:$0x4] =	wrdreg $0xB  }
0xc0: {  	_ =	task.clear_ibuf [dreg:s22], $0x5FFFF;
	_ =	strace $0x90000049  }
0xc1: {  	s29 =	simm.s32 $0xB;
	_ =	strace $0x8000004B  }
0xc2: {  	_ =	swait.ge [sflag:s29], $0x1  }
0xc3: {  	[sflag:s29] =	ssyncadd.s32 $0xFFFFFFFF  }
0xc4: {  	_ =	strace $0x9000004B  }
0xc5: {  	_ =	sfence  }
0xc6: {  	s30 =	sld [smem:$0x0];
	_ =	sdelay $0x2  }
0xc7: {  	s31 =	sshll.u32 s1, $0xD;
	s1 =	sshrl.u32 s1, $0x2  }
0xc8: {  	s4 =	sand.u32 $0x4000, s31;
	s1 =	sadd.s32 s1, s30  }
0xc9: {  	s0 =	sor.u32 s4, s0;
	s1 =	sshll.u32 s1, $0x11  }
0xca: {  	s0 =	sor.u32 s1, s0  }
0xcb: {  	s0 =	sadd.s32 $0x8F2B, s0  }
0xcc: {  	[sflag:s0] =	ssyncadd.remote.s32 $0x1  }
0xcd: {  	_ =	sfence.sel $0xFFFF  }
0xce: {  	[dreg:$0x0] =	wrdreg $0xFFFFFFFF;
	(pc) =	sbr.abs _section_cstart, $3  }
0xcf: {  	[dreg:$0x1] =	wrdreg $0xFFFFFFFF  }
0xd0: {  	_ =	task.clear_ibuf [dreg:s22], $0x2FFFF;
	_ =	strace $0x9FFFFFFF  }
0xd1: {  	(tm) =	ssettm $0x7FFFFFFF  }
tec
execute0_lowered:
.L_overlay_start_1:
0x0: {  	(tag) =	ssettag $0x1  }
0x1: {  	s1 =	rddreg [dreg:$0x0]  }
0x2: {  	s3 =	rddreg [dreg:$0x1]  }
0x3: {  	s0 =	rddreg [dreg:$0x2];
	s2 =	simm.s32 $0x0  }
0x4: {  	s4 =	srdreg.scid;
	s9 =	simm.s32 $0x14000;
	s10 =	simm.s32 $0x18000  }
0x5: {  	s11 =	simm.s32 $0x0;
	[smem:$0x7FF] =	sst s2;
	s6 =	sand.u32 $0x1, s4  }
0x6: {  	s4 =	sadd.s32 $0xC4800, s3;
	s5 =	sadd.s32 $0x147000, s3;
	s7 =	ssub.s32 $0x2, s6  }
0x7: {  	s3 =	stileid.u32;
	_ =	strace $0x8000004A;
	s8 =	sshrl.u32 s7, $0x1  }
0x8: {  	s31 =	sshll.u32 s3, $0xE;
	s6 =	sshll.u32 s6, $0xD;
	s7 =	ssub.s32 s7, s8  }
0x9: {  	s6 =	sor.u32 s6, s31;
	s8 =	simm.s32 $0x1;
	s7 =	smax.u32 s7, $0x1  }
.LBB2_1:
0xa: {  	[tilespmem:s2], [sflag:$0x1] =	stream.linear.gather [hbm4b:s1+s2], $0x14000, $0x38;
	[tilespmem:$0x1C000] =	vst v63  }
0xb: {  	_ =	swait.ge [sflag:s8], $0x14000  }
0xc: {  	[sflag:s8] =	ssyncset.done $0x0  }
0xd: {  	s12 =	simm.s32 $0x0;
	[sflag:s8] =	ssyncadd.s32 $0xFFFEC000  }
.LBB2_2:
0xe: {  	s13 =	sshll.u32 s12, $0xB  }
0xf: {  	s13 =	sadd.s32 s6, s13  }
0x10: {  	s15 =	simm.s32 $0x0;
	s14 =	sadd.s32 s4, s13  }
0x11: {  	[tilespmem:s9], [sflag:$0x1] =	stream.linear.gather [hbm4b:s14+s15], $0x4000, $0x38;
	[tilespmem:$0x1C000] =	vst v63  }
0x12: {  	_ =	swait.ge [sflag:s8], $0x4000  }
0x13: {  	[sflag:s8] =	ssyncset.done $0x0  }
0x14: {  	s14 =	simm.s32 $0x0;
	[sflag:s8] =	ssyncadd.s32 $0xFFFFC000  }
0x15: {  	v0 =	vld [tilespmem:s14+$0x14000];
	_ =	sdelay $0x4  }
0x16: {  	(v2sf) =	vpush v0, $0xD  }
0x17: {  	(v2sf) =	vpush v0, $0xA  }
0x18: {  	(v2sf) =	vpush v0, $0x9  }
0x19: {  	(v2sf) =	vpush v0, $0xB  }
0x1a: {  	(v2sf) =	vpush v0, $0xC  }
0x1b: {  	(v2sf) =	vpush v0, $0xF;
	_ =	sdelay $0x1  }
0x1c: {  	(v2sf) =	vpush v0, $0x8  }
0x1d: {  	(v2sf) =	vpush v0, $0xE;
	_ =	sdelay $0x6  }
0x1e: {  	s16 =	spop (v2sf)  }
0x1f: {  	s26 =	spop (v2sf)  }
0x20: {  	s19 =	spop (v2sf)  }
0x21: {  	s17 =	spop (v2sf)  }
0x22: {  	s22 =	spop (v2sf)  }
0x23: {  	s18 =	spop (v2sf)  }
0x24: {  	s18 =	scvt.f32.s32 s18  }
0x25: {  	s15 =	scvt.f32.s32 s26;
	s23 =	spop (v2sf)  }
0x26: {  	s20 =	spop (v2sf);
	s18 =	smul.u32 $0x140, s18  }
0x27: {  	s28 =	smul.u32 $0x140, s15;
	s20 =	scvt.f32.s32 s20  }
0x28: {  	s15 =	sshra.s32 s18, $0x2  }
0x29: {  	s17 =	scvt.f32.s32 s17;
	s20 =	smul.u32 $0x140, s20;
	s18 =	sshra.s32 s28, $0x2;
	v13 =	vld [tilespmem:s15+$0x10]  }
0x2a: {  	v1 =	vld [tilespmem:s18+$0x30]  }
0x2b: {  	s16 =	scvt.f32.s32 s16;
	s17 =	smul.u32 $0x140, s17;
	v5 =	vld [tilespmem:s18+$0x40];
	s21 =	sshra.s32 s20, $0x2  }
0x2c: {  	v9 =	vld [tilespmem:s21+$0x10]  }
0x2d: {  	s16 =	smul.u32 $0x140, s16;
	s20 =	sshra.s32 s17, $0x2;
	v12 =	vld [tilespmem:s21+$0x0]  }
0x2e: {  	v6 =	vld [tilespmem:s20+$0x20]  }
0x2f: {  	s17 =	sshra.s32 s16, $0x2;
	v17 =	vld [tilespmem:s20+$0x40]  }
0x30: {  	s30 =	scvt.f32.s32 s22;
	v15 =	vld [tilespmem:s17+$0x0]  }
0x31: {  	s29 =	scvt.f32.s32 s19;
	v14 =	vld [tilespmem:s17+$0x20]  }
0x32: {  	s31 =	scvt.f32.s32 s23;
	s19 =	smul.u32 $0x140, s30;
	v16 =	vld [tilespmem:s20+$0x30]  }
0x33: {  	v4 =	vbroadcast v0, $0x2;
	s16 =	smul.u32 $0x140, s29;
	v10 =	vld [tilespmem:s20+$0x10]  }
0x34: {  	v3 =	vbroadcast v0, $0x3;
	s22 =	smul.u32 $0x140, s31;
	v7 =	vld [tilespmem:s21+$0x30]  }
0x35: {  	v8 =	vld [tilespmem:s21+$0x40];
	s23 =	sshra.s32 s16, $0x2;
	v2 =	vmul.f32 v1, v4;
	v11 =	vmul.f32 v5, v4  }
0x36: {  	s19 =	sshra.s32 s19, $0x2;
	s24 =	sshra.s32 s22, $0x2;
	s16 =	simm.s32 $0x200;
	v5 =	vmul.f32 v6, v3;
	v1 =	vmul.f32 v17, v3;
	v17 =	vld [tilespmem:s23+$0x30]  }
.LBB2_3:
0x37: {  	p0 =	sne.s32 s16, $0xFE00;
	v18 =	vld [tilespmem:s18+$0x20];
	v19 =	vbroadcast v0, $0x4;
	s22 =	smov.u32 s16;
	s16 =	sadd.s32 $0x200, s16  }
0x38: {  	v21 =	vbroadcast v0, $0x1;
	v22 =	vbroadcast v0, $0x6;
	s22 =	sshra.s32 s22, $0x2;
	v20 =	vld [tilespmem:s24+$0x40]  }
0x39: {  	v24 =	vbroadcast v0, $0x5;
	v6 =	vbroadcast v0, $0x7;
	v23 =	vld [tilespmem:s23+$0x40]  }
0x3a: {  	v7 =	vmul.f32 v7, v22;
	v25 =	vld [tilespmem:s22+$0x14000];
	v8 =	vmul.f32 v8, v22  }
0x3b: {  	v26 =	vbroadcast v0, $0x0;
	v12 =	vmul.f32 v12, v22;
	v27 =	vld [tilespmem:s24+$0x20]  }
0x3c: {  	v9 =	vmul.f32 v9, v22;
	v13 =	vmul.f32 v13, v6;
	v28 =	vld [tilespmem:s23+$0x20]  }
0x3d: {  	v15 =	vmul.f32 v15, v24;
	v29 =	vld [tilespmem:s24+$0x30];
	v32 =	vmul.f32 v20, v26  }
0x3e: {  	v16 =	vmul.f32 v16, v3;
	v14 =	vmul.f32 v14, v24;
	v20 =	vld [tilespmem:s24+$0x10]  }
0x3f: {  	v10 =	vmul.f32 v10, v3;
	v23 =	vmul.f32 v23, v21;
	v30 =	vadd.f32 $0.0e+00, v32;
	v31 =	vld [tilespmem:s21+$0x20];
	v0 =	vmovc v25  }
0x40: {  	v17 =	vmul.f32 v17, v21;
	(v2sf) =	vpush v0, $0xD;
	v25 =	vld [tilespmem:s24+$0x0];
	v27 =	vmul.f32 v27, v26  }
0x41: {  	(v2sf) =	vpush v0, $0xA;
	v32 =	vld [tilespmem:s23+$0x10];
	v28 =	vmul.f32 v28, v21;
	v23 =	vadd.f32 v23, v30  }
0x42: {  	(v2sf) =	vpush v0, $0x9;
	v27 =	vadd.f32 $0.0e+00, v27;
	v29 =	vmul.f32 v29, v26;
	v30 =	vld [tilespmem:s23+$0x0]  }
0x43: {  	(v2sf) =	vpush v0, $0xB;
	v20 =	vmul.f32 v20, v26;
	v33 =	vld [tilespmem:s18+$0x10];
	v11 =	vadd.f32 v11, v23  }
0x44: {  	v18 =	vmul.f32 v18, v4;
	(v2sf) =	vpush v0, $0xC;
	v23 =	vadd.f32 v28, v27;
	v27 =	vld [tilespmem:s18+$0x0]  }
0x45: {  	(v2sf) =	vpush v0, $0xF;
	v25 =	vmul.f32 v25, v26;
	v26 =	vadd.f32 $0.0e+00, v29;
	v28 =	vld [tilespmem:s19+$0x20]  }
0x46: {  	v20 =	vadd.f32 $0.0e+00, v20;
	(v2sf) =	vpush v0, $0x8;
	v29 =	vmul.f32 v32, v21;
	v32 =	vld [tilespmem:s20+$0x0]  }
0x47: {  	(v2sf) =	vpush v0, $0xE;
	v25 =	vadd.f32 $0.0e+00, v25;
	v21 =	vmul.f32 v30, v21;
	v30 =	vld [tilespmem:s19+$0x10]  }
0x48: {  	v18 =	vadd.f32 v18, v23;
	v20 =	vadd.f32 v29, v20;
	v29 =	vmul.f32 v33, v4;
	v23 =	vld [tilespmem:s19+$0x0]  }
0x49: {  	v17 =	vadd.f32 v17, v26;
	v21 =	vadd.f32 v21, v25;
	v4 =	vmul.f32 v27, v4;
	v25 =	vld [tilespmem:s17+$0x10]  }
0x4a: {  	v5 =	vadd.f32 v5, v18;
	v20 =	vadd.f32 v29, v20;
	v18 =	vmul.f32 v28, v19;
	v26 =	vld [tilespmem:s19+$0x40]  }
0x4b: {  	v2 =	vadd.f32 v2, v17;
	v4 =	vadd.f32 v4, v21;
	v3 =	vmul.f32 v32, v3;
	v17 =	vld [tilespmem:s19+$0x30]  }
0x4c: {  	v22 =	vmul.f32 v31, v22;
	v10 =	vadd.f32 v10, v20;
	v20 =	vmul.f32 v30, v19;
	v21 =	vld [tilespmem:s17+$0x40]  }
0x4d: {  	v5 =	vadd.f32 v18, v5;
	v3 =	vadd.f32 v3, v4;
	v4 =	vmul.f32 v23, v19;
	v18 =	vld [tilespmem:s17+$0x30]  }
0x4e: {  	v2 =	vadd.f32 v16, v2;
	v10 =	vadd.f32 v20, v10;
	v16 =	vmul.f32 v25, v24;
	v20 =	vld [tilespmem:s15+$0x0]  }
0x4f: {  	v1 =	vadd.f32 v1, v11;
	s17 =	spop (v2sf);
	v3 =	vadd.f32 v4, v3;
	v4 =	vmul.f32 v26, v19;
	v11 =	vld [tilespmem:s15+$0x30]  }
0x50: {  	v5 =	vadd.f32 v14, v5;
	s17 =	scvt.f32.s32 s17;
	s18 =	spop (v2sf);
	v17 =	vmul.f32 v17, v19;
	v10 =	vadd.f32 v16, v10;
	v14 =	vld [tilespmem:s15+$0x40]  }
0x51: {  	s18 =	scvt.f32.s32 s18;
	s19 =	spop (v2sf);
	v1 =	vadd.f32 v4, v1;
	v3 =	vadd.f32 v15, v3;
	v4 =	vmul.f32 v21, v24;
	v15 =	vld [tilespmem:s15+$0x20]  }
0x52: {  	s15 =	scvt.f32.s32 s19;
	s19 =	spop (v2sf);
	v2 =	vadd.f32 v17, v2;
	v16 =	vmul.f32 v18, v24;
	v9 =	vadd.f32 v9, v10  }
0x53: {  	s18 =	smul.u32 $0x140, s18;
	s20 =	spop (v2sf);
	v1 =	vadd.f32 v4, v1;
	v3 =	vadd.f32 v12, v3;
	v4 =	vmul.f32 v20, v6  }
0x54: {  	s19 =	scvt.f32.s32 s19;
	s21 =	spop (v2sf);
	v2 =	vadd.f32 v16, v2;
	v9 =	vadd.f32 v13, v9;
	v10 =	vmul.f32 v11, v6  }
0x55: {  	s15 =	smul.u32 $0x140, s15;
	s18 =	sshra.s32 s18, $0x2;
	s23 =	spop (v2sf);
	v1 =	vadd.f32 v8, v1;
	v3 =	vadd.f32 v4, v3;
	v4 =	vmul.f32 v14, v6  }
0x56: {  	v5 =	vadd.f32 v22, v5;
	s19 =	smul.u32 $0x140, s19;
	s24 =	spop (v2sf);
	v2 =	vadd.f32 v7, v2;
	v6 =	vmul.f32 v15, v6;
	[tilespmem:s14+$0x18010] =	vst v9  }
0x57: {  	s25 =	scvt.f32.s32 s23;
	s23 =	sshra.s32 s15, $0x2;
	s15 =	scvt.f32.s32 s24;
	v1 =	vadd.f32 v4, v1;
	[tilespmem:s14+$0x18000] =	vst v3  }
0x58: {  	s26 =	scvt.f32.s32 s21;
	s24 =	scvt.f32.s32 s20;
	v3 =	vadd.f32 v6, v5;
	v2 =	vadd.f32 v10, v2  }
0x59: {  	s20 =	sshra.s32 s19, $0x2;
	s15 =	smul.u32 $0x140, s15;
	[tilespmem:s14+$0x18040] =	vst v1  }
0x5a: {  	s19 =	smul.u32 $0x140, s24;
	[tilespmem:s14+$0x18020] =	vst v3  }
0x5b: {  	s21 =	sshra.s32 s15, $0x2;
	s15 =	smul.u32 $0x140, s26;
	[tilespmem:s14+$0x18030] =	vst v2;
	s14 =	smov.u32 s22  }
0x5c: {  	s22 =	smul.u32 $0x140, s25;
	s19 =	sshra.s32 s19, $0x2;
	v9 =	vld [tilespmem:s21+$0x10]  }
0x5d: {  	v12 =	vld [tilespmem:s21+$0x0];
	s15 =	sshra.s32 s15, $0x2  }
0x5e: {  	s24 =	sshra.s32 s22, $0x2;
	v13 =	vld [tilespmem:s15+$0x10]  }
0x5f: {  	v1 =	vld [tilespmem:s18+$0x30]  }
0x60: {  	s17 =	smul.u32 $0x140, s17;
	v5 =	vld [tilespmem:s18+$0x40]  }
0x61: {  	v6 =	vld [tilespmem:s20+$0x20]  }
0x62: {  	s17 =	sshra.s32 s17, $0x2;
	v4 =	vbroadcast v0, $0x2;
	v7 =	vld [tilespmem:s20+$0x40]  }
0x63: {  	v15 =	vld [tilespmem:s17+$0x0]  }
0x64: {  	v3 =	vbroadcast v0, $0x3;
	v2 =	vmul.f32 v1, v4;
	v14 =	vld [tilespmem:s17+$0x20]  }
.Ltmp0:
0x65: {  	v11 =	vmul.f32 v5, v4;
	v16 =	vld [tilespmem:s20+$0x30];
	(pc) =	sbr.rel @p0 .LBB2_3-.Ltmp0, $4  }
0x66: {  	v10 =	vld [tilespmem:s20+$0x10];
	v5 =	vmul.f32 v6, v3  }
0x67: {  	v1 =	vmul.f32 v7, v3;
	v7 =	vld [tilespmem:s21+$0x30]  }
0x68: {  	v8 =	vld [tilespmem:s21+$0x40]  }
0x69: {  	v17 =	vld [tilespmem:s23+$0x30]  }
0x6a: {  	v18 =	vld [tilespmem:s24+$0x40]  }
0x6b: {  	v19 =	vbroadcast v0, $0x4;
	v21 =	vld [tilespmem:s23+$0x40]  }
0x6c: {  	v20 =	vbroadcast v0, $0x1;
	v22 =	vbroadcast v0, $0x6;
	v24 =	vld [tilespmem:s24+$0x20]  }
0x6d: {  	v23 =	vbroadcast v0, $0x5;
	v25 =	vbroadcast v0, $0x7;
	v26 =	vld [tilespmem:s23+$0x20]  }
0x6e: {  	v58 =	vbroadcast v0, $0x0;
	v27 =	vld [tilespmem:s24+$0x30];
	v16 =	vmul.f32 v16, v3  }
0x6f: {  	v28 =	vld [tilespmem:s24+$0x10];
	v10 =	vmul.f32 v10, v3;
	v7 =	vmul.f32 v7, v22  }
0x70: {  	v29 =	vld [tilespmem:s24+$0x0];
	v12 =	vmul.f32 v12, v22;
	v9 =	vmul.f32 v9, v22  }
0x71: {  	v30 =	vld [tilespmem:s23+$0x10];
	v13 =	vmul.f32 v13, v25;
	v15 =	vmul.f32 v15, v23  }
0x72: {  	v6 =	vld [tilespmem:s18+$0x20];
	v14 =	vmul.f32 v14, v23;
	v17 =	vmul.f32 v17, v20  }
0x73: {  	v31 =	vld [tilespmem:s23+$0x0];
	v18 =	vmul.f32 v18, v58;
	v21 =	vmul.f32 v21, v20  }
0x74: {  	v32 =	vld [tilespmem:s18+$0x0];
	v24 =	vmul.f32 v24, v58;
	v26 =	vmul.f32 v26, v20  }
0x75: {  	v63 =	vld [tilespmem:s20+$0x0];
	v28 =	vmul.f32 v28, v58;
	v27 =	vmul.f32 v27, v58  }
0x76: {  	v59 =	vld [tilespmem:s18+$0x10];
	v0 =	vmul.f32 v29, v58;
	v62 =	vmul.f32 v30, v20  }
0x77: {  	v60 =	vld [tilespmem:s19+$0x20];
	v6 =	vmul.f32 v6, v4;
	v18 =	vadd.f32 $0.0e+00, v18;
	v24 =	vadd.f32 $0.0e+00, v24  }
0x78: {  	v33 =	vld [tilespmem:s19+$0x10];
	v20 =	vmul.f32 v31, v20;
	v61 =	vadd.f32 $0.0e+00, v28;
	v0 =	vadd.f32 $0.0e+00, v0  }
0x79: {  	v34 =	vld [tilespmem:s19+$0x0];
	v35 =	vmul.f32 v32, v4;
	v27 =	vadd.f32 $0.0e+00, v27;
	v18 =	vadd.f32 v21, v18  }
0x7a: {  	v36 =	vld [tilespmem:s17+$0x10];
	v38 =	vmul.f32 v63, v3;
	v24 =	vadd.f32 v26, v24;
	v26 =	vadd.f32 v62, v61  }
0x7b: {  	v37 =	vld [tilespmem:s19+$0x40];
	v21 =	vmul.f32 v59, v4;
	v0 =	vadd.f32 v20, v0;
	v17 =	vadd.f32 v17, v27  }
0x7c: {  	v39 =	vld [tilespmem:s19+$0x30];
	v40 =	vmul.f32 v60, v19;
	v11 =	vadd.f32 v11, v18;
	v6 =	vadd.f32 v6, v24  }
0x7d: {  	v41 =	vmul.f32 v33, v19;
	v21 =	vadd.f32 v21, v26;
	v0 =	vadd.f32 v35, v0  }
0x7e: {  	v42 =	vld [tilespmem:s17+$0x40];
	v43 =	vmul.f32 v34, v19;
	v2 =	vadd.f32 v2, v17;
	v5 =	vadd.f32 v5, v6  }
0x7f: {  	v44 =	vld [tilespmem:s17+$0x30];
	v47 =	vmul.f32 v36, v23;
	v10 =	vadd.f32 v10, v21;
	v0 =	vadd.f32 v38, v0  }
0x80: {  	v45 =	vld [tilespmem:s21+$0x20];
	v49 =	vmul.f32 v37, v19;
	v2 =	vadd.f32 v16, v2;
	v1 =	vadd.f32 v1, v11  }
0x81: {  	v48 =	vld [tilespmem:s15+$0x0];
	v50 =	vmul.f32 v39, v19;
	v5 =	vadd.f32 v40, v5;
	v46 =	vadd.f32 v41, v10  }
0x82: {  	v52 =	vld [tilespmem:s15+$0x40];
	v8 =	vmul.f32 v8, v22;
	v0 =	vadd.f32 v43, v0;
	v1 =	vadd.f32 v49, v1  }
0x83: {  	v54 =	vld [tilespmem:s15+$0x20];
	v53 =	vmul.f32 v42, v23;
	v2 =	vadd.f32 v50, v2;
	v51 =	vadd.f32 v47, v46  }
0x84: {  	v55 =	vld [tilespmem:s15+$0x30];
	v56 =	vmul.f32 v44, v23;
	v5 =	vadd.f32 v14, v5;
	v0 =	vadd.f32 v15, v0  }
0x85: {  	v57 =	vmul.f32 v45, v22;
	v1 =	vadd.f32 v53, v1;
	v4 =	vadd.f32 v9, v51  }
0x86: {  	v58 =	vmul.f32 v48, v25;
	v2 =	vadd.f32 v56, v2;
	v0 =	vadd.f32 v12, v0  }
0x87: {  	v60 =	vmul.f32 v52, v25;
	v1 =	vadd.f32 v8, v1;
	v59 =	vadd.f32 v13, v4  }
0x88: {  	v61 =	vmul.f32 v54, v25;
	v5 =	vadd.f32 v57, v5;
	v0 =	vadd.f32 v58, v0  }
0x89: {  	v62 =	vmul.f32 v55, v25;
	v2 =	vadd.f32 v7, v2;
	v1 =	vadd.f32 v60, v1;
	[tilespmem:s14+$0x18010] =	vst v59  }
0x8a: {  	v63 =	vadd.f32 v61, v5;
	[tilespmem:s14+$0x18000] =	vst v0  }
0x8b: {  	s12 =	sadd.s32 $0x1, s12;
	v2 =	vadd.f32 v62, v2;
	[tilespmem:s14+$0x18040] =	vst v1  }
0x8c: {  	p0 =	sne.s32 s12, $0x4;
	[tilespmem:s14+$0x18020] =	vst v63  }
.Ltmp1:
0x8d: {  	s13 =	sadd.s32 s5, s13;
	[tilespmem:s14+$0x18030] =	vst v2;
	(pc) =	sbr.rel @p0 .LBB2_2-.Ltmp1, $4  }
0x8e: {  	[hbm4b:s13+s2] =	stream.linear.scatter [tilespmem:s10], [sflag:$0x1], $0x4000, $0x38;
	[tilespmem:$0x1C000] =	vst v63  }
0x8f: {  	_ =	swait.ge [sflag:s8], $0x4000  }
0x90: {  	[sflag:s8] =	ssyncset.done $0x0  }
0x91: {  	[sflag:s8] =	ssyncadd.s32 $0xFFFFC000  }
0x92: {  	s11 =	sadd.s32 $0x1, s11  }
0x93: {  	p0 =	sne.s32 s11, s7  }
.Ltmp2:
0x94: {  	_ = 	snop;
	(pc) =	sbr.rel @p0 .LBB2_1-.Ltmp2, $1  }
0x95: {  	_ =	sdelay $0x3  }
0x96: {  	_ =	sfence.sel $0x180000  }
0x97: {  	[bflag:$0x0] =	sbarrier.arrive $0xFFFF  }
0x98: {  	p0 =	sne.s32 s3, $0x0;
	_ =	strace $0x9000004A  }
0x99: {  	s0 =	sadd.s32 @!p0 $0x100000, s0;
	[bflag:$0x2] =	sbarrier.arrive $0xFFFF  }
0x9a: {  	[sflag:s0] =	ssyncadd.tile.s32 @!p0 $0x1;
	_ =	shalt  }
.Lfunc_end2:
_tile_overlayer_lowered:
.L_overlay_start_2:
0x9b: {  	(tag) =	ssettag $0x2  }
0x9c: {  	s0 =	rddreg [dreg:$0x0];
	s2 =	stileid.u32  }
0x9d: {  	s1 =	rddreg [dreg:$0x1];
	p0 =	sne.s32 s2, $0x0  }
0x9e: {  	s3 =	rddreg [dreg:$0x2];
	[bflag:$0x3] =	sbarrier.arrive $0xFFFF;
	s2 =	simm.s32 @!p0 $0x1C01  }
0x9f: {  	[timem:s3], [sflag:s2] =	dma.local @!p0 [hbm:s0], s1  }
0xa0: {  	s0 =	simm.s32 @!p0 $0x1  }
0xa1: {  	_ =	swait.ge @!p0 [sflag:s0], s1  }
0xa2: {  	s1 =	ssub.s32 @!p0 $0x0, s1;
	[sflag:s0] =	ssyncset.done @!p0 $0x0  }
0xa3: {  	[sflag:s0] =	ssyncadd.s32 @!p0 s1  }
0xa4: {  	[bflag:$0x3] =	sbarrier.arrive $0xFFFF  }
0xa5: {  	_ =	shalt  }

// kernel: kernel.23.cloned.1.call-start
scs
__scs_entry_jumppad:
0x0: {  	(pc) =	sbr.rel $0x88, $3  }
0x1: {  	(tag) =	ssettag $0x0;
	lr =	simm.s32 $0x1  }
0x2: {  	[smem:$0x3F97] =	sst lr;
	_ =	strace $0xD0000000  }
0x3: {  	_ = 	snop  }
0x4: {  	_ = 	snop  }
0x5: {  	_ = 	snop  }
0x6: {  	_ = 	snop  }
0x7: {  	_ = 	snop  }
__scs_overlays_trampoline_lowered:
0x8: {  	[smem:$0x3FA6] =	sst s0  }
0x9: {  	[smem:$0x3FA7] =	sst s1  }
0xa: {  	[smem:$0x3FA8] =	sst s2  }
0xb: {  	[smem:$0x3FA9] =	sst s3  }
0xc: {  	[smem:$0x3FAA] =	sst s4  }
0xd: {  	[smem:$0x3FAB] =	sst s5  }
0xe: {  	[smem:$0x3FAC] =	sst s6  }
0xf: {  	[smem:$0x3FAD] =	sst s7  }
0x10: {  	[smem:$0x3FAE] =	sst s8  }
0x11: {  	[smem:$0x3FAF] =	sst s9;
	s0 =	simm.s32 @!p0 $0x0  }
0x12: {  	s1 =	sld [smem:$0x3F95];
	s0 =	simm.s32 @p0 $0x1  }
0x13: {  	[smem:$0x3FB0] =	sst s0;
	s0 =	simm.s32 @!p1 $0x0  }
0x14: {  	s2 =	sld [smem:$0x3F94];
	s0 =	simm.s32 @p1 $0x1  }
0x15: {  	[smem:$0x3FB1] =	sst s0;
	s0 =	simm.s32 @!p2 $0x0  }
0x16: {  	s3 =	sld [smem:$0x3FDB];
	s0 =	simm.s32 @p2 $0x1  }
0x17: {  	s4 =	simm.s32 $0x1BF5;
	[smem:$0x3FB3] =	sst s0  }
0x18: {  	s0 =	sld [smem:$0x3F96];
	_ =	swait.ge [sflag:s4], $0x0  }
0x19: {  	s7 =	sld [smem:$0x3F97]  }
0x1a: {  	s8 =	sadd.s32 $0xFFFFE003, lr  }
0x1b: {  	s9 =	sadd.s32 $0xFFFFFEF7, lr;
	s5 =	simm.s32 $0xFFFFFFFF;
	p2 =	slt.u32 s8, $0xFFFFF086  }
0x1c: {  	p1 =	slt.u32 s9, $0xF7A;
	s5 =	simm.s32 @!p2 $0x0  }
0x1d: {  	s5 =	simm.s32 @p1 $0x1;
	p0 =	seq.s32 s7, s2  }
0x1e: {  	s7 =	smul.u32 @!p0 $0xF7A, s2;
	p2 =	seq.s32 @!p0 s5, $0x0  }
0x1f: {  	s9 =	smul.u32 $0xF7A, s1;
	s8 =	simm.s32 @!p0 $0x1BF5;
	p2 =	por !p2, p0  }
0x20: {  	[sflag:s8] =	ssyncset.s32 @!p0 $0xFFFFF086;
	s6 =	sadd.s32 @!p0 s3, s7;
	s7 =	simm.s32 @!p0 $0x108  }
0x21: {  	s3 =	sadd.s32 s3, s9;
	s6 =	sadd.s32 @!p0 $0x88, s6;
	s7 =	simm.s32 @p2 $0x1082  }
0x22: {  	[simem:s7], [sflag:s8] =	dma.local @!p0 [hbm:s6], $0xF7A  }
0x23: {  	s9 =	sor.u32 $0xD0000000, s2;
	s6 =	simm.s32 $0x108;
	_ =	swait.ge @!p0 [sflag:s8], $0x0  }
0x24: {  	s3 =	sadd.s32 $0x88, s3;
	s6 =	simm.s32 @!p1 $0x1082;
	[sflag:s4] =	ssyncset.s32 $0xFFFFF086  }
0x25: {  	[simem:s6], [sflag:s4] =	dma.local [hbm:s3], $0xF7A  }
0x26: {  	[smem:$0x3F97] =	sst s1;
	(tag) =	ssettag s2;
	_ =	strace s9  }
0x27: {  	s1 =	sld [smem:$0x3FA7]  }
0x28: {  	s2 =	sld [smem:$0x3FA8]  }
0x29: {  	s4 =	sld [smem:$0x3FAA]  }
0x2a: {  	p0 =	seq.s32 s5, $0x0;
	s5 =	sld [smem:$0x3FAB]  }
0x2b: {  	s6 =	sld [smem:$0x3FAC]  }
0x2c: {  	s7 =	sld [smem:$0x3FAD]  }
0x2d: {  	s3 =	simm.s32 $0x108;
	s8 =	sld [smem:$0x3FAE]  }
0x2e: {  	s3 =	simm.s32 @!p0 $0x1082;
	s9 =	sld [smem:$0x3FAF]  }
0x2f: {  	lr =	sadd.s32 s0, s3;
	s0 =	sld [smem:$0x3FA6]  }
0x30: {  	s3 =	sld [smem:$0x3FA9]  }
0x31: {  	[smem:$0x3FB2] =	sst s10  }
0x32: {  	s10 =	sld [smem:$0x3FB0];
	_ =	sdelay $0x3  }
0x33: {  	p0 =	seq.s32 s10, $0x1;
	s10 =	sld [smem:$0x3FB2];
	_ =	sdelay $0x3  }
0x34: {  	[smem:$0x3FB2] =	sst s10  }
0x35: {  	s10 =	sld [smem:$0x3FB1];
	_ =	sdelay $0x3  }
0x36: {  	p1 =	seq.s32 s10, $0x1;
	s10 =	sld [smem:$0x3FB2];
	_ =	sdelay $0x3  }
0x37: {  	[smem:$0x3FB2] =	sst s10  }
0x38: {  	s10 =	sld [smem:$0x3FB3]  }
0x39: {  	_ = 	snop;
	(pc) =	sbr.ind lr, $3  }
0x3a: {  	_ = 	snop  }
0x3b: {  	_ = 	snop  }
0x3c: {  	p2 =	seq.s32 s10, $0x1;
	s10 =	sld [smem:$0x3FB2]  }
0x3d: {  	_ =	shalt  }
0x3e: {  	_ =	shalt  }
0x3f: {  	_ =	shalt  }
0x40: {  	_ =	shalt  }
0x41: {  	_ =	shalt  }
0x42: {  	_ =	shalt  }
0x43: {  	_ =	shalt  }
0x44: {  	_ =	shalt  }
0x45: {  	_ =	shalt  }
0x46: {  	_ =	shalt  }
0x47: {  	_ =	shalt  }
0x48: {  	_ =	shalt  }
0x49: {  	_ =	shalt  }
0x4a: {  	_ =	shalt  }
0x4b: {  	_ =	shalt  }
0x4c: {  	_ =	shalt  }
0x4d: {  	_ =	shalt  }
0x4e: {  	_ =	shalt  }
0x4f: {  	_ =	shalt  }
0x50: {  	_ =	shalt  }
0x51: {  	_ =	shalt  }
0x52: {  	_ =	shalt  }
0x53: {  	_ =	shalt  }
0x54: {  	_ =	shalt  }
0x55: {  	_ =	shalt  }
0x56: {  	_ =	shalt  }
0x57: {  	_ =	shalt  }
0x58: {  	_ =	shalt  }
0x59: {  	_ =	shalt  }
0x5a: {  	_ =	shalt  }
0x5b: {  	_ =	shalt  }
0x5c: {  	_ =	shalt  }
0x5d: {  	_ =	shalt  }
0x5e: {  	_ =	shalt  }
0x5f: {  	_ =	shalt  }
0x60: {  	_ =	shalt  }
0x61: {  	_ =	shalt  }
0x62: {  	_ =	shalt  }
0x63: {  	_ =	shalt  }
0x64: {  	_ =	shalt  }
0x65: {  	_ =	shalt  }
0x66: {  	_ =	shalt  }
0x67: {  	_ =	shalt  }
0x68: {  	_ =	shalt  }
0x69: {  	_ =	shalt  }
0x6a: {  	_ =	shalt  }
0x6b: {  	_ =	shalt  }
0x6c: {  	_ =	shalt  }
0x6d: {  	_ =	shalt  }
0x6e: {  	_ =	shalt  }
0x6f: {  	_ =	shalt  }
0x70: {  	_ =	shalt  }
0x71: {  	_ =	shalt  }
0x72: {  	_ =	shalt  }
0x73: {  	_ =	shalt  }
0x74: {  	_ =	shalt  }
0x75: {  	_ =	shalt  }
0x76: {  	_ =	shalt  }
0x77: {  	_ =	shalt  }
0x78: {  	_ =	shalt  }
0x79: {  	_ =	shalt  }
0x7a: {  	_ =	shalt  }
0x7b: {  	_ =	shalt  }
0x7c: {  	_ =	shalt  }
0x7d: {  	_ =	shalt  }
0x7e: {  	_ =	shalt  }
0x7f: {  	_ =	shalt  }
0x80: {  	_ =	shalt  }
0x81: {  	_ =	shalt  }
0x82: {  	_ =	shalt  }
0x83: {  	_ =	shalt  }
0x84: {  	_ =	shalt  }
0x85: {  	_ =	shalt  }
0x86: {  	_ =	shalt  }
0x87: {  	_ =	shalt  }
.Lfunc_end0:
.L_simem_size_0:
called_computation.3_lowered:
.L_overlay_start_0:
0x88: {  	s2 =	sld [smem:$0x3FD9]  }
0x89: {  	s3 =	sld [smem:$0x3FFE];
	_ =	sdelay $0x1  }
0x8a: {  	s1 =	srdreg.scid  }
0x8b: {  	s0 =	sand.u32 $0x1, s1  }
0x8c: {  	s17 =	sshll.u32 s0, $0xA;
	s2 =	sadd.s32 s3, s2  }
0x8d: {  	s2 =	sadd.s32 s2, s17  }
0x8e: {  	[smem:$0x3FBE] =	sst s2  }
0x8f: {  	_ = 	snop  }
0x90: {  	s18 =	sld [smem:$0x3FD0];
	(tm) =	ssettm $0x1  }
0x91: {  	s19 =	sld [smem:$0x3FFB];
	_ =	sdelay $0x3  }
0x92: {  	_ =	strace s19  }
0x93: {  	s2 =	sld [smem:$0x3FFC];
	_ =	sdelay $0x3  }
0x94: {  	_ =	strace s2  }
0x95: {  	s2 =	sld [smem:$0x3FFD];
	_ =	sdelay $0x3  }
0x96: {  	_ =	strace s2  }
0x97: {  	_ =	strace $0x8FFFFFFF  }
0x98: {  	s20 =	sld [smem:$0x3FDB];
	_ =	sdelay $0x1  }
0x99: {  	s4 =	simm.s32 $_scs_section_size  }
0x9a: {  	s5 =	simm.s32 $_size__tile_overlayer_lowered;
	s6 =	simm.s32 $_tile_overlayer_lowered  }
0x9b: {  	s7 =	simm.s32 $0x1BFF;
	s21 =	sshll.u32 s6, $0x1;
	s4 =	sadd.s32 s4, s20  }
0x9c: {  	s22 =	simm.s32 $0x0;
	s5 =	sshll.u32 s5, $0x1;
	s6 =	sadd.s32 s21, s4  }
0x9d: {  	[timem:s22], [sflag:s7] =	dma.local [hbm:s6], s5  }
0x9e: {  	_ =	swait.ge [sflag:s7], s5  }
0x9f: {  	s5 =	ssub.s32 $0x0, s5;
	[sflag:s7] =	ssyncset.done $0x0  }
0xa0: {  	[sflag:s7] =	ssyncadd.s32 s5;
	_ =	sdelay $0x1  }
0xa1: {  	s23 =	simm.s32 $0x1B8B  }
0xa2: {  	_ =	swait.ge [sflag:s23], $0x1  }
0xa3: {  	[sflag:s23] =	ssyncset.done $0x0  }
0xa4: {  	[sflag:s23] =	ssyncadd.s32 $0xFFFFFFFF  }
0xa5: {  	s5 =	sld [smem:$0x0]  }
0xa6: {  	s6 =	sand.u32 $0xFFFFFFFE, s1  }
0xa7: {  	p0 =	sne.s32 s1, s6  }
0xa8: {  	s6 =	sshll.u32 @p0 s6, $0xE  }
0xa9: {  	s6 =	sadd.s32 @p0 $0x11B8D, s6;
	s7 =	sshll.u32 @p0 s5, $0x11  }
0xaa: {  	s6 =	sor.u32 @p0 s7, s6  }
0xab: {  	[sflag:s6] =	ssyncadd.remote.s32 @p0 $0x1;
	_ =	sdelay $0x1  }
0xac: {  	s6 =	simm.s32 @p0 $0x1B8D  }
0xad: {  	_ =	swait.eq @p0 [sflag:s6], $0x1  }
0xae: {  	[sflag:s6] =	ssyncadd.s32 @p0 $0xFFFFFFFF  }
0xaf: {  	s7 =	sshll.u32 @!p0 s1, $0xE  }
0xb0: {  	s7 =	sor.u32 @!p0 $0x4000, s7;
	s6 =	simm.s32 @!p0 $0x1B8D  }
0xb1: {  	s5 =	sshll.u32 @!p0 s5, $0x11;
	s7 =	sadd.s32 @!p0 $0x11B8D, s7;
	_ =	swait.eq @!p0 [sflag:s6], $0x1  }
0xb2: {  	s5 =	sor.u32 @!p0 s5, s7;
	[sflag:s6] =	ssyncadd.s32 @!p0 $0xFFFFFFFF  }
0xb3: {  	s25 =	simm.s32 $0x1B8E;
	s24 =	sld [smem:$0x3FFE];
	[sflag:s5] =	ssyncadd.remote.s32 @!p0 $0x1  }
0xb4: {  	s26 =	simm.s32 $execute0_lowered;
	[smem:$0x3FD2] =	sst s25  }
0xb5: {  	s6 =	sshll.u32 s26, $0x1;
	_ =	strace $0x8000004C;
	[dreg:$0x1] =	wrdreg $0xFFFFFFFF  }
0xb6: {  	s28 =	simm.s32 $_size_execute0_lowered;
	s4 =	sadd.s32 s4, s6;
	[dreg:$0x0] =	wrdreg $0x0  }
0xb7: {  	s6 =	sshll.u32 s28, $0x1;
	[dreg:$0x2] =	wrdreg s4  }
0xb8: {  	[dreg:$0x3] =	wrdreg s6  }
0xb9: {  	[dreg:$0x4] =	wrdreg $0xC0  }
0xba: {  	_ =	task [dreg:s22], $0x5FFFF  }
0xbb: {  	[dreg:$0x1] =	wrdreg $0xFFFFFFFF  }
0xbc: {  	[dreg:$0x0] =	wrdreg $0x60  }
0xbd: {  	[dreg:$0x2] =	wrdreg s18  }
0xbe: {  	[dreg:$0x3] =	wrdreg s24  }
0xbf: {  	[dreg:$0x4] =	wrdreg $0xC  }
0xc0: {  	_ =	task.clear_ibuf [dreg:s22], $0x5FFFF;
	_ =	strace $0x9000004C  }
0xc1: {  	s29 =	simm.s32 $0xC;
	_ =	strace $0x8000004E  }
0xc2: {  	_ =	swait.ge [sflag:s29], $0x1  }
0xc3: {  	[sflag:s29] =	ssyncadd.s32 $0xFFFFFFFF  }
0xc4: {  	_ =	strace $0x9000004E  }
0xc5: {  	_ =	sfence  }
0xc6: {  	s30 =	sld [smem:$0x0];
	_ =	sdelay $0x2  }
0xc7: {  	s31 =	sshll.u32 s1, $0xD;
	s1 =	sshrl.u32 s1, $0x2  }
0xc8: {  	s4 =	sand.u32 $0x4000, s31;
	s1 =	sadd.s32 s1, s30  }
0xc9: {  	s0 =	sor.u32 s4, s0;
	s1 =	sshll.u32 s1, $0x11  }
0xca: {  	s0 =	sor.u32 s1, s0  }
0xcb: {  	s0 =	sadd.s32 $0x8F2B, s0  }
0xcc: {  	[sflag:s0] =	ssyncadd.remote.s32 $0x1  }
0xcd: {  	_ =	sfence.sel $0xFFFF  }
0xce: {  	[dreg:$0x0] =	wrdreg $0xFFFFFFFF;
	(pc) =	sbr.abs _section_cstart, $3  }
0xcf: {  	[dreg:$0x1] =	wrdreg $0xFFFFFFFF  }
0xd0: {  	_ =	task.clear_ibuf [dreg:s22], $0x2FFFF;
	_ =	strace $0x9FFFFFFF  }
0xd1: {  	(tm) =	ssettm $0x7FFFFFFF  }
tec
execute0_lowered:
.L_overlay_start_1:
0x0: {  	(tag) =	ssettag $0x1  }
0x1: {  	s1 =	rddreg [dreg:$0x0]  }
0x2: {  	s3 =	rddreg [dreg:$0x1]  }
0x3: {  	s0 =	rddreg [dreg:$0x2];
	s2 =	simm.s32 $0x0  }
0x4: {  	s4 =	srdreg.scid;
	s9 =	simm.s32 $0x14000;
	s10 =	simm.s32 $0x18000  }
0x5: {  	s11 =	simm.s32 $0x0;
	[smem:$0x7FF] =	sst s2;
	s6 =	sand.u32 $0x1, s4  }
0x6: {  	s4 =	sadd.s32 $0x187000, s3;
	s5 =	sadd.s32 $0x387000, s3;
	s7 =	ssub.s32 $0x2, s6  }
0x7: {  	s3 =	stileid.u32;
	_ =	strace $0x8000004D;
	s8 =	sshrl.u32 s7, $0x1  }
0x8: {  	s31 =	sshll.u32 s3, $0xE;
	s6 =	sshll.u32 s6, $0xD;
	s7 =	ssub.s32 s7, s8  }
0x9: {  	s6 =	sor.u32 s6, s31;
	s8 =	simm.s32 $0x1;
	s7 =	smax.u32 s7, $0x1  }
.LBB2_1:
0xa: {  	[tilespmem:s2], [sflag:$0x1] =	stream.linear.gather [hbm4b:s1+s2], $0x14000, $0x38;
	[tilespmem:$0x1C000] =	vst v63  }
0xb: {  	_ =	swait.ge [sflag:s8], $0x14000  }
0xc: {  	[sflag:s8] =	ssyncset.done $0x0  }
0xd: {  	s12 =	simm.s32 $0x0;
	[sflag:s8] =	ssyncadd.s32 $0xFFFEC000  }
.LBB2_2:
0xe: {  	s13 =	sshll.u32 s12, $0xB  }
0xf: {  	s13 =	sadd.s32 s6, s13  }
0x10: {  	s15 =	simm.s32 $0x0;
	s14 =	sadd.s32 s4, s13  }
0x11: {  	[tilespmem:s9], [sflag:$0x1] =	stream.linear.gather [hbm4b:s14+s15], $0x4000, $0x38;
	[tilespmem:$0x1C000] =	vst v63  }
0x12: {  	_ =	swait.ge [sflag:s8], $0x4000  }
0x13: {  	[sflag:s8] =	ssyncset.done $0x0  }
0x14: {  	s14 =	simm.s32 $0x0;
	[sflag:s8] =	ssyncadd.s32 $0xFFFFC000  }
0x15: {  	v0 =	vld [tilespmem:s14+$0x14000];
	_ =	sdelay $0x4  }
0x16: {  	(v2sf) =	vpush v0, $0xD  }
0x17: {  	(v2sf) =	vpush v0, $0xA  }
0x18: {  	(v2sf) =	vpush v0, $0x9  }
0x19: {  	(v2sf) =	vpush v0, $0xB  }
0x1a: {  	(v2sf) =	vpush v0, $0xC  }
0x1b: {  	(v2sf) =	vpush v0, $0xF;
	_ =	sdelay $0x1  }
0x1c: {  	(v2sf) =	vpush v0, $0x8  }
0x1d: {  	(v2sf) =	vpush v0, $0xE;
	_ =	sdelay $0x6  }
0x1e: {  	s16 =	spop (v2sf)  }
0x1f: {  	s26 =	spop (v2sf)  }
0x20: {  	s19 =	spop (v2sf)  }
0x21: {  	s17 =	spop (v2sf)  }
0x22: {  	s22 =	spop (v2sf)  }
0x23: {  	s18 =	spop (v2sf)  }
0x24: {  	s18 =	scvt.f32.s32 s18  }
0x25: {  	s15 =	scvt.f32.s32 s26;
	s23 =	spop (v2sf)  }
0x26: {  	s20 =	spop (v2sf);
	s18 =	smul.u32 $0x140, s18  }
0x27: {  	s28 =	smul.u32 $0x140, s15;
	s20 =	scvt.f32.s32 s20  }
0x28: {  	s15 =	sshra.s32 s18, $0x2  }
0x29: {  	s17 =	scvt.f32.s32 s17;
	s20 =	smul.u32 $0x140, s20;
	s18 =	sshra.s32 s28, $0x2;
	v13 =	vld [tilespmem:s15+$0x10]  }
0x2a: {  	v1 =	vld [tilespmem:s18+$0x30]  }
0x2b: {  	s16 =	scvt.f32.s32 s16;
	s17 =	smul.u32 $0x140, s17;
	v5 =	vld [tilespmem:s18+$0x40];
	s21 =	sshra.s32 s20, $0x2  }
0x2c: {  	v9 =	vld [tilespmem:s21+$0x10]  }
0x2d: {  	s16 =	smul.u32 $0x140, s16;
	s20 =	sshra.s32 s17, $0x2;
	v12 =	vld [tilespmem:s21+$0x0]  }
0x2e: {  	v6 =	vld [tilespmem:s20+$0x20]  }
0x2f: {  	s17 =	sshra.s32 s16, $0x2;
	v17 =	vld [tilespmem:s20+$0x40]  }
0x30: {  	s30 =	scvt.f32.s32 s22;
	v15 =	vld [tilespmem:s17+$0x0]  }
0x31: {  	s29 =	scvt.f32.s32 s19;
	v14 =	vld [tilespmem:s17+$0x20]  }
0x32: {  	s31 =	scvt.f32.s32 s23;
	s19 =	smul.u32 $0x140, s30;
	v16 =	vld [tilespmem:s20+$0x30]  }
0x33: {  	v4 =	vbroadcast v0, $0x2;
	s16 =	smul.u32 $0x140, s29;
	v10 =	vld [tilespmem:s20+$0x10]  }
0x34: {  	v3 =	vbroadcast v0, $0x3;
	s22 =	smul.u32 $0x140, s31;
	v7 =	vld [tilespmem:s21+$0x30]  }
0x35: {  	v8 =	vld [tilespmem:s21+$0x40];
	s23 =	sshra.s32 s16, $0x2;
	v2 =	vmul.f32 v1, v4;
	v11 =	vmul.f32 v5, v4  }
0x36: {  	s19 =	sshra.s32 s19, $0x2;
	s24 =	sshra.s32 s22, $0x2;
	s16 =	simm.s32 $0x200;
	v5 =	vmul.f32 v6, v3;
	v1 =	vmul.f32 v17, v3;
	v17 =	vld [tilespmem:s23+$0x30]  }
.LBB2_3:
0x37: {  	p0 =	sne.s32 s16, $0xFE00;
	v18 =	vld [tilespmem:s18+$0x20];
	v19 =	vbroadcast v0, $0x4;
	s22 =	smov.u32 s16;
	s16 =	sadd.s32 $0x200, s16  }
0x38: {  	v21 =	vbroadcast v0, $0x1;
	v22 =	vbroadcast v0, $0x6;
	s22 =	sshra.s32 s22, $0x2;
	v20 =	vld [tilespmem:s24+$0x40]  }
0x39: {  	v24 =	vbroadcast v0, $0x5;
	v6 =	vbroadcast v0, $0x7;
	v23 =	vld [tilespmem:s23+$0x40]  }
0x3a: {  	v7 =	vmul.f32 v7, v22;
	v25 =	vld [tilespmem:s22+$0x14000];
	v8 =	vmul.f32 v8, v22  }
0x3b: {  	v26 =	vbroadcast v0, $0x0;
	v12 =	vmul.f32 v12, v22;
	v27 =	vld [tilespmem:s24+$0x20]  }
0x3c: {  	v9 =	vmul.f32 v9, v22;
	v13 =	vmul.f32 v13, v6;
	v28 =	vld [tilespmem:s23+$0x20]  }
0x3d: {  	v15 =	vmul.f32 v15, v24;
	v29 =	vld [tilespmem:s24+$0x30];
	v32 =	vmul.f32 v20, v26  }
0x3e: {  	v16 =	vmul.f32 v16, v3;
	v14 =	vmul.f32 v14, v24;
	v20 =	vld [tilespmem:s24+$0x10]  }
0x3f: {  	v10 =	vmul.f32 v10, v3;
	v23 =	vmul.f32 v23, v21;
	v30 =	vadd.f32 $0.0e+00, v32;
	v31 =	vld [tilespmem:s21+$0x20];
	v0 =	vmovc v25  }
0x40: {  	v17 =	vmul.f32 v17, v21;
	(v2sf) =	vpush v0, $0xD;
	v25 =	vld [tilespmem:s24+$0x0];
	v27 =	vmul.f32 v27, v26  }
0x41: {  	(v2sf) =	vpush v0, $0xA;
	v32 =	vld [tilespmem:s23+$0x10];
	v28 =	vmul.f32 v28, v21;
	v23 =	vadd.f32 v23, v30  }
0x42: {  	(v2sf) =	vpush v0, $0x9;
	v27 =	vadd.f32 $0.0e+00, v27;
	v29 =	vmul.f32 v29, v26;
	v30 =	vld [tilespmem:s23+$0x0]  }
0x43: {  	(v2sf) =	vpush v0, $0xB;
	v20 =	vmul.f32 v20, v26;
	v33 =	vld [tilespmem:s18+$0x10];
	v11 =	vadd.f32 v11, v23  }
0x44: {  	v18 =	vmul.f32 v18, v4;
	(v2sf) =	vpush v0, $0xC;
	v23 =	vadd.f32 v28, v27;
	v27 =	vld [tilespmem:s18+$0x0]  }
0x45: {  	(v2sf) =	vpush v0, $0xF;
	v25 =	vmul.f32 v25, v26;
	v26 =	vadd.f32 $0.0e+00, v29;
	v28 =	vld [tilespmem:s19+$0x20]  }
0x46: {  	v20 =	vadd.f32 $0.0e+00, v20;
	(v2sf) =	vpush v0, $0x8;
	v29 =	vmul.f32 v32, v21;
	v32 =	vld [tilespmem:s20+$0x0]  }
0x47: {  	(v2sf) =	vpush v0, $0xE;
	v25 =	vadd.f32 $0.0e+00, v25;
	v21 =	vmul.f32 v30, v21;
	v30 =	vld [tilespmem:s19+$0x10]  }
0x48: {  	v18 =	vadd.f32 v18, v23;
	v20 =	vadd.f32 v29, v20;
	v29 =	vmul.f32 v33, v4;
	v23 =	vld [tilespmem:s19+$0x0]  }
0x49: {  	v17 =	vadd.f32 v17, v26;
	v21 =	vadd.f32 v21, v25;
	v4 =	vmul.f32 v27, v4;
	v25 =	vld [tilespmem:s17+$0x10]  }
0x4a: {  	v5 =	vadd.f32 v5, v18;
	v20 =	vadd.f32 v29, v20;
	v18 =	vmul.f32 v28, v19;
	v26 =	vld [tilespmem:s19+$0x40]  }
0x4b: {  	v2 =	vadd.f32 v2, v17;
	v4 =	vadd.f32 v4, v21;
	v3 =	vmul.f32 v32, v3;
	v17 =	vld [tilespmem:s19+$0x30]  }
0x4c: {  	v22 =	vmul.f32 v31, v22;
	v10 =	vadd.f32 v10, v20;
	v20 =	vmul.f32 v30, v19;
	v21 =	vld [tilespmem:s17+$0x40]  }
0x4d: {  	v5 =	vadd.f32 v18, v5;
	v3 =	vadd.f32 v3, v4;
	v4 =	vmul.f32 v23, v19;
	v18 =	vld [tilespmem:s17+$0x30]  }
0x4e: {  	v2 =	vadd.f32 v16, v2;
	v10 =	vadd.f32 v20, v10;
	v16 =	vmul.f32 v25, v24;
	v20 =	vld [tilespmem:s15+$0x0]  }
0x4f: {  	v1 =	vadd.f32 v1, v11;
	s17 =	spop (v2sf);
	v3 =	vadd.f32 v4, v3;
	v4 =	vmul.f32 v26, v19;
	v11 =	vld [tilespmem:s15+$0x30]  }
0x50: {  	v5 =	vadd.f32 v14, v5;
	s17 =	scvt.f32.s32 s17;
	s18 =	spop (v2sf);
	v17 =	vmul.f32 v17, v19;
	v10 =	vadd.f32 v16, v10;
	v14 =	vld [tilespmem:s15+$0x40]  }
0x51: {  	s18 =	scvt.f32.s32 s18;
	s19 =	spop (v2sf);
	v1 =	vadd.f32 v4, v1;
	v3 =	vadd.f32 v15, v3;
	v4 =	vmul.f32 v21, v24;
	v15 =	vld [tilespmem:s15+$0x20]  }
0x52: {  	s15 =	scvt.f32.s32 s19;
	s19 =	spop (v2sf);
	v2 =	vadd.f32 v17, v2;
	v16 =	vmul.f32 v18, v24;
	v9 =	vadd.f32 v9, v10  }
0x53: {  	s18 =	smul.u32 $0x140, s18;
	s20 =	spop (v2sf);
	v1 =	vadd.f32 v4, v1;
	v3 =	vadd.f32 v12, v3;
	v4 =	vmul.f32 v20, v6  }
0x54: {  	s19 =	scvt.f32.s32 s19;
	s21 =	spop (v2sf);
	v2 =	vadd.f32 v16, v2;
	v9 =	vadd.f32 v13, v9;
	v10 =	vmul.f32 v11, v6  }
0x55: {  	s15 =	smul.u32 $0x140, s15;
	s18 =	sshra.s32 s18, $0x2;
	s23 =	spop (v2sf);
	v1 =	vadd.f32 v8, v1;
	v3 =	vadd.f32 v4, v3;
	v4 =	vmul.f32 v14, v6  }
0x56: {  	v5 =	vadd.f32 v22, v5;
	s19 =	smul.u32 $0x140, s19;
	s24 =	spop (v2sf);
	v2 =	vadd.f32 v7, v2;
	v6 =	vmul.f32 v15, v6;
	[tilespmem:s14+$0x18010] =	vst v9  }
0x57: {  	s25 =	scvt.f32.s32 s23;
	s23 =	sshra.s32 s15, $0x2;
	s15 =	scvt.f32.s32 s24;
	v1 =	vadd.f32 v4, v1;
	[tilespmem:s14+$0x18000] =	vst v3  }
0x58: {  	s26 =	scvt.f32.s32 s21;
	s24 =	scvt.f32.s32 s20;
	v3 =	vadd.f32 v6, v5;
	v2 =	vadd.f32 v10, v2  }
0x59: {  	s20 =	sshra.s32 s19, $0x2;
	s15 =	smul.u32 $0x140, s15;
	[tilespmem:s14+$0x18040] =	vst v1  }
0x5a: {  	s19 =	smul.u32 $0x140, s24;
	[tilespmem:s14+$0x18020] =	vst v3  }
0x5b: {  	s21 =	sshra.s32 s15, $0x2;
	s15 =	smul.u32 $0x140, s26;
	[tilespmem:s14+$0x18030] =	vst v2;
	s14 =	smov.u32 s22  }
0x5c: {  	s22 =	smul.u32 $0x140, s25;
	s19 =	sshra.s32 s19, $0x2;
	v9 =	vld [tilespmem:s21+$0x10]  }
0x5d: {  	v12 =	vld [tilespmem:s21+$0x0];
	s15 =	sshra.s32 s15, $0x2  }
0x5e: {  	s24 =	sshra.s32 s22, $0x2;
	v13 =	vld [tilespmem:s15+$0x10]  }
0x5f: {  	v1 =	vld [tilespmem:s18+$0x30]  }
0x60: {  	s17 =	smul.u32 $0x140, s17;
	v5 =	vld [tilespmem:s18+$0x40]  }
0x61: {  	v6 =	vld [tilespmem:s20+$0x20]  }
0x62: {  	s17 =	sshra.s32 s17, $0x2;
	v4 =	vbroadcast v0, $0x2;
	v7 =	vld [tilespmem:s20+$0x40]  }
0x63: {  	v15 =	vld [tilespmem:s17+$0x0]  }
0x64: {  	v3 =	vbroadcast v0, $0x3;
	v2 =	vmul.f32 v1, v4;
	v14 =	vld [tilespmem:s17+$0x20]  }
.Ltmp0:
0x65: {  	v11 =	vmul.f32 v5, v4;
	v16 =	vld [tilespmem:s20+$0x30];
	(pc) =	sbr.rel @p0 .LBB2_3-.Ltmp0, $4  }
0x66: {  	v10 =	vld [tilespmem:s20+$0x10];
	v5 =	vmul.f32 v6, v3  }
0x67: {  	v1 =	vmul.f32 v7, v3;
	v7 =	vld [tilespmem:s21+$0x30]  }
0x68: {  	v8 =	vld [tilespmem:s21+$0x40]  }
0x69: {  	v17 =	vld [tilespmem:s23+$0x30]  }
0x6a: {  	v18 =	vld [tilespmem:s24+$0x40]  }
0x6b: {  	v19 =	vbroadcast v0, $0x4;
	v21 =	vld [tilespmem:s23+$0x40]  }
0x6c: {  	v20 =	vbroadcast v0, $0x1;
	v22 =	vbroadcast v0, $0x6;
	v24 =	vld [tilespmem:s24+$0x20]  }
0x6d: {  	v23 =	vbroadcast v0, $0x5;
	v25 =	vbroadcast v0, $0x7;
	v26 =	vld [tilespmem:s23+$0x20]  }
0x6e: {  	v58 =	vbroadcast v0, $0x0;
	v27 =	vld [tilespmem:s24+$0x30];
	v16 =	vmul.f32 v16, v3  }
0x6f: {  	v28 =	vld [tilespmem:s24+$0x10];
	v10 =	vmul.f32 v10, v3;
	v7 =	vmul.f32 v7, v22  }
0x70: {  	v29 =	vld [tilespmem:s24+$0x0];
	v12 =	vmul.f32 v12, v22;
	v9 =	vmul.f32 v9, v22  }
0x71: {  	v30 =	vld [tilespmem:s23+$0x10];
	v13 =	vmul.f32 v13, v25;
	v15 =	vmul.f32 v15, v23  }
0x72: {  	v6 =	vld [tilespmem:s18+$0x20];
	v14 =	vmul.f32 v14, v23;
	v17 =	vmul.f32 v17, v20  }
0x73: {  	v31 =	vld [tilespmem:s23+$0x0];
	v18 =	vmul.f32 v18, v58;
	v21 =	vmul.f32 v21, v20  }
0x74: {  	v32 =	vld [tilespmem:s18+$0x0];
	v24 =	vmul.f32 v24, v58;
	v26 =	vmul.f32 v26, v20  }
0x75: {  	v63 =	vld [tilespmem:s20+$0x0];
	v28 =	vmul.f32 v28, v58;
	v27 =	vmul.f32 v27, v58  }
0x76: {  	v59 =	vld [tilespmem:s18+$0x10];
	v0 =	vmul.f32 v29, v58;
	v62 =	vmul.f32 v30, v20  }
0x77: {  	v60 =	vld [tilespmem:s19+$0x20];
	v6 =	vmul.f32 v6, v4;
	v18 =	vadd.f32 $0.0e+00, v18;
	v24 =	vadd.f32 $0.0e+00, v24  }
0x78: {  	v33 =	vld [tilespmem:s19+$0x10];
	v20 =	vmul.f32 v31, v20;
	v61 =	vadd.f32 $0.0e+00, v28;
	v0 =	vadd.f32 $0.0e+00, v0  }
0x79: {  	v34 =	vld [tilespmem:s19+$0x0];
	v35 =	vmul.f32 v32, v4;
	v27 =	vadd.f32 $0.0e+00, v27;
	v18 =	vadd.f32 v21, v18  }
0x7a: {  	v36 =	vld [tilespmem:s17+$0x10];
	v38 =	vmul.f32 v63, v3;
	v24 =	vadd.f32 v26, v24;
	v26 =	vadd.f32 v62, v61  }
0x7b: {  	v37 =	vld [tilespmem:s19+$0x40];
	v21 =	vmul.f32 v59, v4;
	v0 =	vadd.f32 v20, v0;
	v17 =	vadd.f32 v17, v27  }
0x7c: {  	v39 =	vld [tilespmem:s19+$0x30];
	v40 =	vmul.f32 v60, v19;
	v11 =	vadd.f32 v11, v18;
	v6 =	vadd.f32 v6, v24  }
0x7d: {  	v41 =	vmul.f32 v33, v19;
	v21 =	vadd.f32 v21, v26;
	v0 =	vadd.f32 v35, v0  }
0x7e: {  	v42 =	vld [tilespmem:s17+$0x40];
	v43 =	vmul.f32 v34, v19;
	v2 =	vadd.f32 v2, v17;
	v5 =	vadd.f32 v5, v6  }
0x7f: {  	v44 =	vld [tilespmem:s17+$0x30];
	v47 =	vmul.f32 v36, v23;
	v10 =	vadd.f32 v10, v21;
	v0 =	vadd.f32 v38, v0  }
0x80: {  	v45 =	vld [tilespmem:s21+$0x20];
	v49 =	vmul.f32 v37, v19;
	v2 =	vadd.f32 v16, v2;
	v1 =	vadd.f32 v1, v11  }
0x81: {  	v48 =	vld [tilespmem:s15+$0x0];
	v50 =	vmul.f32 v39, v19;
	v5 =	vadd.f32 v40, v5;
	v46 =	vadd.f32 v41, v10  }
0x82: {  	v52 =	vld [tilespmem:s15+$0x40];
	v8 =	vmul.f32 v8, v22;
	v0 =	vadd.f32 v43, v0;
	v1 =	vadd.f32 v49, v1  }
0x83: {  	v54 =	vld [tilespmem:s15+$0x20];
	v53 =	vmul.f32 v42, v23;
	v2 =	vadd.f32 v50, v2;
	v51 =	vadd.f32 v47, v46  }
0x84: {  	v55 =	vld [tilespmem:s15+$0x30];
	v56 =	vmul.f32 v44, v23;
	v5 =	vadd.f32 v14, v5;
	v0 =	vadd.f32 v15, v0  }
0x85: {  	v57 =	vmul.f32 v45, v22;
	v1 =	vadd.f32 v53, v1;
	v4 =	vadd.f32 v9, v51  }
0x86: {  	v58 =	vmul.f32 v48, v25;
	v2 =	vadd.f32 v56, v2;
	v0 =	vadd.f32 v12, v0  }
0x87: {  	v60 =	vmul.f32 v52, v25;
	v1 =	vadd.f32 v8, v1;
	v59 =	vadd.f32 v13, v4  }
0x88: {  	v61 =	vmul.f32 v54, v25;
	v5 =	vadd.f32 v57, v5;
	v0 =	vadd.f32 v58, v0  }
0x89: {  	v62 =	vmul.f32 v55, v25;
	v2 =	vadd.f32 v7, v2;
	v1 =	vadd.f32 v60, v1;
	[tilespmem:s14+$0x18010] =	vst v59  }
0x8a: {  	v63 =	vadd.f32 v61, v5;
	[tilespmem:s14+$0x18000] =	vst v0  }
0x8b: {  	s12 =	sadd.s32 $0x1, s12;
	v2 =	vadd.f32 v62, v2;
	[tilespmem:s14+$0x18040] =	vst v1  }
0x8c: {  	p0 =	sne.s32 s12, $0x4;
	[tilespmem:s14+$0x18020] =	vst v63  }
.Ltmp1:
0x8d: {  	s13 =	sadd.s32 s5, s13;
	[tilespmem:s14+$0x18030] =	vst v2;
	(pc) =	sbr.rel @p0 .LBB2_2-.Ltmp1, $4  }
0x8e: {  	[hbm4b:s13+s2] =	stream.linear.scatter [tilespmem:s10], [sflag:$0x1], $0x4000, $0x38;
	[tilespmem:$0x1C000] =	vst v63  }
0x8f: {  	_ =	swait.ge [sflag:s8], $0x4000  }
0x90: {  	[sflag:s8] =	ssyncset.done $0x0  }
0x91: {  	[sflag:s8] =	ssyncadd.s32 $0xFFFFC000  }
0x92: {  	s11 =	sadd.s32 $0x1, s11  }
0x93: {  	p0 =	sne.s32 s11, s7  }
.Ltmp2:
0x94: {  	_ = 	snop;
	(pc) =	sbr.rel @p0 .LBB2_1-.Ltmp2, $1  }
0x95: {  	_ =	sdelay $0x3  }
0x96: {  	_ =	sfence.sel $0x180000  }
0x97: {  	[bflag:$0x0] =	sbarrier.arrive $0xFFFF  }
0x98: {  	p0 =	sne.s32 s3, $0x0;
	_ =	strace $0x9000004D  }
0x99: {  	s0 =	sadd.s32 @!p0 $0x100000, s0;
	[bflag:$0x2] =	sbarrier.arrive $0xFFFF  }
0x9a: {  	[sflag:s0] =	ssyncadd.tile.s32 @!p0 $0x1;
	_ =	shalt  }
.Lfunc_end2:
_tile_overlayer_lowered:
.L_overlay_start_2:
0x9b: {  	(tag) =	ssettag $0x2  }
0x9c: {  	s0 =	rddreg [dreg:$0x0];
	s2 =	stileid.u32  }
0x9d: {  	s1 =	rddreg [dreg:$0x1];
	p0 =	sne.s32 s2, $0x0  }
0x9e: {  	s3 =	rddreg [dreg:$0x2];
	[bflag:$0x3] =	sbarrier.arrive $0xFFFF;
	s2 =	simm.s32 @!p0 $0x1C01  }
0x9f: {  	[timem:s3], [sflag:s2] =	dma.local @!p0 [hbm:s0], s1  }
0xa0: {  	s0 =	simm.s32 @!p0 $0x1  }
0xa1: {  	_ =	swait.ge @!p0 [sflag:s0], s1  }
0xa2: {  	s1 =	ssub.s32 @!p0 $0x0, s1;
	[sflag:s0] =	ssyncset.done @!p0 $0x0  }
0xa3: {  	[sflag:s0] =	ssyncadd.s32 @!p0 s1  }
0xa4: {  	[bflag:$0x3] =	sbarrier.arrive $0xFFFF  }
0xa5: {  	_ =	shalt  }

</sc_bundles>
